<compile_context>
chip_gen: v7x
topology: tpu7x:2x2x1
jax: 0.10.2.dev20260603
libtpu: 0.0.44.dev20260713+nightly
codegen_flags: <defaults>
</compile_context>

<pallas_src>
import functools

import jax
import jax.numpy as jnp
from jax import lax
from jax.experimental import pallas as pl
from jax.experimental.pallas import tpu as pltpu
from jax.experimental.pallas import tpu_sc as plsc

_N = 10000
_D = 128
_E = 320000
_CHUNK = 128
_NW = 32
_K = 80
_K0 = 152
_K1 = 8
_STAGE = 8
_E_PAD = _NW * _K * _CHUNK
_ROWS_PER_TILE = 632
_N_ACC = _ROWS_PER_TILE * 16
_ROW_BLK = 1000

_sc_mesh = plsc.VectorSubcoreMesh(core_axis_name="c", subcore_axis_name="s")


@functools.partial(
    pl.kernel, mesh=_sc_mesh,
    out_type=jax.ShapeDtypeStruct((2, _N_ACC, _D), jnp.float32),
    scratch_types=[
        pltpu.VMEM((_K, _CHUNK), jnp.int32),
        pltpu.VMEM((_CHUNK, _D), jnp.float32),
        pltpu.VMEM_SHARED((_N_ACC, _D), jnp.float32),
    ])
def _deg_pass(dst_hbm, d_hbm, dstv, ones, dacc):
    c = lax.axis_index("c")
    s = lax.axis_index("s")
    w = c * 16 + s
    base = s * _ROWS_PER_TILE
    pltpu.sync_copy(dst_hbm.at[pl.ds(w * _K, _K)], dstv)

    def _zf(i, carry):
        for t in range(_D // 16):
            ones[i, pl.ds(t * 16, 16)] = jnp.zeros((16,), jnp.float32)
        return carry
    lax.fori_loop(0, _CHUNK, _zf, 0)
    for off in range(0, _ROWS_PER_TILE, _CHUNK):
        sz = min(_CHUNK, _ROWS_PER_TILE - off)
        pltpu.sync_copy(ones.at[pl.ds(0, sz)],
                        dacc.at[pl.ds(base + off, sz)])

    def _of(i, carry):
        for t in range(_D // 16):
            ones[i, pl.ds(t * 16, 16)] = jnp.ones((16,), jnp.float32)
        return carry
    lax.fori_loop(0, _CHUNK, _of, 0)
    plsc.subcore_barrier()

    def _body(j, carry):
        pltpu.sync_copy(ones, dacc.at[dstv.at[j]], add=True)
        return carry
    lax.fori_loop(0, _K, _body, 0)

    plsc.subcore_barrier()
    pltpu.sync_copy(dacc.at[pl.ds(base, _ROWS_PER_TILE)],
                    d_hbm.at[c, pl.ds(base, _ROWS_PER_TILE)])


@functools.partial(
    pl.kernel, mesh=_sc_mesh,
    out_type=jax.ShapeDtypeStruct((2, _N_ACC, _D), jnp.float32),
    scratch_types=[
        pltpu.VMEM((_STAGE, _CHUNK), jnp.int32),
        pltpu.VMEM((_STAGE, _CHUNK), jnp.int32),
        pltpu.VMEM((_CHUNK, _D), jnp.float32),
        pltpu.VMEM((_CHUNK, _D), jnp.float32),
        pltpu.VMEM_SHARED((_N_ACC, _D), jnp.float32),
        pltpu.SemaphoreType.DMA,
        pltpu.SemaphoreType.DMA,
    ])
def _edge_pass(y_hbm, src_hbm, dst_hbm, p_hbm, srcv, dstv, bufa, bufb, acc,
               sem_a, sem_b):
    c = lax.axis_index("c")
    s = lax.axis_index("s")
    base = s * _ROWS_PER_TILE
    bufs = (bufa, bufb)
    sems = (sem_a, sem_b)
    start = jnp.where(c == 0, _K0 * s, 16 * _K0 + _K1 * s)
    n_stages = jnp.where(c == 0, _K0 // _STAGE, _K1 // _STAGE)

    def _zrow(i, carry):
        for t in range(_D // 16):
            bufa[i, pl.ds(t * 16, 16)] = jnp.zeros((16,), jnp.float32)
        return carry
    lax.fori_loop(0, _CHUNK, _zrow, 0)
    for off in range(0, _ROWS_PER_TILE, _CHUNK):
        sz = min(_CHUNK, _ROWS_PER_TILE - off)
        pltpu.sync_copy(bufa.at[pl.ds(0, sz)],
                        acc.at[pl.ds(base + off, sz)])
    plsc.subcore_barrier()

    def _gather(jj, buf, sem):
        pltpu.async_copy(y_hbm.at[srcv.at[jj]], buf, sem)

    def _gwait(jj, buf, sem):
        pltpu.make_async_copy(y_hbm.at[srcv.at[jj]], buf, sem).wait()

    @pl.when(n_stages > 0)
    def _():
        pltpu.sync_copy(src_hbm.at[pl.ds(start, _STAGE)], srcv)
        pltpu.sync_copy(dst_hbm.at[pl.ds(start, _STAGE)], dstv)
        _gather(0, bufa, sem_a)
        _gather(1, bufb, sem_b)

    def _stage(t, carry):
        def _body(i, carry):
            for b in range(2):
                jj = 2 * i + b
                _gwait(jj, bufs[b], sems[b])
                pltpu.sync_copy(bufs[b], acc.at[dstv.at[jj]], add=True)

                @pl.when(jj + 2 < _STAGE)
                def _():
                    _gather(jj + 2, bufs[b], sems[b])
            return carry
        lax.fori_loop(0, _STAGE // 2, _body, 0)

        @pl.when(t + 1 < n_stages)
        def _():
            off = start + (t + 1) * _STAGE
            pltpu.sync_copy(src_hbm.at[pl.ds(off, _STAGE)], srcv)
            pltpu.sync_copy(dst_hbm.at[pl.ds(off, _STAGE)], dstv)
            _gather(0, bufa, sem_a)
            _gather(1, bufb, sem_b)
        return carry
    lax.fori_loop(0, n_stages, _stage, 0)

    plsc.subcore_barrier()
    pltpu.sync_copy(acc.at[pl.ds(base, _ROWS_PER_TILE)],
                    p_hbm.at[c, pl.ds(base, _ROWS_PER_TILE)])


def _mm_body(x_ref, w_ref, o_ref):
    o_ref[...] = jnp.dot(x_ref[...], w_ref[...],
                         preferred_element_type=jnp.float32)


def _tc_matmul(x, w):
    return pl.pallas_call(
        _mm_body,
        grid=(_N // _ROW_BLK,),
        in_specs=[pl.BlockSpec((_ROW_BLK, _D), lambda i: (i, 0)),
                  pl.BlockSpec((_D, _D), lambda i: (0, 0))],
        out_specs=pl.BlockSpec((_ROW_BLK, _D), lambda i: (i, 0)),
        out_shape=jax.ShapeDtypeStruct((_N, _D), jnp.float32),
    )(x, w)


def _mid_body(p_ref, d_ref, b_ref, w_ref, o_ref):
    agg = p_ref[0] + p_ref[1]
    deg = d_ref[0] + d_ref[1]
    inv = 1.0 / jnp.maximum(deg[:, 0:1], 1.0)
    h = jnp.maximum(agg * inv + b_ref[...], 0.0)
    o_ref[...] = jnp.dot(h, w_ref[...], preferred_element_type=jnp.float32)


def _tc_mid(p, d, b, w):
    return pl.pallas_call(
        _mid_body,
        grid=(_N // _ROW_BLK,),
        in_specs=[pl.BlockSpec((2, _ROW_BLK, _D), lambda i: (0, i, 0)),
                  pl.BlockSpec((2, _ROW_BLK, _D), lambda i: (0, i, 0)),
                  pl.BlockSpec((1, _D), lambda i: (0, 0)),
                  pl.BlockSpec((_D, _D), lambda i: (0, 0))],
        out_specs=pl.BlockSpec((_ROW_BLK, _D), lambda i: (i, 0)),
        out_shape=jax.ShapeDtypeStruct((_N, _D), jnp.float32),
    )(p, d, b, w)


def _fin_body(q_ref, d_ref, b_ref, o_ref):
    agg = q_ref[0] + q_ref[1]
    deg = d_ref[0] + d_ref[1]
    o_ref[...] = agg / jnp.maximum(deg[:, 0:1], 1.0) + b_ref[...]


def _tc_fin(q, d, b):
    return pl.pallas_call(
        _fin_body,
        grid=(_N // _ROW_BLK,),
        in_specs=[pl.BlockSpec((2, _ROW_BLK, _D), lambda i: (0, i, 0)),
                  pl.BlockSpec((2, _ROW_BLK, _D), lambda i: (0, i, 0)),
                  pl.BlockSpec((1, _D), lambda i: (0, 0))],
        out_specs=pl.BlockSpec((_ROW_BLK, _D), lambda i: (i, 0)),
        out_shape=jax.ShapeDtypeStruct((_N, _D), jnp.float32),
    )(q, d, b)


def kernel(embedded_nodes, edges, W1, b1, W2, b2):
    pad = _E_PAD - _E
    srcp = jnp.concatenate(
        [edges[0], jnp.zeros((pad,), jnp.int32)]).reshape(_NW * _K, _CHUNK)
    dst_pad = _N + jnp.arange(pad, dtype=jnp.int32) % (_N_ACC - _N)
    dstp = jnp.concatenate([edges[1], dst_pad]).reshape(_NW * _K, _CHUNK)
    b1r = b1.reshape(1, _D)
    b2r = b2.reshape(1, _D)

    dsum = _deg_pass(dstp)
    y1 = _tc_matmul(embedded_nodes, W1)
    p = _edge_pass(y1, srcp, dstp)
    d_t = dsum[:, :_N, :]
    y2 = _tc_mid(p[:, :_N, :], d_t, b1r, W2)
    q = _edge_pass(y2, srcp, dstp)
    return _tc_fin(q[:, :_N, :], d_t, b2r)

# --- scband reference (transcript-rebuilt; emitter-appended) ---
"""Pipeline reference for scband-gnnencoder-43009802502562 (READ-ONLY COPY).

The authoritative reference and input builder live on the scoring server;
editing this copy changes nothing except your own understanding.
"""

import jax, jax.numpy as jnp
import numpy as np

N = 10000
E = 320000
D_EMB = 128
D_HID = 128


def setup_inputs(seed: int = 0) -> dict:
    key = jax.random.key(seed)
    ks = jax.random.split(key, 6)
    embedded_nodes = jax.random.normal(ks[0], (N, D_EMB), dtype=jnp.float32)
    edges = jax.random.randint(ks[1], (2, E), 0, N, dtype=jnp.int32)
    s1 = 1.0 / np.sqrt(D_EMB)
    W1 = jax.random.uniform(ks[2], (D_EMB, D_HID), jnp.float32, -s1, s1)
    b1 = jnp.zeros((D_HID,), jnp.float32)
    s2 = 1.0 / np.sqrt(D_HID)
    W2 = jax.random.uniform(ks[3], (D_HID, D_HID), jnp.float32, -s2, s2)
    b2 = jnp.zeros((D_HID,), jnp.float32)
    return {"embedded_nodes": embedded_nodes, "edges": edges, "W1": W1, "b1": b1, "W2": W2, "b2": b2}


def _gcn_layer(x, src, dst, W, b):
    # transform then mean-aggregate messages at destination nodes
    msgs = jnp.take(x, src, axis=0) @ W
    agg = jax.ops.segment_sum(msgs, dst, num_segments=N)
    deg = jax.ops.segment_sum(jnp.ones((src.shape[0],), x.dtype), dst, num_segments=N)
    return agg / jnp.clip(deg, 1.0)[:, None] + b


def reference(embedded_nodes, edges, W1, b1, W2, b2):
    # rnn_cell == 'none' branch: ast_enc = embedded_nodes, then stacked GCN layers
    src, dst = edges[0], edges[1]
    h = jax.nn.relu(_gcn_layer(embedded_nodes, src, dst, W1, b1))
    h = _gcn_layer(h, src, dst, W2, b2)
    return h

if __name__ == "__main__":
    import jax
    _d = setup_inputs()
    print(jax.jit(kernel)(*tuple(_d.values())))

</pallas_src>

<mosaic_0001>
#map = affine_map<(d0, d1) -> (0, 0)>
#map1 = affine_map<(d0, d1) -> (0, 0, 0)>
module attributes {stable_mosaic.version = 14 : i64} {
  func.func @_edge_pass(%arg0: i32, %arg1: i32, %arg2: memref<10000x128xf32, #tpu.memory_space<hbm>>, %arg3: memref<2560x128xi32, #tpu.memory_space<hbm>>, %arg4: memref<2560x128xi32, #tpu.memory_space<hbm>>, %arg5: memref<2x10112x128xf32, #tpu.memory_space<hbm>>, %arg6: memref<8x128xi32, #tpu.memory_space<vmem>>, %arg7: memref<8x128xi32, #tpu.memory_space<vmem>>, %arg8: memref<128x128xf32, #tpu.memory_space<vmem>>, %arg9: memref<128x128xf32, #tpu.memory_space<vmem>>, %arg10: memref<10112x128xf32, #tpu.memory_space<vmem_shared>>, %arg11: memref<!tpu.dma_semaphore, #tpu.memory_space<semaphore_mem>>, %arg12: memref<!tpu.dma_semaphore, #tpu.memory_space<semaphore_mem>>) attributes {dimension_semantics = [#tpu.dimension_semantics<core_parallel>, #tpu.dimension_semantics<subcore_parallel>], iteration_bounds = array<i64: 2, 16>, scalar_prefetch = 0 : i64, scratch_operands = 7 : i64, tpu.core_type = #tpu.core_type<sc_vector_subcore>, window_params = [{transform_indices = #map}, {transform_indices = #map}, {transform_indices = #map}, {transform_indices = #map1}]} {
    %mul3A = arith.constant 632 : i32
    %mul3A_0 = arith.muli %arg1, %mul3A : i32
    %eq3A = arith.constant 0 : i32
    %eq3A_1 = arith.cmpi eq, %arg0, %eq3A : i32
    %mul3A_2 = arith.constant 152 : i32
    %mul3A_3 = arith.muli %mul3A_2, %arg1 : i32
    %mul3A_4 = arith.constant 8 : i32
    %mul3A_5 = arith.muli %mul3A_4, %arg1 : i32
    %add3A = arith.constant 2432 : i32
    %add3A_6 = arith.addi %add3A, %mul3A_5 : i32
    %select_n3A = arith.select %eq3A_1, %mul3A_3, %add3A_6 : i32
    %eq3A_7 = arith.constant 0 : i32
    %eq3A_8 = arith.cmpi eq, %arg0, %eq3A_7 : i32
    %jit3A = arith.constant 19 : i32
    %jit3A_9 = arith.constant 1 : i32
    %select_n3A_10 = arith.select %eq3A_8, %jit3A, %jit3A_9 : i32
    %scan3A = arith.constant 0 : i32
    %scan3A_11 = arith.constant 0 : i32
    %scan3A_12 = arith.constant 128 : i32
    %scan3A_13 = arith.addi %scan3A_11, %scan3A_12 : i32
    %scan3A_14 = arith.constant 1 : i32
    scf.for %scan3A_38 = %scan3A_11 to %scan3A_13 step %scan3A_14  : i32 {
      %broadcast_in_dim3A = arith.constant 0.000000e+00 : f32
      %broadcast_in_dim3A_39 = vector.broadcast %broadcast_in_dim3A : f32 to vector<16xf32>
      %swap3A = arith.index_cast %scan3A_38 : i32 to index
      %swap3A_40 = arith.constant 0 : index
      %swap3A_41 = tpu.vector_load %arg8[%swap3A, %swap3A_40] {strides = array<i32>} : memref<128x128xf32, #tpu.memory_space<vmem>>, vector<1x16xf32>,
      %swap3A_42 = vector.shape_cast %swap3A_41 : vector<1x16xf32> to vector<16xf32>
      %swap3A_43 = vector.shape_cast %broadcast_in_dim3A_39 : vector<16xf32> to vector<1x16xf32>
      tpu.vector_store %arg8[%swap3A, %swap3A_40], %swap3A_43 {strides = array<i32>} : memref<128x128xf32, #tpu.memory_space<vmem>>, vector<1x16xf32>,
      %broadcast_in_dim3A_44 = arith.constant 0.000000e+00 : f32
      %broadcast_in_dim3A_45 = vector.broadcast %broadcast_in_dim3A_44 : f32 to vector<16xf32>
      %swap3A_46 = arith.index_cast %scan3A_38 : i32 to index
      %swap3A_47 = arith.constant 16 : index
      %swap3A_48 = tpu.vector_load %arg8[%swap3A_46, %swap3A_47] {strides = array<i32>} : memref<128x128xf32, #tpu.memory_space<vmem>>, vector<1x16xf32>,
      %swap3A_49 = vector.shape_cast %swap3A_48 : vector<1x16xf32> to vector<16xf32>
      %swap3A_50 = vector.shape_cast %broadcast_in_dim3A_45 : vector<16xf32> to vector<1x16xf32>
      tpu.vector_store %arg8[%swap3A_46, %swap3A_47], %swap3A_50 {strides = array<i32>} : memref<128x128xf32, #tpu.memory_space<vmem>>, vector<1x16xf32>,
      %broadcast_in_dim3A_51 = arith.constant 0.000000e+00 : f32
      %broadcast_in_dim3A_52 = vector.broadcast %broadcast_in_dim3A_51 : f32 to vector<16xf32>
      %swap3A_53 = arith.index_cast %scan3A_38 : i32 to index
      %swap3A_54 = arith.constant 32 : index
      %swap3A_55 = tpu.vector_load %arg8[%swap3A_53, %swap3A_54] {strides = array<i32>} : memref<128x128xf32, #tpu.memory_space<vmem>>, vector<1x16xf32>,
      %swap3A_56 = vector.shape_cast %swap3A_55 : vector<1x16xf32> to vector<16xf32>
      %swap3A_57 = vector.shape_cast %broadcast_in_dim3A_52 : vector<16xf32> to vector<1x16xf32>
      tpu.vector_store %arg8[%swap3A_53, %swap3A_54], %swap3A_57 {strides = array<i32>} : memref<128x128xf32, #tpu.memory_space<vmem>>, vector<1x16xf32>,
      %broadcast_in_dim3A_58 = arith.constant 0.000000e+00 : f32
      %broadcast_in_dim3A_59 = vector.broadcast %broadcast_in_dim3A_58 : f32 to vector<16xf32>
      %swap3A_60 = arith.index_cast %scan3A_38 : i32 to index
      %swap3A_61 = arith.constant 48 : index
      %swap3A_62 = tpu.vector_load %arg8[%swap3A_60, %swap3A_61] {strides = array<i32>} : memref<128x128xf32, #tpu.memory_space<vmem>>, vector<1x16xf32>,
      %swap3A_63 = vector.shape_cast %swap3A_62 : vector<1x16xf32> to vector<16xf32>
      %swap3A_64 = vector.shape_cast %broadcast_in_dim3A_59 : vector<16xf32> to vector<1x16xf32>
      tpu.vector_store %arg8[%swap3A_60, %swap3A_61], %swap3A_64 {strides = array<i32>} : memref<128x128xf32, #tpu.memory_space<vmem>>, vector<1x16xf32>,
      %broadcast_in_dim3A_65 = arith.constant 0.000000e+00 : f32
      %broadcast_in_dim3A_66 = vector.broadcast %broadcast_in_dim3A_65 : f32 to vector<16xf32>
      %swap3A_67 = arith.index_cast %scan3A_38 : i32 to index
      %swap3A_68 = arith.constant 64 : index
      %swap3A_69 = tpu.vector_load %arg8[%swap3A_67, %swap3A_68] {strides = array<i32>} : memref<128x128xf32, #tpu.memory_space<vmem>>, vector<1x16xf32>,
      %swap3A_70 = vector.shape_cast %swap3A_69 : vector<1x16xf32> to vector<16xf32>
      %swap3A_71 = vector.shape_cast %broadcast_in_dim3A_66 : vector<16xf32> to vector<1x16xf32>
      tpu.vector_store %arg8[%swap3A_67, %swap3A_68], %swap3A_71 {strides = array<i32>} : memref<128x128xf32, #tpu.memory_space<vmem>>, vector<1x16xf32>,
      %broadcast_in_dim3A_72 = arith.constant 0.000000e+00 : f32
      %broadcast_in_dim3A_73 = vector.broadcast %broadcast_in_dim3A_72 : f32 to vector<16xf32>
      %swap3A_74 = arith.index_cast %scan3A_38 : i32 to index
      %swap3A_75 = arith.constant 80 : index
      %swap3A_76 = tpu.vector_load %arg8[%swap3A_74, %swap3A_75] {strides = array<i32>} : memref<128x128xf32, #tpu.memory_space<vmem>>, vector<1x16xf32>,
      %swap3A_77 = vector.shape_cast %swap3A_76 : vector<1x16xf32> to vector<16xf32>
      %swap3A_78 = vector.shape_cast %broadcast_in_dim3A_73 : vector<16xf32> to vector<1x16xf32>
      tpu.vector_store %arg8[%swap3A_74, %swap3A_75], %swap3A_78 {strides = array<i32>} : memref<128x128xf32, #tpu.memory_space<vmem>>, vector<1x16xf32>,
      %broadcast_in_dim3A_79 = arith.constant 0.000000e+00 : f32
      %broadcast_in_dim3A_80 = vector.broadcast %broadcast_in_dim3A_79 : f32 to vector<16xf32>
      %swap3A_81 = arith.index_cast %scan3A_38 : i32 to index
      %swap3A_82 = arith.constant 96 : index
      %swap3A_83 = tpu.vector_load %arg8[%swap3A_81, %swap3A_82] {strides = array<i32>} : memref<128x128xf32, #tpu.memory_space<vmem>>, vector<1x16xf32>,
      %swap3A_84 = vector.shape_cast %swap3A_83 : vector<1x16xf32> to vector<16xf32>
      %swap3A_85 = vector.shape_cast %broadcast_in_dim3A_80 : vector<16xf32> to vector<1x16xf32>
      tpu.vector_store %arg8[%swap3A_81, %swap3A_82], %swap3A_85 {strides = array<i32>} : memref<128x128xf32, #tpu.memory_space<vmem>>, vector<1x16xf32>,
      %broadcast_in_dim3A_86 = arith.constant 0.000000e+00 : f32
      %broadcast_in_dim3A_87 = vector.broadcast %broadcast_in_dim3A_86 : f32 to vector<16xf32>
      %swap3A_88 = arith.index_cast %scan3A_38 : i32 to index
      %swap3A_89 = arith.constant 112 : index
      %swap3A_90 = tpu.vector_load %arg8[%swap3A_88, %swap3A_89] {strides = array<i32>} : memref<128x128xf32, #tpu.memory_space<vmem>>, vector<1x16xf32>,
      %swap3A_91 = vector.shape_cast %swap3A_90 : vector<1x16xf32> to vector<16xf32>
      %swap3A_92 = vector.shape_cast %broadcast_in_dim3A_87 : vector<16xf32> to vector<1x16xf32>
      tpu.vector_store %arg8[%swap3A_88, %swap3A_89], %swap3A_92 {strides = array<i32>} : memref<128x128xf32, #tpu.memory_space<vmem>>, vector<1x16xf32>,
    }
    %scan3A_15 = arith.constant 128 : i32
    %add3A_16 = arith.constant 0 : i32
    %add3A_17 = arith.addi %mul3A_0, %add3A_16 : i32
    "tpu.region"() ({
      %run_scoped3A = tpu.sem_alloc : memref<!tpu.dma_semaphore, #tpu.memory_space<semaphore_mem>>
      %dma_start3A = arith.constant 0 : i32
      %dma_start3A_38 = arith.constant 0 : i32
      %dma_start3A_39 = tpu.memref_slice %arg8[%dma_start3A, %dma_start3A_38] : memref<128x128xf32, #tpu.memory_space<vmem>> -> memref<128x128xf32, #tpu.memory_space<vmem>>
      %dma_start3A_40 = arith.constant 0 : i32
      %dma_start3A_41 = tpu.memref_slice %arg10[%add3A_17, %dma_start3A_40] : memref<10112x128xf32, #tpu.memory_space<vmem_shared>> -> memref<128x128xf32, #tpu.memory_space<vmem_shared>>
      %dma_start3A_42 = arith.constant 0 : i32
      %dma_start3A_43 = tpu.memref_slice %arg10[%add3A_17, %dma_start3A_42] : memref<10112x128xf32, #tpu.memory_space<vmem_shared>> -> memref<128x128xf32, #tpu.memory_space<vmem_shared>>
      %dma_start3A_44 = arith.constant 0 : i32
      %dma_start3A_45 = arith.constant 0 : i32
      %dma_start3A_46 = tpu.memref_slice %arg8[%dma_start3A_44, %dma_start3A_45] : memref<128x128xf32, #tpu.memory_space<vmem>> -> memref<128x128xf32, #tpu.memory_space<vmem>>
      tpu.enqueue_dma source(%dma_start3A_46 : memref<128x128xf32, #tpu.memory_space<vmem>>) target(%dma_start3A_43 : memref<128x128xf32, #tpu.memory_space<vmem_shared>>) target_semaphore(%run_scoped3A : memref<!tpu.dma_semaphore, #tpu.memory_space<semaphore_mem>>)
      %dma_wait3A = arith.constant 0 : i32
      %dma_wait3A_47 = arith.constant 0 : i32
      %dma_wait3A_48 = tpu.memref_slice %arg8[%dma_wait3A, %dma_wait3A_47] : memref<128x128xf32, #tpu.memory_space<vmem>> -> memref<128x128xf32, #tpu.memory_space<vmem>>
      %dma_wait3A_49 = arith.constant 0 : i32
      %dma_wait3A_50 = tpu.memref_slice %arg10[%add3A_17, %dma_wait3A_49] : memref<10112x128xf32, #tpu.memory_space<vmem_shared>> -> memref<128x128xf32, #tpu.memory_space<vmem_shared>>
      %dma_wait3A_51 = arith.constant 0 : i32
      %dma_wait3A_52 = tpu.memref_slice %arg10[%add3A_17, %dma_wait3A_51] : memref<10112x128xf32, #tpu.memory_space<vmem_shared>> -> memref<128x128xf32, #tpu.memory_space<vmem_shared>>
      %dma_wait3A_53 = arith.constant 0 : i32
      %dma_wait3A_54 = arith.constant 0 : i32
      %dma_wait3A_55 = tpu.memref_slice %arg8[%dma_wait3A_53, %dma_wait3A_54] : memref<128x128xf32, #tpu.memory_space<vmem>> -> memref<128x128xf32, #tpu.memory_space<vmem>>
      tpu.wait_dma2 semaphore(%run_scoped3A : memref<!tpu.dma_semaphore, #tpu.memory_space<semaphore_mem>>) src(%dma_wait3A_55 : memref<128x128xf32, #tpu.memory_space<vmem>>) dst(%dma_wait3A_52 : memref<128x128xf32, #tpu.memory_space<vmem_shared>>)
      tpu.yield
    }) : () -> ()
    %add3A_18 = arith.constant 128 : i32
    %add3A_19 = arith.addi %mul3A_0, %add3A_18 : i32
    "tpu.region"() ({
      %run_scoped3A = tpu.sem_alloc : memref<!tpu.dma_semaphore, #tpu.memory_space<semaphore_mem>>
      %dma_start3A = arith.constant 0 : i32
      %dma_start3A_38 = arith.constant 0 : i32
      %dma_start3A_39 = tpu.memref_slice %arg8[%dma_start3A, %dma_start3A_38] : memref<128x128xf32, #tpu.memory_space<vmem>> -> memref<128x128xf32, #tpu.memory_space<vmem>>
      %dma_start3A_40 = arith.constant 0 : i32
      %dma_start3A_41 = tpu.memref_slice %arg10[%add3A_19, %dma_start3A_40] : memref<10112x128xf32, #tpu.memory_space<vmem_shared>> -> memref<128x128xf32, #tpu.memory_space<vmem_shared>>
      %dma_start3A_42 = arith.constant 0 : i32
      %dma_start3A_43 = tpu.memref_slice %arg10[%add3A_19, %dma_start3A_42] : memref<10112x128xf32, #tpu.memory_space<vmem_shared>> -> memref<128x128xf32, #tpu.memory_space<vmem_shared>>
      %dma_start3A_44 = arith.constant 0 : i32
      %dma_start3A_45 = arith.constant 0 : i32
      %dma_start3A_46 = tpu.memref_slice %arg8[%dma_start3A_44, %dma_start3A_45] : memref<128x128xf32, #tpu.memory_space<vmem>> -> memref<128x128xf32, #tpu.memory_space<vmem>>
      tpu.enqueue_dma source(%dma_start3A_46 : memref<128x128xf32, #tpu.memory_space<vmem>>) target(%dma_start3A_43 : memref<128x128xf32, #tpu.memory_space<vmem_shared>>) target_semaphore(%run_scoped3A : memref<!tpu.dma_semaphore, #tpu.memory_space<semaphore_mem>>)
      %dma_wait3A = arith.constant 0 : i32
      %dma_wait3A_47 = arith.constant 0 : i32
      %dma_wait3A_48 = tpu.memref_slice %arg8[%dma_wait3A, %dma_wait3A_47] : memref<128x128xf32, #tpu.memory_space<vmem>> -> memref<128x128xf32, #tpu.memory_space<vmem>>
      %dma_wait3A_49 = arith.constant 0 : i32
      %dma_wait3A_50 = tpu.memref_slice %arg10[%add3A_19, %dma_wait3A_49] : memref<10112x128xf32, #tpu.memory_space<vmem_shared>> -> memref<128x128xf32, #tpu.memory_space<vmem_shared>>
      %dma_wait3A_51 = arith.constant 0 : i32
      %dma_wait3A_52 = tpu.memref_slice %arg10[%add3A_19, %dma_wait3A_51] : memref<10112x128xf32, #tpu.memory_space<vmem_shared>> -> memref<128x128xf32, #tpu.memory_space<vmem_shared>>
      %dma_wait3A_53 = arith.constant 0 : i32
      %dma_wait3A_54 = arith.constant 0 : i32
      %dma_wait3A_55 = tpu.memref_slice %arg8[%dma_wait3A_53, %dma_wait3A_54] : memref<128x128xf32, #tpu.memory_space<vmem>> -> memref<128x128xf32, #tpu.memory_space<vmem>>
      tpu.wait_dma2 semaphore(%run_scoped3A : memref<!tpu.dma_semaphore, #tpu.memory_space<semaphore_mem>>) src(%dma_wait3A_55 : memref<128x128xf32, #tpu.memory_space<vmem>>) dst(%dma_wait3A_52 : memref<128x128xf32, #tpu.memory_space<vmem_shared>>)
      tpu.yield
    }) : () -> ()
    %add3A_20 = arith.constant 256 : i32
    %add3A_21 = arith.addi %mul3A_0, %add3A_20 : i32
    "tpu.region"() ({
      %run_scoped3A = tpu.sem_alloc : memref<!tpu.dma_semaphore, #tpu.memory_space<semaphore_mem>>
      %dma_start3A = arith.constant 0 : i32
      %dma_start3A_38 = arith.constant 0 : i32
      %dma_start3A_39 = tpu.memref_slice %arg8[%dma_start3A, %dma_start3A_38] : memref<128x128xf32, #tpu.memory_space<vmem>> -> memref<128x128xf32, #tpu.memory_space<vmem>>
      %dma_start3A_40 = arith.constant 0 : i32
      %dma_start3A_41 = tpu.memref_slice %arg10[%add3A_21, %dma_start3A_40] : memref<10112x128xf32, #tpu.memory_space<vmem_shared>> -> memref<128x128xf32, #tpu.memory_space<vmem_shared>>
      %dma_start3A_42 = arith.constant 0 : i32
      %dma_start3A_43 = tpu.memref_slice %arg10[%add3A_21, %dma_start3A_42] : memref<10112x128xf32, #tpu.memory_space<vmem_shared>> -> memref<128x128xf32, #tpu.memory_space<vmem_shared>>
      %dma_start3A_44 = arith.constant 0 : i32
      %dma_start3A_45 = arith.constant 0 : i32
      %dma_start3A_46 = tpu.memref_slice %arg8[%dma_start3A_44, %dma_start3A_45] : memref<128x128xf32, #tpu.memory_space<vmem>> -> memref<128x128xf32, #tpu.memory_space<vmem>>
      tpu.enqueue_dma source(%dma_start3A_46 : memref<128x128xf32, #tpu.memory_space<vmem>>) target(%dma_start3A_43 : memref<128x128xf32, #tpu.memory_space<vmem_shared>>) target_semaphore(%run_scoped3A : memref<!tpu.dma_semaphore, #tpu.memory_space<semaphore_mem>>)
      %dma_wait3A = arith.constant 0 : i32
      %dma_wait3A_47 = arith.constant 0 : i32
      %dma_wait3A_48 = tpu.memref_slice %arg8[%dma_wait3A, %dma_wait3A_47] : memref<128x128xf32, #tpu.memory_space<vmem>> -> memref<128x128xf32, #tpu.memory_space<vmem>>
      %dma_wait3A_49 = arith.constant 0 : i32
      %dma_wait3A_50 = tpu.memref_slice %arg10[%add3A_21, %dma_wait3A_49] : memref<10112x128xf32, #tpu.memory_space<vmem_shared>> -> memref<128x128xf32, #tpu.memory_space<vmem_shared>>
      %dma_wait3A_51 = arith.constant 0 : i32
      %dma_wait3A_52 = tpu.memref_slice %arg10[%add3A_21, %dma_wait3A_51] : memref<10112x128xf32, #tpu.memory_space<vmem_shared>> -> memref<128x128xf32, #tpu.memory_space<vmem_shared>>
      %dma_wait3A_53 = arith.constant 0 : i32
      %dma_wait3A_54 = arith.constant 0 : i32
      %dma_wait3A_55 = tpu.memref_slice %arg8[%dma_wait3A_53, %dma_wait3A_54] : memref<128x128xf32, #tpu.memory_space<vmem>> -> memref<128x128xf32, #tpu.memory_space<vmem>>
      tpu.wait_dma2 semaphore(%run_scoped3A : memref<!tpu.dma_semaphore, #tpu.memory_space<semaphore_mem>>) src(%dma_wait3A_55 : memref<128x128xf32, #tpu.memory_space<vmem>>) dst(%dma_wait3A_52 : memref<128x128xf32, #tpu.memory_space<vmem_shared>>)
      tpu.yield
    }) : () -> ()
    %add3A_22 = arith.constant 384 : i32
    %add3A_23 = arith.addi %mul3A_0, %add3A_22 : i32
    "tpu.region"() ({
      %run_scoped3A = tpu.sem_alloc : memref<!tpu.dma_semaphore, #tpu.memory_space<semaphore_mem>>
      %dma_start3A = arith.constant 0 : i32
      %dma_start3A_38 = arith.constant 0 : i32
      %dma_start3A_39 = tpu.memref_slice %arg8[%dma_start3A, %dma_start3A_38] : memref<128x128xf32, #tpu.memory_space<vmem>> -> memref<128x128xf32, #tpu.memory_space<vmem>>
      %dma_start3A_40 = arith.constant 0 : i32
      %dma_start3A_41 = tpu.memref_slice %arg10[%add3A_23, %dma_start3A_40] : memref<10112x128xf32, #tpu.memory_space<vmem_shared>> -> memref<128x128xf32, #tpu.memory_space<vmem_shared>>
      %dma_start3A_42 = arith.constant 0 : i32
      %dma_start3A_43 = tpu.memref_slice %arg10[%add3A_23, %dma_start3A_42] : memref<10112x128xf32, #tpu.memory_space<vmem_shared>> -> memref<128x128xf32, #tpu.memory_space<vmem_shared>>
      %dma_start3A_44 = arith.constant 0 : i32
      %dma_start3A_45 = arith.constant 0 : i32
      %dma_start3A_46 = tpu.memref_slice %arg8[%dma_start3A_44, %dma_start3A_45] : memref<128x128xf32, #tpu.memory_space<vmem>> -> memref<128x128xf32, #tpu.memory_space<vmem>>
      tpu.enqueue_dma source(%dma_start3A_46 : memref<128x128xf32, #tpu.memory_space<vmem>>) target(%dma_start3A_43 : memref<128x128xf32, #tpu.memory_space<vmem_shared>>) target_semaphore(%run_scoped3A : memref<!tpu.dma_semaphore, #tpu.memory_space<semaphore_mem>>)
      %dma_wait3A = arith.constant 0 : i32
      %dma_wait3A_47 = arith.constant 0 : i32
      %dma_wait3A_48 = tpu.memref_slice %arg8[%dma_wait3A, %dma_wait3A_47] : memref<128x128xf32, #tpu.memory_space<vmem>> -> memref<128x128xf32, #tpu.memory_space<vmem>>
      %dma_wait3A_49 = arith.constant 0 : i32
      %dma_wait3A_50 = tpu.memref_slice %arg10[%add3A_23, %dma_wait3A_49] : memref<10112x128xf32, #tpu.memory_space<vmem_shared>> -> memref<128x128xf32, #tpu.memory_space<vmem_shared>>
      %dma_wait3A_51 = arith.constant 0 : i32
      %dma_wait3A_52 = tpu.memref_slice %arg10[%add3A_23, %dma_wait3A_51] : memref<10112x128xf32, #tpu.memory_space<vmem_shared>> -> memref<128x128xf32, #tpu.memory_space<vmem_shared>>
      %dma_wait3A_53 = arith.constant 0 : i32
      %dma_wait3A_54 = arith.constant 0 : i32
      %dma_wait3A_55 = tpu.memref_slice %arg8[%dma_wait3A_53, %dma_wait3A_54] : memref<128x128xf32, #tpu.memory_space<vmem>> -> memref<128x128xf32, #tpu.memory_space<vmem>>
      tpu.wait_dma2 semaphore(%run_scoped3A : memref<!tpu.dma_semaphore, #tpu.memory_space<semaphore_mem>>) src(%dma_wait3A_55 : memref<128x128xf32, #tpu.memory_space<vmem>>) dst(%dma_wait3A_52 : memref<128x128xf32, #tpu.memory_space<vmem_shared>>)
      tpu.yield
    }) : () -> ()
    %add3A_24 = arith.constant 512 : i32
    %add3A_25 = arith.addi %mul3A_0, %add3A_24 : i32
    "tpu.region"() ({
      %run_scoped3A = tpu.sem_alloc : memref<!tpu.dma_semaphore, #tpu.memory_space<semaphore_mem>>
      %dma_start3A = arith.constant 0 : i32
      %dma_start3A_38 = arith.constant 0 : i32
      %dma_start3A_39 = tpu.memref_slice %arg8[%dma_start3A, %dma_start3A_38] : memref<128x128xf32, #tpu.memory_space<vmem>> -> memref<120x128xf32, #tpu.memory_space<vmem>>
      %dma_start3A_40 = arith.constant 0 : i32
      %dma_start3A_41 = tpu.memref_slice %arg10[%add3A_25, %dma_start3A_40] : memref<10112x128xf32, #tpu.memory_space<vmem_shared>> -> memref<120x128xf32, #tpu.memory_space<vmem_shared>>
      %dma_start3A_42 = arith.constant 0 : i32
      %dma_start3A_43 = tpu.memref_slice %arg10[%add3A_25, %dma_start3A_42] : memref<10112x128xf32, #tpu.memory_space<vmem_shared>> -> memref<120x128xf32, #tpu.memory_space<vmem_shared>>
      %dma_start3A_44 = arith.constant 0 : i32
      %dma_start3A_45 = arith.constant 0 : i32
      %dma_start3A_46 = tpu.memref_slice %arg8[%dma_start3A_44, %dma_start3A_45] : memref<128x128xf32, #tpu.memory_space<vmem>> -> memref<120x128xf32, #tpu.memory_space<vmem>>
      tpu.enqueue_dma source(%dma_start3A_46 : memref<120x128xf32, #tpu.memory_space<vmem>>) target(%dma_start3A_43 : memref<120x128xf32, #tpu.memory_space<vmem_shared>>) target_semaphore(%run_scoped3A : memref<!tpu.dma_semaphore, #tpu.memory_space<semaphore_mem>>)
      %dma_wait3A = arith.constant 0 : i32
      %dma_wait3A_47 = arith.constant 0 : i32
      %dma_wait3A_48 = tpu.memref_slice %arg8[%dma_wait3A, %dma_wait3A_47] : memref<128x128xf32, #tpu.memory_space<vmem>> -> memref<120x128xf32, #tpu.memory_space<vmem>>
      %dma_wait3A_49 = arith.constant 0 : i32
      %dma_wait3A_50 = tpu.memref_slice %arg10[%add3A_25, %dma_wait3A_49] : memref<10112x128xf32, #tpu.memory_space<vmem_shared>> -> memref<120x128xf32, #tpu.memory_space<vmem_shared>>
      %dma_wait3A_51 = arith.constant 0 : i32
      %dma_wait3A_52 = tpu.memref_slice %arg10[%add3A_25, %dma_wait3A_51] : memref<10112x128xf32, #tpu.memory_space<vmem_shared>> -> memref<120x128xf32, #tpu.memory_space<vmem_shared>>
      %dma_wait3A_53 = arith.constant 0 : i32
      %dma_wait3A_54 = arith.constant 0 : i32
      %dma_wait3A_55 = tpu.memref_slice %arg8[%dma_wait3A_53, %dma_wait3A_54] : memref<128x128xf32, #tpu.memory_space<vmem>> -> memref<120x128xf32, #tpu.memory_space<vmem>>
      tpu.wait_dma2 semaphore(%run_scoped3A : memref<!tpu.dma_semaphore, #tpu.memory_space<semaphore_mem>>) src(%dma_wait3A_55 : memref<120x128xf32, #tpu.memory_space<vmem>>) dst(%dma_wait3A_52 : memref<120x128xf32, #tpu.memory_space<vmem_shared>>)
      tpu.yield
    }) : () -> ()
    %barrier3A = arith.constant 0 : index
    tpu.barrier barrier_id(%barrier3A)
    %gt3A = arith.constant 0 : i32
    %gt3A_26 = arith.cmpi sgt, %select_n3A_10, %gt3A : i32
    %convert_element_type3A = arith.extui %gt3A_26 : i1 to i32
    %cond3A = arith.constant 0 : i32
    %cond3A_27 = arith.cmpi ne, %convert_element_type3A, %cond3A : i32
    scf.if %cond3A_27 {
      "tpu.region"() ({
        %run_scoped3A = tpu.sem_alloc : memref<!tpu.dma_semaphore, #tpu.memory_space<semaphore_mem>>
        %dma_start3A_51 = arith.constant 0 : i32
        %dma_start3A_52 = tpu.memref_slice %arg3[%select_n3A, %dma_start3A_51] : memref<2560x128xi32, #tpu.memory_space<hbm>> -> memref<8x128xi32, #tpu.memory_space<hbm>>
        %dma_start3A_53 = arith.constant 0 : i32
        %dma_start3A_54 = tpu.memref_slice %arg3[%select_n3A, %dma_start3A_53] : memref<2560x128xi32, #tpu.memory_space<hbm>> -> memref<8x128xi32, #tpu.memory_space<hbm>>
        tpu.enqueue_dma source(%dma_start3A_54 : memref<8x128xi32, #tpu.memory_space<hbm>>) target(%arg6 : memref<8x128xi32, #tpu.memory_space<vmem>>) target_semaphore(%run_scoped3A : memref<!tpu.dma_semaphore, #tpu.memory_space<semaphore_mem>>)
        %dma_wait3A = arith.constant 0 : i32
        %dma_wait3A_55 = tpu.memref_slice %arg3[%select_n3A, %dma_wait3A] : memref<2560x128xi32, #tpu.memory_space<hbm>> -> memref<8x128xi32, #tpu.memory_space<hbm>>
        %dma_wait3A_56 = arith.constant 0 : i32
        %dma_wait3A_57 = tpu.memref_slice %arg3[%select_n3A, %dma_wait3A_56] : memref<2560x128xi32, #tpu.memory_space<hbm>> -> memref<8x128xi32, #tpu.memory_space<hbm>>
        tpu.wait_dma2 semaphore(%run_scoped3A : memref<!tpu.dma_semaphore, #tpu.memory_space<semaphore_mem>>) src(%dma_wait3A_57 : memref<8x128xi32, #tpu.memory_space<hbm>>) dst(%arg6 : memref<8x128xi32, #tpu.memory_space<vmem>>)
        tpu.yield
      }) : () -> ()
      "tpu.region"() ({
        %run_scoped3A = tpu.sem_alloc : memref<!tpu.dma_semaphore, #tpu.memory_space<semaphore_mem>>
        %dma_start3A_51 = arith.constant 0 : i32
        %dma_start3A_52 = tpu.memref_slice %arg4[%select_n3A, %dma_start3A_51] : memref<2560x128xi32, #tpu.memory_space<hbm>> -> memref<8x128xi32, #tpu.memory_space<hbm>>
        %dma_start3A_53 = arith.constant 0 : i32
        %dma_start3A_54 = tpu.memref_slice %arg4[%select_n3A, %dma_start3A_53] : memref<2560x128xi32, #tpu.memory_space<hbm>> -> memref<8x128xi32, #tpu.memory_space<hbm>>
        tpu.enqueue_dma source(%dma_start3A_54 : memref<8x128xi32, #tpu.memory_space<hbm>>) target(%arg7 : memref<8x128xi32, #tpu.memory_space<vmem>>) target_semaphore(%run_scoped3A : memref<!tpu.dma_semaphore, #tpu.memory_space<semaphore_mem>>)
        %dma_wait3A = arith.constant 0 : i32
        %dma_wait3A_55 = tpu.memref_slice %arg4[%select_n3A, %dma_wait3A] : memref<2560x128xi32, #tpu.memory_space<hbm>> -> memref<8x128xi32, #tpu.memory_space<hbm>>
        %dma_wait3A_56 = arith.constant 0 : i32
        %dma_wait3A_57 = tpu.memref_slice %arg4[%select_n3A, %dma_wait3A_56] : memref<2560x128xi32, #tpu.memory_space<hbm>> -> memref<8x128xi32, #tpu.memory_space<hbm>>
        tpu.wait_dma2 semaphore(%run_scoped3A : memref<!tpu.dma_semaphore, #tpu.memory_space<semaphore_mem>>) src(%dma_wait3A_57 : memref<8x128xi32, #tpu.memory_space<hbm>>) dst(%arg7 : memref<8x128xi32, #tpu.memory_space<vmem>>)
        tpu.yield
      }) : () -> ()
      %dma_start3A = arith.constant 0 : i32
      %dma_start3A_38 = arith.constant 0 : i32
      %dma_start3A_39 = tpu.memref_slice %arg6[%dma_start3A, %dma_start3A_38] : memref<8x128xi32, #tpu.memory_space<vmem>> -> memref<1x128xi32, #tpu.memory_space<vmem>>
      %dma_start3A_40 = tpu.memref_squeeze %dma_start3A_39 : memref<1x128xi32, #tpu.memory_space<vmem>> -> memref<128xi32, #tpu.memory_space<vmem>>
      %dma_start3A_41 = arith.constant 0 : i32
      %dma_start3A_42 = arith.constant 0 : i32
      %dma_start3A_43 = tpu.memref_slice %arg2[%dma_start3A_41, %dma_start3A_42] : memref<10000x128xf32, #tpu.memory_space<hbm>> -> memref<10000x128xf32, #tpu.memory_space<hbm>>
      tpu.enqueue_indirect_dma source(%dma_start3A_43 : memref<10000x128xf32, #tpu.memory_space<hbm>>) target(%arg8 : memref<128x128xf32, #tpu.memory_space<vmem>>) offsets(%dma_start3A_40 : memref<128xi32, #tpu.memory_space<vmem>>) semaphore(%arg11 : memref<!tpu.dma_semaphore, #tpu.memory_space<semaphore_mem>>)
      %dma_start3A_44 = arith.constant 1 : i32
      %dma_start3A_45 = arith.constant 0 : i32
      %dma_start3A_46 = tpu.memref_slice %arg6[%dma_start3A_44, %dma_start3A_45] : memref<8x128xi32, #tpu.memory_space<vmem>> -> memref<1x128xi32, #tpu.memory_space<vmem>>
      %dma_start3A_47 = tpu.memref_squeeze %dma_start3A_46 : memref<1x128xi32, #tpu.memory_space<vmem>> -> memref<128xi32, #tpu.memory_space<vmem>>
      %dma_start3A_48 = arith.constant 0 : i32
      %dma_start3A_49 = arith.constant 0 : i32
      %dma_start3A_50 = tpu.memref_slice %arg2[%dma_start3A_48, %dma_start3A_49] : memref<10000x128xf32, #tpu.memory_space<hbm>> -> memref<10000x128xf32, #tpu.memory_space<hbm>>
      tpu.enqueue_indirect_dma source(%dma_start3A_50 : memref<10000x128xf32, #tpu.memory_space<hbm>>) target(%arg9 : memref<128x128xf32, #tpu.memory_space<vmem>>) offsets(%dma_start3A_47 : memref<128xi32, #tpu.memory_space<vmem>>) semaphore(%arg12 : memref<!tpu.dma_semaphore, #tpu.memory_space<semaphore_mem>>)
    } else {
    }
    %while3A = arith.constant 0 : i32
    %while3A_28 = arith.constant 0 : i32
    %while3A_29 = arith.subi %select_n3A_10, %while3A_28 : i32
    %while3A_30 = arith.addi %while3A_28, %while3A_29 : i32
    %while3A_31 = arith.constant 1 : i32
    %while3A_32 = arith.divsi %while3A_29, %while3A_31 : i32
    %while3A_33 = arith.muli %while3A_32, %while3A_31 : i32
    %while3A_34 = arith.addi %while3A_28, %while3A_33 : i32
    %while3A_35 = arith.constant 1 : i32
    scf.for %while3A_38 = %while3A_28 to %while3A_34 step %while3A_35  : i32 {
      %scan3A_39 = arith.constant 0 : i32
      %scan3A_40 = arith.constant 0 : i32
      %scan3A_41 = arith.constant 4 : i32
      %scan3A_42 = arith.addi %scan3A_40, %scan3A_41 : i32
      %scan3A_43 = arith.constant 1 : i32
      scf.for %scan3A_50 = %scan3A_40 to %scan3A_42 step %scan3A_43  : i32 {
        %mul3A_51 = arith.constant 2 : i32
        %mul3A_52 = arith.muli %mul3A_51, %scan3A_50 : i32
        %add3A_53 = arith.constant 0 : i32
        %add3A_54 = arith.addi %mul3A_52, %add3A_53 : i32
        %dma_wait3A = arith.constant 0 : i32
        %dma_wait3A_55 = tpu.memref_slice %arg6[%add3A_54, %dma_wait3A] : memref<8x128xi32, #tpu.memory_space<vmem>> -> memref<1x128xi32, #tpu.memory_space<vmem>>
        %dma_wait3A_56 = tpu.memref_squeeze %dma_wait3A_55 : memref<1x128xi32, #tpu.memory_space<vmem>> -> memref<128xi32, #tpu.memory_space<vmem>>
        %dma_wait3A_57 = arith.constant 0 : i32
        %dma_wait3A_58 = arith.constant 0 : i32
        %dma_wait3A_59 = tpu.memref_slice %arg2[%dma_wait3A_57, %dma_wait3A_58] : memref<10000x128xf32, #tpu.memory_space<hbm>> -> memref<10000x128xf32, #tpu.memory_space<hbm>>
        tpu.wait_indirect_dma semaphore(%arg11 : memref<!tpu.dma_semaphore, #tpu.memory_space<semaphore_mem>>) src(%dma_wait3A_59 : memref<10000x128xf32, #tpu.memory_space<hbm>>) dst(%arg8 : memref<128x128xf32, #tpu.memory_space<vmem>>)
        "tpu.region"() ({
          %run_scoped3A = tpu.sem_alloc : memref<!tpu.dma_semaphore, #tpu.memory_space<semaphore_mem>>
          %dma_start3A = arith.constant 0 : i32
          %dma_start3A_84 = tpu.memref_slice %arg7[%add3A_54, %dma_start3A] : memref<8x128xi32, #tpu.memory_space<vmem>> -> memref<1x128xi32, #tpu.memory_space<vmem>>
          %dma_start3A_85 = tpu.memref_squeeze %dma_start3A_84 : memref<1x128xi32, #tpu.memory_space<vmem>> -> memref<128xi32, #tpu.memory_space<vmem>>
          %dma_start3A_86 = arith.constant 0 : i32
          %dma_start3A_87 = arith.constant 0 : i32
          %dma_start3A_88 = tpu.memref_slice %arg10[%dma_start3A_86, %dma_start3A_87] : memref<10112x128xf32, #tpu.memory_space<vmem_shared>> -> memref<10112x128xf32, #tpu.memory_space<vmem_shared>>
          tpu.enqueue_indirect_dma source(%arg8 : memref<128x128xf32, #tpu.memory_space<vmem>>) target(%dma_start3A_88 : memref<10112x128xf32, #tpu.memory_space<vmem_shared>>) offsets(%dma_start3A_85 : memref<128xi32, #tpu.memory_space<vmem>>) semaphore(%run_scoped3A : memref<!tpu.dma_semaphore, #tpu.memory_space<semaphore_mem>>) {add = true}
          %dma_wait3A_89 = arith.constant 0 : i32
          %dma_wait3A_90 = tpu.memref_slice %arg7[%add3A_54, %dma_wait3A_89] : memref<8x128xi32, #tpu.memory_space<vmem>> -> memref<1x128xi32, #tpu.memory_space<vmem>>
          %dma_wait3A_91 = tpu.memref_squeeze %dma_wait3A_90 : memref<1x128xi32, #tpu.memory_space<vmem>> -> memref<128xi32, #tpu.memory_space<vmem>>
          %dma_wait3A_92 = arith.constant 0 : i32
          %dma_wait3A_93 = arith.constant 0 : i32
          %dma_wait3A_94 = tpu.memref_slice %arg10[%dma_wait3A_92, %dma_wait3A_93] : memref<10112x128xf32, #tpu.memory_space<vmem_shared>> -> memref<10112x128xf32, #tpu.memory_space<vmem_shared>>
          tpu.wait_indirect_dma semaphore(%run_scoped3A : memref<!tpu.dma_semaphore, #tpu.memory_space<semaphore_mem>>) src(%arg8 : memref<128x128xf32, #tpu.memory_space<vmem>>) dst(%dma_wait3A_94 : memref<10112x128xf32, #tpu.memory_space<vmem_shared>>)
          tpu.yield
        }) : () -> ()
        %add3A_60 = arith.constant 2 : i32
        %add3A_61 = arith.addi %add3A_54, %add3A_60 : i32
        %lt3A_62 = arith.constant 8 : i32
        %lt3A_63 = arith.cmpi slt, %add3A_61, %lt3A_62 : i32
        %convert_element_type3A_64 = arith.extui %lt3A_63 : i1 to i32
        %cond3A_65 = arith.constant 0 : i32
        %cond3A_66 = arith.cmpi ne, %convert_element_type3A_64, %cond3A_65 : i32
        scf.if %cond3A_66 {
          %add3A_84 = arith.constant 2 : i32
          %add3A_85 = arith.addi %add3A_54, %add3A_84 : i32
          %dma_start3A = arith.constant 0 : i32
          %dma_start3A_86 = tpu.memref_slice %arg6[%add3A_85, %dma_start3A] : memref<8x128xi32, #tpu.memory_space<vmem>> -> memref<1x128xi32, #tpu.memory_space<vmem>>
          %dma_start3A_87 = tpu.memref_squeeze %dma_start3A_86 : memref<1x128xi32, #tpu.memory_space<vmem>> -> memref<128xi32, #tpu.memory_space<vmem>>
          %dma_start3A_88 = arith.constant 0 : i32
          %dma_start3A_89 = arith.constant 0 : i32
          %dma_start3A_90 = tpu.memref_slice %arg2[%dma_start3A_88, %dma_start3A_89] : memref<10000x128xf32, #tpu.memory_space<hbm>> -> memref<10000x128xf32, #tpu.memory_space<hbm>>
          tpu.enqueue_indirect_dma source(%dma_start3A_90 : memref<10000x128xf32, #tpu.memory_space<hbm>>) target(%arg8 : memref<128x128xf32, #tpu.memory_space<vmem>>) offsets(%dma_start3A_87 : memref<128xi32, #tpu.memory_space<vmem>>) semaphore(%arg11 : memref<!tpu.dma_semaphore, #tpu.memory_space<semaphore_mem>>)
        } else {
        }
        %mul3A_67 = arith.constant 2 : i32
        %mul3A_68 = arith.muli %mul3A_67, %scan3A_50 : i32
        %add3A_69 = arith.constant 1 : i32
        %add3A_70 = arith.addi %mul3A_68, %add3A_69 : i32
        %dma_wait3A_71 = arith.constant 0 : i32
        %dma_wait3A_72 = tpu.memref_slice %arg6[%add3A_70, %dma_wait3A_71] : memref<8x128xi32, #tpu.memory_space<vmem>> -> memref<1x128xi32, #tpu.memory_space<vmem>>
        %dma_wait3A_73 = tpu.memref_squeeze %dma_wait3A_72 : memref<1x128xi32, #tpu.memory_space<vmem>> -> memref<128xi32, #tpu.memory_space<vmem>>
        %dma_wait3A_74 = arith.constant 0 : i32
        %dma_wait3A_75 = arith.constant 0 : i32
        %dma_wait3A_76 = tpu.memref_slice %arg2[%dma_wait3A_74, %dma_wait3A_75] : memref<10000x128xf32, #tpu.memory_space<hbm>> -> memref<10000x128xf32, #tpu.memory_space<hbm>>
        tpu.wait_indirect_dma semaphore(%arg12 : memref<!tpu.dma_semaphore, #tpu.memory_space<semaphore_mem>>) src(%dma_wait3A_76 : memref<10000x128xf32, #tpu.memory_space<hbm>>) dst(%arg9 : memref<128x128xf32, #tpu.memory_space<vmem>>)
        "tpu.region"() ({
          %run_scoped3A = tpu.sem_alloc : memref<!tpu.dma_semaphore, #tpu.memory_space<semaphore_mem>>
          %dma_start3A = arith.constant 0 : i32
          %dma_start3A_84 = tpu.memref_slice %arg7[%add3A_70, %dma_start3A] : memref<8x128xi32, #tpu.memory_space<vmem>> -> memref<1x128xi32, #tpu.memory_space<vmem>>
          %dma_start3A_85 = tpu.memref_squeeze %dma_start3A_84 : memref<1x128xi32, #tpu.memory_space<vmem>> -> memref<128xi32, #tpu.memory_space<vmem>>
          %dma_start3A_86 = arith.constant 0 : i32
          %dma_start3A_87 = arith.constant 0 : i32
          %dma_start3A_88 = tpu.memref_slice %arg10[%dma_start3A_86, %dma_start3A_87] : memref<10112x128xf32, #tpu.memory_space<vmem_shared>> -> memref<10112x128xf32, #tpu.memory_space<vmem_shared>>
          tpu.enqueue_indirect_dma source(%arg9 : memref<128x128xf32, #tpu.memory_space<vmem>>) target(%dma_start3A_88 : memref<10112x128xf32, #tpu.memory_space<vmem_shared>>) offsets(%dma_start3A_85 : memref<128xi32, #tpu.memory_space<vmem>>) semaphore(%run_scoped3A : memref<!tpu.dma_semaphore, #tpu.memory_space<semaphore_mem>>) {add = true}
          %dma_wait3A_89 = arith.constant 0 : i32
          %dma_wait3A_90 = tpu.memref_slice %arg7[%add3A_70, %dma_wait3A_89] : memref<8x128xi32, #tpu.memory_space<vmem>> -> memref<1x128xi32, #tpu.memory_space<vmem>>
          %dma_wait3A_91 = tpu.memref_squeeze %dma_wait3A_90 : memref<1x128xi32, #tpu.memory_space<vmem>> -> memref<128xi32, #tpu.memory_space<vmem>>
          %dma_wait3A_92 = arith.constant 0 : i32
          %dma_wait3A_93 = arith.constant 0 : i32
          %dma_wait3A_94 = tpu.memref_slice %arg10[%dma_wait3A_92, %dma_wait3A_93] : memref<10112x128xf32, #tpu.memory_space<vmem_shared>> -> memref<10112x128xf32, #tpu.memory_space<vmem_shared>>
          tpu.wait_indirect_dma semaphore(%run_scoped3A : memref<!tpu.dma_semaphore, #tpu.memory_space<semaphore_mem>>) src(%arg9 : memref<128x128xf32, #tpu.memory_space<vmem>>) dst(%dma_wait3A_94 : memref<10112x128xf32, #tpu.memory_space<vmem_shared>>)
          tpu.yield
        }) : () -> ()
        %add3A_77 = arith.constant 2 : i32
        %add3A_78 = arith.addi %add3A_70, %add3A_77 : i32
        %lt3A_79 = arith.constant 8 : i32
        %lt3A_80 = arith.cmpi slt, %add3A_78, %lt3A_79 : i32
        %convert_element_type3A_81 = arith.extui %lt3A_80 : i1 to i32
        %cond3A_82 = arith.constant 0 : i32
        %cond3A_83 = arith.cmpi ne, %convert_element_type3A_81, %cond3A_82 : i32
        scf.if %cond3A_83 {
          %add3A_84 = arith.constant 2 : i32
          %add3A_85 = arith.addi %add3A_70, %add3A_84 : i32
          %dma_start3A = arith.constant 0 : i32
          %dma_start3A_86 = tpu.memref_slice %arg6[%add3A_85, %dma_start3A] : memref<8x128xi32, #tpu.memory_space<vmem>> -> memref<1x128xi32, #tpu.memory_space<vmem>>
          %dma_start3A_87 = tpu.memref_squeeze %dma_start3A_86 : memref<1x128xi32, #tpu.memory_space<vmem>> -> memref<128xi32, #tpu.memory_space<vmem>>
          %dma_start3A_88 = arith.constant 0 : i32
          %dma_start3A_89 = arith.constant 0 : i32
          %dma_start3A_90 = tpu.memref_slice %arg2[%dma_start3A_88, %dma_start3A_89] : memref<10000x128xf32, #tpu.memory_space<hbm>> -> memref<10000x128xf32, #tpu.memory_space<hbm>>
          tpu.enqueue_indirect_dma source(%dma_start3A_90 : memref<10000x128xf32, #tpu.memory_space<hbm>>) target(%arg9 : memref<128x128xf32, #tpu.memory_space<vmem>>) offsets(%dma_start3A_87 : memref<128xi32, #tpu.memory_space<vmem>>) semaphore(%arg12 : memref<!tpu.dma_semaphore, #tpu.memory_space<semaphore_mem>>)
        } else {
        }
      }
      %scan3A_44 = arith.constant 4 : i32
      %add3A_45 = arith.constant 1 : i32
      %add3A_46 = arith.addi %while3A_38, %add3A_45 : i32
      %lt3A = arith.cmpi slt, %add3A_46, %select_n3A_10 : i32
      %convert_element_type3A_47 = arith.extui %lt3A : i1 to i32
      %cond3A_48 = arith.constant 0 : i32
      %cond3A_49 = arith.cmpi ne, %convert_element_type3A_47, %cond3A_48 : i32
      scf.if %cond3A_49 {
        %add3A_50 = arith.constant 1 : i32
        %add3A_51 = arith.addi %while3A_38, %add3A_50 : i32
        %mul3A_52 = arith.constant 8 : i32
        %mul3A_53 = arith.muli %add3A_51, %mul3A_52 : i32
        %add3A_54 = arith.addi %select_n3A, %mul3A_53 : i32
        "tpu.region"() ({
          %run_scoped3A = tpu.sem_alloc : memref<!tpu.dma_semaphore, #tpu.memory_space<semaphore_mem>>
          %dma_start3A_68 = arith.constant 0 : i32
          %dma_start3A_69 = tpu.memref_slice %arg3[%add3A_54, %dma_start3A_68] : memref<2560x128xi32, #tpu.memory_space<hbm>> -> memref<8x128xi32, #tpu.memory_space<hbm>>
          %dma_start3A_70 = arith.constant 0 : i32
          %dma_start3A_71 = tpu.memref_slice %arg3[%add3A_54, %dma_start3A_70] : memref<2560x128xi32, #tpu.memory_space<hbm>> -> memref<8x128xi32, #tpu.memory_space<hbm>>
          tpu.enqueue_dma source(%dma_start3A_71 : memref<8x128xi32, #tpu.memory_space<hbm>>) target(%arg6 : memref<8x128xi32, #tpu.memory_space<vmem>>) target_semaphore(%run_scoped3A : memref<!tpu.dma_semaphore, #tpu.memory_space<semaphore_mem>>)
          %dma_wait3A = arith.constant 0 : i32
          %dma_wait3A_72 = tpu.memref_slice %arg3[%add3A_54, %dma_wait3A] : memref<2560x128xi32, #tpu.memory_space<hbm>> -> memref<8x128xi32, #tpu.memory_space<hbm>>
          %dma_wait3A_73 = arith.constant 0 : i32
          %dma_wait3A_74 = tpu.memref_slice %arg3[%add3A_54, %dma_wait3A_73] : memref<2560x128xi32, #tpu.memory_space<hbm>> -> memref<8x128xi32, #tpu.memory_space<hbm>>
          tpu.wait_dma2 semaphore(%run_scoped3A : memref<!tpu.dma_semaphore, #tpu.memory_space<semaphore_mem>>) src(%dma_wait3A_74 : memref<8x128xi32, #tpu.memory_space<hbm>>) dst(%arg6 : memref<8x128xi32, #tpu.memory_space<vmem>>)
          tpu.yield
        }) : () -> ()
        "tpu.region"() ({
          %run_scoped3A = tpu.sem_alloc : memref<!tpu.dma_semaphore, #tpu.memory_space<semaphore_mem>>
          %dma_start3A_68 = arith.constant 0 : i32
          %dma_start3A_69 = tpu.memref_slice %arg4[%add3A_54, %dma_start3A_68] : memref<2560x128xi32, #tpu.memory_space<hbm>> -> memref<8x128xi32, #tpu.memory_space<hbm>>
          %dma_start3A_70 = arith.constant 0 : i32
          %dma_start3A_71 = tpu.memref_slice %arg4[%add3A_54, %dma_start3A_70] : memref<2560x128xi32, #tpu.memory_space<hbm>> -> memref<8x128xi32, #tpu.memory_space<hbm>>
          tpu.enqueue_dma source(%dma_start3A_71 : memref<8x128xi32, #tpu.memory_space<hbm>>) target(%arg7 : memref<8x128xi32, #tpu.memory_space<vmem>>) target_semaphore(%run_scoped3A : memref<!tpu.dma_semaphore, #tpu.memory_space<semaphore_mem>>)
          %dma_wait3A = arith.constant 0 : i32
          %dma_wait3A_72 = tpu.memref_slice %arg4[%add3A_54, %dma_wait3A] : memref<2560x128xi32, #tpu.memory_space<hbm>> -> memref<8x128xi32, #tpu.memory_space<hbm>>
          %dma_wait3A_73 = arith.constant 0 : i32
          %dma_wait3A_74 = tpu.memref_slice %arg4[%add3A_54, %dma_wait3A_73] : memref<2560x128xi32, #tpu.memory_space<hbm>> -> memref<8x128xi32, #tpu.memory_space<hbm>>
          tpu.wait_dma2 semaphore(%run_scoped3A : memref<!tpu.dma_semaphore, #tpu.memory_space<semaphore_mem>>) src(%dma_wait3A_74 : memref<8x128xi32, #tpu.memory_space<hbm>>) dst(%arg7 : memref<8x128xi32, #tpu.memory_space<vmem>>)
          tpu.yield
        }) : () -> ()
        %dma_start3A = arith.constant 0 : i32
        %dma_start3A_55 = arith.constant 0 : i32
        %dma_start3A_56 = tpu.memref_slice %arg6[%dma_start3A, %dma_start3A_55] : memref<8x128xi32, #tpu.memory_space<vmem>> -> memref<1x128xi32, #tpu.memory_space<vmem>>
        %dma_start3A_57 = tpu.memref_squeeze %dma_start3A_56 : memref<1x128xi32, #tpu.memory_space<vmem>> -> memref<128xi32, #tpu.memory_space<vmem>>
        %dma_start3A_58 = arith.constant 0 : i32
        %dma_start3A_59 = arith.constant 0 : i32
        %dma_start3A_60 = tpu.memref_slice %arg2[%dma_start3A_58, %dma_start3A_59] : memref<10000x128xf32, #tpu.memory_space<hbm>> -> memref<10000x128xf32, #tpu.memory_space<hbm>>
        tpu.enqueue_indirect_dma source(%dma_start3A_60 : memref<10000x128xf32, #tpu.memory_space<hbm>>) target(%arg8 : memref<128x128xf32, #tpu.memory_space<vmem>>) offsets(%dma_start3A_57 : memref<128xi32, #tpu.memory_space<vmem>>) semaphore(%arg11 : memref<!tpu.dma_semaphore, #tpu.memory_space<semaphore_mem>>)
        %dma_start3A_61 = arith.constant 1 : i32
        %dma_start3A_62 = arith.constant 0 : i32
        %dma_start3A_63 = tpu.memref_slice %arg6[%dma_start3A_61, %dma_start3A_62] : memref<8x128xi32, #tpu.memory_space<vmem>> -> memref<1x128xi32, #tpu.memory_space<vmem>>
        %dma_start3A_64 = tpu.memref_squeeze %dma_start3A_63 : memref<1x128xi32, #tpu.memory_space<vmem>> -> memref<128xi32, #tpu.memory_space<vmem>>
        %dma_start3A_65 = arith.constant 0 : i32
        %dma_start3A_66 = arith.constant 0 : i32
        %dma_start3A_67 = tpu.memref_slice %arg2[%dma_start3A_65, %dma_start3A_66] : memref<10000x128xf32, #tpu.memory_space<hbm>> -> memref<10000x128xf32, #tpu.memory_space<hbm>>
        tpu.enqueue_indirect_dma source(%dma_start3A_67 : memref<10000x128xf32, #tpu.memory_space<hbm>>) target(%arg9 : memref<128x128xf32, #tpu.memory_space<vmem>>) offsets(%dma_start3A_64 : memref<128xi32, #tpu.memory_space<vmem>>) semaphore(%arg12 : memref<!tpu.dma_semaphore, #tpu.memory_space<semaphore_mem>>)
      } else {
      }
    }
    %while3A_36 = arith.constant 1 : i32
    scf.for %while3A_38 = %while3A_34 to %while3A_30 step %while3A_36  : i32 {
      %scan3A_39 = arith.constant 0 : i32
      %scan3A_40 = arith.constant 0 : i32
      %scan3A_41 = arith.constant 4 : i32
      %scan3A_42 = arith.addi %scan3A_40, %scan3A_41 : i32
      %scan3A_43 = arith.constant 1 : i32
      scf.for %scan3A_50 = %scan3A_40 to %scan3A_42 step %scan3A_43  : i32 {
        %mul3A_51 = arith.constant 2 : i32
        %mul3A_52 = arith.muli %mul3A_51, %scan3A_50 : i32
        %add3A_53 = arith.constant 0 : i32
        %add3A_54 = arith.addi %mul3A_52, %add3A_53 : i32
        %dma_wait3A = arith.constant 0 : i32
        %dma_wait3A_55 = tpu.memref_slice %arg6[%add3A_54, %dma_wait3A] : memref<8x128xi32, #tpu.memory_space<vmem>> -> memref<1x128xi32, #tpu.memory_space<vmem>>
        %dma_wait3A_56 = tpu.memref_squeeze %dma_wait3A_55 : memref<1x128xi32, #tpu.memory_space<vmem>> -> memref<128xi32, #tpu.memory_space<vmem>>
        %dma_wait3A_57 = arith.constant 0 : i32
        %dma_wait3A_58 = arith.constant 0 : i32
        %dma_wait3A_59 = tpu.memref_slice %arg2[%dma_wait3A_57, %dma_wait3A_58] : memref<10000x128xf32, #tpu.memory_space<hbm>> -> memref<10000x128xf32, #tpu.memory_space<hbm>>
        tpu.wait_indirect_dma semaphore(%arg11 : memref<!tpu.dma_semaphore, #tpu.memory_space<semaphore_mem>>) src(%dma_wait3A_59 : memref<10000x128xf32, #tpu.memory_space<hbm>>) dst(%arg8 : memref<128x128xf32, #tpu.memory_space<vmem>>)
        "tpu.region"() ({
          %run_scoped3A = tpu.sem_alloc : memref<!tpu.dma_semaphore, #tpu.memory_space<semaphore_mem>>
          %dma_start3A = arith.constant 0 : i32
          %dma_start3A_84 = tpu.memref_slice %arg7[%add3A_54, %dma_start3A] : memref<8x128xi32, #tpu.memory_space<vmem>> -> memref<1x128xi32, #tpu.memory_space<vmem>>
          %dma_start3A_85 = tpu.memref_squeeze %dma_start3A_84 : memref<1x128xi32, #tpu.memory_space<vmem>> -> memref<128xi32, #tpu.memory_space<vmem>>
          %dma_start3A_86 = arith.constant 0 : i32
          %dma_start3A_87 = arith.constant 0 : i32
          %dma_start3A_88 = tpu.memref_slice %arg10[%dma_start3A_86, %dma_start3A_87] : memref<10112x128xf32, #tpu.memory_space<vmem_shared>> -> memref<10112x128xf32, #tpu.memory_space<vmem_shared>>
          tpu.enqueue_indirect_dma source(%arg8 : memref<128x128xf32, #tpu.memory_space<vmem>>) target(%dma_start3A_88 : memref<10112x128xf32, #tpu.memory_space<vmem_shared>>) offsets(%dma_start3A_85 : memref<128xi32, #tpu.memory_space<vmem>>) semaphore(%run_scoped3A : memref<!tpu.dma_semaphore, #tpu.memory_space<semaphore_mem>>) {add = true}
          %dma_wait3A_89 = arith.constant 0 : i32
          %dma_wait3A_90 = tpu.memref_slice %arg7[%add3A_54, %dma_wait3A_89] : memref<8x128xi32, #tpu.memory_space<vmem>> -> memref<1x128xi32, #tpu.memory_space<vmem>>
          %dma_wait3A_91 = tpu.memref_squeeze %dma_wait3A_90 : memref<1x128xi32, #tpu.memory_space<vmem>> -> memref<128xi32, #tpu.memory_space<vmem>>
          %dma_wait3A_92 = arith.constant 0 : i32
          %dma_wait3A_93 = arith.constant 0 : i32
          %dma_wait3A_94 = tpu.memref_slice %arg10[%dma_wait3A_92, %dma_wait3A_93] : memref<10112x128xf32, #tpu.memory_space<vmem_shared>> -> memref<10112x128xf32, #tpu.memory_space<vmem_shared>>
          tpu.wait_indirect_dma semaphore(%run_scoped3A : memref<!tpu.dma_semaphore, #tpu.memory_space<semaphore_mem>>) src(%arg8 : memref<128x128xf32, #tpu.memory_space<vmem>>) dst(%dma_wait3A_94 : memref<10112x128xf32, #tpu.memory_space<vmem_shared>>)
          tpu.yield
        }) : () -> ()
        %add3A_60 = arith.constant 2 : i32
        %add3A_61 = arith.addi %add3A_54, %add3A_60 : i32
        %lt3A_62 = arith.constant 8 : i32
        %lt3A_63 = arith.cmpi slt, %add3A_61, %lt3A_62 : i32
        %convert_element_type3A_64 = arith.extui %lt3A_63 : i1 to i32
        %cond3A_65 = arith.constant 0 : i32
        %cond3A_66 = arith.cmpi ne, %convert_element_type3A_64, %cond3A_65 : i32
        scf.if %cond3A_66 {
          %add3A_84 = arith.constant 2 : i32
          %add3A_85 = arith.addi %add3A_54, %add3A_84 : i32
          %dma_start3A = arith.constant 0 : i32
          %dma_start3A_86 = tpu.memref_slice %arg6[%add3A_85, %dma_start3A] : memref<8x128xi32, #tpu.memory_space<vmem>> -> memref<1x128xi32, #tpu.memory_space<vmem>>
          %dma_start3A_87 = tpu.memref_squeeze %dma_start3A_86 : memref<1x128xi32, #tpu.memory_space<vmem>> -> memref<128xi32, #tpu.memory_space<vmem>>
          %dma_start3A_88 = arith.constant 0 : i32
          %dma_start3A_89 = arith.constant 0 : i32
          %dma_start3A_90 = tpu.memref_slice %arg2[%dma_start3A_88, %dma_start3A_89] : memref<10000x128xf32, #tpu.memory_space<hbm>> -> memref<10000x128xf32, #tpu.memory_space<hbm>>
          tpu.enqueue_indirect_dma source(%dma_start3A_90 : memref<10000x128xf32, #tpu.memory_space<hbm>>) target(%arg8 : memref<128x128xf32, #tpu.memory_space<vmem>>) offsets(%dma_start3A_87 : memref<128xi32, #tpu.memory_space<vmem>>) semaphore(%arg11 : memref<!tpu.dma_semaphore, #tpu.memory_space<semaphore_mem>>)
        } else {
        }
        %mul3A_67 = arith.constant 2 : i32
        %mul3A_68 = arith.muli %mul3A_67, %scan3A_50 : i32
        %add3A_69 = arith.constant 1 : i32
        %add3A_70 = arith.addi %mul3A_68, %add3A_69 : i32
        %dma_wait3A_71 = arith.constant 0 : i32
        %dma_wait3A_72 = tpu.memref_slice %arg6[%add3A_70, %dma_wait3A_71] : memref<8x128xi32, #tpu.memory_space<vmem>> -> memref<1x128xi32, #tpu.memory_space<vmem>>
        %dma_wait3A_73 = tpu.memref_squeeze %dma_wait3A_72 : memref<1x128xi32, #tpu.memory_space<vmem>> -> memref<128xi32, #tpu.memory_space<vmem>>
        %dma_wait3A_74 = arith.constant 0 : i32
        %dma_wait3A_75 = arith.constant 0 : i32
        %dma_wait3A_76 = tpu.memref_slice %arg2[%dma_wait3A_74, %dma_wait3A_75] : memref<10000x128xf32, #tpu.memory_space<hbm>> -> memref<10000x128xf32, #tpu.memory_space<hbm>>
        tpu.wait_indirect_dma semaphore(%arg12 : memref<!tpu.dma_semaphore, #tpu.memory_space<semaphore_mem>>) src(%dma_wait3A_76 : memref<10000x128xf32, #tpu.memory_space<hbm>>) dst(%arg9 : memref<128x128xf32, #tpu.memory_space<vmem>>)
        "tpu.region"() ({
          %run_scoped3A = tpu.sem_alloc : memref<!tpu.dma_semaphore, #tpu.memory_space<semaphore_mem>>
          %dma_start3A = arith.constant 0 : i32
          %dma_start3A_84 = tpu.memref_slice %arg7[%add3A_70, %dma_start3A] : memref<8x128xi32, #tpu.memory_space<vmem>> -> memref<1x128xi32, #tpu.memory_space<vmem>>
          %dma_start3A_85 = tpu.memref_squeeze %dma_start3A_84 : memref<1x128xi32, #tpu.memory_space<vmem>> -> memref<128xi32, #tpu.memory_space<vmem>>
          %dma_start3A_86 = arith.constant 0 : i32
          %dma_start3A_87 = arith.constant 0 : i32
          %dma_start3A_88 = tpu.memref_slice %arg10[%dma_start3A_86, %dma_start3A_87] : memref<10112x128xf32, #tpu.memory_space<vmem_shared>> -> memref<10112x128xf32, #tpu.memory_space<vmem_shared>>
          tpu.enqueue_indirect_dma source(%arg9 : memref<128x128xf32, #tpu.memory_space<vmem>>) target(%dma_start3A_88 : memref<10112x128xf32, #tpu.memory_space<vmem_shared>>) offsets(%dma_start3A_85 : memref<128xi32, #tpu.memory_space<vmem>>) semaphore(%run_scoped3A : memref<!tpu.dma_semaphore, #tpu.memory_space<semaphore_mem>>) {add = true}
          %dma_wait3A_89 = arith.constant 0 : i32
          %dma_wait3A_90 = tpu.memref_slice %arg7[%add3A_70, %dma_wait3A_89] : memref<8x128xi32, #tpu.memory_space<vmem>> -> memref<1x128xi32, #tpu.memory_space<vmem>>
          %dma_wait3A_91 = tpu.memref_squeeze %dma_wait3A_90 : memref<1x128xi32, #tpu.memory_space<vmem>> -> memref<128xi32, #tpu.memory_space<vmem>>
          %dma_wait3A_92 = arith.constant 0 : i32
          %dma_wait3A_93 = arith.constant 0 : i32
          %dma_wait3A_94 = tpu.memref_slice %arg10[%dma_wait3A_92, %dma_wait3A_93] : memref<10112x128xf32, #tpu.memory_space<vmem_shared>> -> memref<10112x128xf32, #tpu.memory_space<vmem_shared>>
          tpu.wait_indirect_dma semaphore(%run_scoped3A : memref<!tpu.dma_semaphore, #tpu.memory_space<semaphore_mem>>) src(%arg9 : memref<128x128xf32, #tpu.memory_space<vmem>>) dst(%dma_wait3A_94 : memref<10112x128xf32, #tpu.memory_space<vmem_shared>>)
          tpu.yield
        }) : () -> ()
        %add3A_77 = arith.constant 2 : i32
        %add3A_78 = arith.addi %add3A_70, %add3A_77 : i32
        %lt3A_79 = arith.constant 8 : i32
        %lt3A_80 = arith.cmpi slt, %add3A_78, %lt3A_79 : i32
        %convert_element_type3A_81 = arith.extui %lt3A_80 : i1 to i32
        %cond3A_82 = arith.constant 0 : i32
        %cond3A_83 = arith.cmpi ne, %convert_element_type3A_81, %cond3A_82 : i32
        scf.if %cond3A_83 {
          %add3A_84 = arith.constant 2 : i32
          %add3A_85 = arith.addi %add3A_70, %add3A_84 : i32
          %dma_start3A = arith.constant 0 : i32
          %dma_start3A_86 = tpu.memref_slice %arg6[%add3A_85, %dma_start3A] : memref<8x128xi32, #tpu.memory_space<vmem>> -> memref<1x128xi32, #tpu.memory_space<vmem>>
          %dma_start3A_87 = tpu.memref_squeeze %dma_start3A_86 : memref<1x128xi32, #tpu.memory_space<vmem>> -> memref<128xi32, #tpu.memory_space<vmem>>
          %dma_start3A_88 = arith.constant 0 : i32
          %dma_start3A_89 = arith.constant 0 : i32
          %dma_start3A_90 = tpu.memref_slice %arg2[%dma_start3A_88, %dma_start3A_89] : memref<10000x128xf32, #tpu.memory_space<hbm>> -> memref<10000x128xf32, #tpu.memory_space<hbm>>
          tpu.enqueue_indirect_dma source(%dma_start3A_90 : memref<10000x128xf32, #tpu.memory_space<hbm>>) target(%arg9 : memref<128x128xf32, #tpu.memory_space<vmem>>) offsets(%dma_start3A_87 : memref<128xi32, #tpu.memory_space<vmem>>) semaphore(%arg12 : memref<!tpu.dma_semaphore, #tpu.memory_space<semaphore_mem>>)
        } else {
        }
      }
      %scan3A_44 = arith.constant 4 : i32
      %add3A_45 = arith.constant 1 : i32
      %add3A_46 = arith.addi %while3A_38, %add3A_45 : i32
      %lt3A = arith.cmpi slt, %add3A_46, %select_n3A_10 : i32
      %convert_element_type3A_47 = arith.extui %lt3A : i1 to i32
      %cond3A_48 = arith.constant 0 : i32
      %cond3A_49 = arith.cmpi ne, %convert_element_type3A_47, %cond3A_48 : i32
      scf.if %cond3A_49 {
        %add3A_50 = arith.constant 1 : i32
        %add3A_51 = arith.addi %while3A_38, %add3A_50 : i32
        %mul3A_52 = arith.constant 8 : i32
        %mul3A_53 = arith.muli %add3A_51, %mul3A_52 : i32
        %add3A_54 = arith.addi %select_n3A, %mul3A_53 : i32
        "tpu.region"() ({
          %run_scoped3A = tpu.sem_alloc : memref<!tpu.dma_semaphore, #tpu.memory_space<semaphore_mem>>
          %dma_start3A_68 = arith.constant 0 : i32
          %dma_start3A_69 = tpu.memref_slice %arg3[%add3A_54, %dma_start3A_68] : memref<2560x128xi32, #tpu.memory_space<hbm>> -> memref<8x128xi32, #tpu.memory_space<hbm>>
          %dma_start3A_70 = arith.constant 0 : i32
          %dma_start3A_71 = tpu.memref_slice %arg3[%add3A_54, %dma_start3A_70] : memref<2560x128xi32, #tpu.memory_space<hbm>> -> memref<8x128xi32, #tpu.memory_space<hbm>>
          tpu.enqueue_dma source(%dma_start3A_71 : memref<8x128xi32, #tpu.memory_space<hbm>>) target(%arg6 : memref<8x128xi32, #tpu.memory_space<vmem>>) target_semaphore(%run_scoped3A : memref<!tpu.dma_semaphore, #tpu.memory_space<semaphore_mem>>)
          %dma_wait3A = arith.constant 0 : i32
          %dma_wait3A_72 = tpu.memref_slice %arg3[%add3A_54, %dma_wait3A] : memref<2560x128xi32, #tpu.memory_space<hbm>> -> memref<8x128xi32, #tpu.memory_space<hbm>>
          %dma_wait3A_73 = arith.constant 0 : i32
          %dma_wait3A_74 = tpu.memref_slice %arg3[%add3A_54, %dma_wait3A_73] : memref<2560x128xi32, #tpu.memory_space<hbm>> -> memref<8x128xi32, #tpu.memory_space<hbm>>
          tpu.wait_dma2 semaphore(%run_scoped3A : memref<!tpu.dma_semaphore, #tpu.memory_space<semaphore_mem>>) src(%dma_wait3A_74 : memref<8x128xi32, #tpu.memory_space<hbm>>) dst(%arg6 : memref<8x128xi32, #tpu.memory_space<vmem>>)
          tpu.yield
        }) : () -> ()
        "tpu.region"() ({
          %run_scoped3A = tpu.sem_alloc : memref<!tpu.dma_semaphore, #tpu.memory_space<semaphore_mem>>
          %dma_start3A_68 = arith.constant 0 : i32
          %dma_start3A_69 = tpu.memref_slice %arg4[%add3A_54, %dma_start3A_68] : memref<2560x128xi32, #tpu.memory_space<hbm>> -> memref<8x128xi32, #tpu.memory_space<hbm>>
          %dma_start3A_70 = arith.constant 0 : i32
          %dma_start3A_71 = tpu.memref_slice %arg4[%add3A_54, %dma_start3A_70] : memref<2560x128xi32, #tpu.memory_space<hbm>> -> memref<8x128xi32, #tpu.memory_space<hbm>>
          tpu.enqueue_dma source(%dma_start3A_71 : memref<8x128xi32, #tpu.memory_space<hbm>>) target(%arg7 : memref<8x128xi32, #tpu.memory_space<vmem>>) target_semaphore(%run_scoped3A : memref<!tpu.dma_semaphore, #tpu.memory_space<semaphore_mem>>)
          %dma_wait3A = arith.constant 0 : i32
          %dma_wait3A_72 = tpu.memref_slice %arg4[%add3A_54, %dma_wait3A] : memref<2560x128xi32, #tpu.memory_space<hbm>> -> memref<8x128xi32, #tpu.memory_space<hbm>>
          %dma_wait3A_73 = arith.constant 0 : i32
          %dma_wait3A_74 = tpu.memref_slice %arg4[%add3A_54, %dma_wait3A_73] : memref<2560x128xi32, #tpu.memory_space<hbm>> -> memref<8x128xi32, #tpu.memory_space<hbm>>
          tpu.wait_dma2 semaphore(%run_scoped3A : memref<!tpu.dma_semaphore, #tpu.memory_space<semaphore_mem>>) src(%dma_wait3A_74 : memref<8x128xi32, #tpu.memory_space<hbm>>) dst(%arg7 : memref<8x128xi32, #tpu.memory_space<vmem>>)
          tpu.yield
        }) : () -> ()
        %dma_start3A = arith.constant 0 : i32
        %dma_start3A_55 = arith.constant 0 : i32
        %dma_start3A_56 = tpu.memref_slice %arg6[%dma_start3A, %dma_start3A_55] : memref<8x128xi32, #tpu.memory_space<vmem>> -> memref<1x128xi32, #tpu.memory_space<vmem>>
        %dma_start3A_57 = tpu.memref_squeeze %dma_start3A_56 : memref<1x128xi32, #tpu.memory_space<vmem>> -> memref<128xi32, #tpu.memory_space<vmem>>
        %dma_start3A_58 = arith.constant 0 : i32
        %dma_start3A_59 = arith.constant 0 : i32
        %dma_start3A_60 = tpu.memref_slice %arg2[%dma_start3A_58, %dma_start3A_59] : memref<10000x128xf32, #tpu.memory_space<hbm>> -> memref<10000x128xf32, #tpu.memory_space<hbm>>
        tpu.enqueue_indirect_dma source(%dma_start3A_60 : memref<10000x128xf32, #tpu.memory_space<hbm>>) target(%arg8 : memref<128x128xf32, #tpu.memory_space<vmem>>) offsets(%dma_start3A_57 : memref<128xi32, #tpu.memory_space<vmem>>) semaphore(%arg11 : memref<!tpu.dma_semaphore, #tpu.memory_space<semaphore_mem>>)
        %dma_start3A_61 = arith.constant 1 : i32
        %dma_start3A_62 = arith.constant 0 : i32
        %dma_start3A_63 = tpu.memref_slice %arg6[%dma_start3A_61, %dma_start3A_62] : memref<8x128xi32, #tpu.memory_space<vmem>> -> memref<1x128xi32, #tpu.memory_space<vmem>>
        %dma_start3A_64 = tpu.memref_squeeze %dma_start3A_63 : memref<1x128xi32, #tpu.memory_space<vmem>> -> memref<128xi32, #tpu.memory_space<vmem>>
        %dma_start3A_65 = arith.constant 0 : i32
        %dma_start3A_66 = arith.constant 0 : i32
        %dma_start3A_67 = tpu.memref_slice %arg2[%dma_start3A_65, %dma_start3A_66] : memref<10000x128xf32, #tpu.memory_space<hbm>> -> memref<10000x128xf32, #tpu.memory_space<hbm>>
        tpu.enqueue_indirect_dma source(%dma_start3A_67 : memref<10000x128xf32, #tpu.memory_space<hbm>>) target(%arg9 : memref<128x128xf32, #tpu.memory_space<vmem>>) offsets(%dma_start3A_64 : memref<128xi32, #tpu.memory_space<vmem>>) semaphore(%arg12 : memref<!tpu.dma_semaphore, #tpu.memory_space<semaphore_mem>>)
      } else {
      }
    }
    %barrier3A_37 = arith.constant 0 : index
    tpu.barrier barrier_id(%barrier3A_37)
    "tpu.region"() ({
      %run_scoped3A = tpu.sem_alloc : memref<!tpu.dma_semaphore, #tpu.memory_space<semaphore_mem>>
      %dma_start3A = arith.constant 0 : i32
      %dma_start3A_38 = tpu.memref_slice %arg5[%arg0, %mul3A_0, %dma_start3A] : memref<2x10112x128xf32, #tpu.memory_space<hbm>> -> memref<1x632x128xf32, #tpu.memory_space<hbm>>
      %dma_start3A_39 = tpu.memref_squeeze %dma_start3A_38 : memref<1x632x128xf32, #tpu.memory_space<hbm>> -> memref<632x128xf32, #tpu.memory_space<hbm>>
      %dma_start3A_40 = arith.constant 0 : i32
      %dma_start3A_41 = tpu.memref_slice %arg10[%mul3A_0, %dma_start3A_40] : memref<10112x128xf32, #tpu.memory_space<vmem_shared>> -> memref<632x128xf32, #tpu.memory_space<vmem_shared>>
      tpu.enqueue_dma source(%dma_start3A_41 : memref<632x128xf32, #tpu.memory_space<vmem_shared>>) target(%dma_start3A_39 : memref<632x128xf32, #tpu.memory_space<hbm>>) target_semaphore(%run_scoped3A : memref<!tpu.dma_semaphore, #tpu.memory_space<semaphore_mem>>)
      %dma_wait3A = arith.constant 0 : i32
      %dma_wait3A_42 = tpu.memref_slice %arg5[%arg0, %mul3A_0, %dma_wait3A] : memref<2x10112x128xf32, #tpu.memory_space<hbm>> -> memref<1x632x128xf32, #tpu.memory_space<hbm>>
      %dma_wait3A_43 = tpu.memref_squeeze %dma_wait3A_42 : memref<1x632x128xf32, #tpu.memory_space<hbm>> -> memref<632x128xf32, #tpu.memory_space<hbm>>
      %dma_wait3A_44 = arith.constant 0 : i32
      %dma_wait3A_45 = tpu.memref_slice %arg10[%mul3A_0, %dma_wait3A_44] : memref<10112x128xf32, #tpu.memory_space<vmem_shared>> -> memref<632x128xf32, #tpu.memory_space<vmem_shared>>
      tpu.wait_dma2 semaphore(%run_scoped3A : memref<!tpu.dma_semaphore, #tpu.memory_space<semaphore_mem>>) src(%dma_wait3A_45 : memref<632x128xf32, #tpu.memory_space<vmem_shared>>) dst(%dma_wait3A_43 : memref<632x128xf32, #tpu.memory_space<hbm>>)
      tpu.yield
    }) : () -> ()
    return
  }
}

#map = affine_map<(d0, d1) -> (0, 0)>
#map1 = affine_map<(d0, d1) -> (0, 0, 0)>
module attributes {stable_mosaic.version = 14 : i64} {
  func.func @_edge_pass(%arg0: i32, %arg1: i32, %arg2: memref<10000x128xf32, #tpu.memory_space<hbm>>, %arg3: memref<2560x128xi32, #tpu.memory_space<hbm>>, %arg4: memref<2560x128xi32, #tpu.memory_space<hbm>>, %arg5: memref<2x10112x128xf32, #tpu.memory_space<hbm>>, %arg6: memref<8x128xi32, #tpu.memory_space<vmem>>, %arg7: memref<8x128xi32, #tpu.memory_space<vmem>>, %arg8: memref<128x128xf32, #tpu.memory_space<vmem>>, %arg9: memref<128x128xf32, #tpu.memory_space<vmem>>, %arg10: memref<10112x128xf32, #tpu.memory_space<vmem_shared>>, %arg11: memref<!tpu.dma_semaphore, #tpu.memory_space<semaphore_mem>>, %arg12: memref<!tpu.dma_semaphore, #tpu.memory_space<semaphore_mem>>) attributes {dimension_semantics = [#tpu.dimension_semantics<core_parallel>, #tpu.dimension_semantics<subcore_parallel>], iteration_bounds = array<i64: 2, 16>, scalar_prefetch = 0 : i64, scratch_operands = 7 : i64, tpu.core_type = #tpu.core_type<sc_vector_subcore>, window_params = [{transform_indices = #map}, {transform_indices = #map}, {transform_indices = #map}, {transform_indices = #map1}]} {
    %mul3A = arith.constant 632 : i32
    %mul3A_0 = arith.muli %arg1, %mul3A : i32
    %eq3A = arith.constant 0 : i32
    %eq3A_1 = arith.cmpi eq, %arg0, %eq3A : i32
    %mul3A_2 = arith.constant 152 : i32
    %mul3A_3 = arith.muli %mul3A_2, %arg1 : i32
    %mul3A_4 = arith.constant 8 : i32
    %mul3A_5 = arith.muli %mul3A_4, %arg1 : i32
    %add3A = arith.constant 2432 : i32
    %add3A_6 = arith.addi %add3A, %mul3A_5 : i32
    %select_n3A = arith.select %eq3A_1, %mul3A_3, %add3A_6 : i32
    %eq3A_7 = arith.constant 0 : i32
    %eq3A_8 = arith.cmpi eq, %arg0, %eq3A_7 : i32
    %jit3A = arith.constant 19 : i32
    %jit3A_9 = arith.constant 1 : i32
    %select_n3A_10 = arith.select %eq3A_8, %jit3A, %jit3A_9 : i32
    %scan3A = arith.constant 0 : i32
    %scan3A_11 = arith.constant 0 : i32
    %scan3A_12 = arith.constant 128 : i32
    %scan3A_13 = arith.addi %scan3A_11, %scan3A_12 : i32
    %scan3A_14 = arith.constant 1 : i32
    scf.for %scan3A_38 = %scan3A_11 to %scan3A_13 step %scan3A_14  : i32 {
      %broadcast_in_dim3A = arith.constant 0.000000e+00 : f32
      %broadcast_in_dim3A_39 = vector.broadcast %broadcast_in_dim3A : f32 to vector<16xf32>
      %swap3A = arith.index_cast %scan3A_38 : i32 to index
      %swap3A_40 = arith.constant 0 : index
      %swap3A_41 = tpu.vector_load %arg8[%swap3A, %swap3A_40] {strides = array<i32>} : memref<128x128xf32, #tpu.memory_space<vmem>>, vector<1x16xf32>,
      %swap3A_42 = vector.shape_cast %swap3A_41 : vector<1x16xf32> to vector<16xf32>
      %swap3A_43 = vector.shape_cast %broadcast_in_dim3A_39 : vector<16xf32> to vector<1x16xf32>
      tpu.vector_store %arg8[%swap3A, %swap3A_40], %swap3A_43 {strides = array<i32>} : memref<128x128xf32, #tpu.memory_space<vmem>>, vector<1x16xf32>,
      %broadcast_in_dim3A_44 = arith.constant 0.000000e+00 : f32
      %broadcast_in_dim3A_45 = vector.broadcast %broadcast_in_dim3A_44 : f32 to vector<16xf32>
      %swap3A_46 = arith.index_cast %scan3A_38 : i32 to index
      %swap3A_47 = arith.constant 16 : index
      %swap3A_48 = tpu.vector_load %arg8[%swap3A_46, %swap3A_47] {strides = array<i32>} : memref<128x128xf32, #tpu.memory_space<vmem>>, vector<1x16xf32>,
      %swap3A_49 = vector.shape_cast %swap3A_48 : vector<1x16xf32> to vector<16xf32>
      %swap3A_50 = vector.shape_cast %broadcast_in_dim3A_45 : vector<16xf32> to vector<1x16xf32>
      tpu.vector_store %arg8[%swap3A_46, %swap3A_47], %swap3A_50 {strides = array<i32>} : memref<128x128xf32, #tpu.memory_space<vmem>>, vector<1x16xf32>,
      %broadcast_in_dim3A_51 = arith.constant 0.000000e+00 : f32
      %broadcast_in_dim3A_52 = vector.broadcast %broadcast_in_dim3A_51 : f32 to vector<16xf32>
      %swap3A_53 = arith.index_cast %scan3A_38 : i32 to index
      %swap3A_54 = arith.constant 32 : index
      %swap3A_55 = tpu.vector_load %arg8[%swap3A_53, %swap3A_54] {strides = array<i32>} : memref<128x128xf32, #tpu.memory_space<vmem>>, vector<1x16xf32>,
      %swap3A_56 = vector.shape_cast %swap3A_55 : vector<1x16xf32> to vector<16xf32>
      %swap3A_57 = vector.shape_cast %broadcast_in_dim3A_52 : vector<16xf32> to vector<1x16xf32>
      tpu.vector_store %arg8[%swap3A_53, %swap3A_54], %swap3A_57 {strides = array<i32>} : memref<128x128xf32, #tpu.memory_space<vmem>>, vector<1x16xf32>,
      %broadcast_in_dim3A_58 = arith.constant 0.000000e+00 : f32
      %broadcast_in_dim3A_59 = vector.broadcast %broadcast_in_dim3A_58 : f32 to vector<16xf32>
      %swap3A_60 = arith.index_cast %scan3A_38 : i32 to index
      %swap3A_61 = arith.constant 48 : index
      %swap3A_62 = tpu.vector_load %arg8[%swap3A_60, %swap3A_61] {strides = array<i32>} : memref<128x128xf32, #tpu.memory_space<vmem>>, vector<1x16xf32>,
      %swap3A_63 = vector.shape_cast %swap3A_62 : vector<1x16xf32> to vector<16xf32>
      %swap3A_64 = vector.shape_cast %broadcast_in_dim3A_59 : vector<16xf32> to vector<1x16xf32>
      tpu.vector_store %arg8[%swap3A_60, %swap3A_61], %swap3A_64 {strides = array<i32>} : memref<128x128xf32, #tpu.memory_space<vmem>>, vector<1x16xf32>,
      %broadcast_in_dim3A_65 = arith.constant 0.000000e+00 : f32
      %broadcast_in_dim3A_66 = vector.broadcast %broadcast_in_dim3A_65 : f32 to vector<16xf32>
      %swap3A_67 = arith.index_cast %scan3A_38 : i32 to index
      %swap3A_68 = arith.constant 64 : index
      %swap3A_69 = tpu.vector_load %arg8[%swap3A_67, %swap3A_68] {strides = array<i32>} : memref<128x128xf32, #tpu.memory_space<vmem>>, vector<1x16xf32>,
      %swap3A_70 = vector.shape_cast %swap3A_69 : vector<1x16xf32> to vector<16xf32>
      %swap3A_71 = vector.shape_cast %broadcast_in_dim3A_66 : vector<16xf32> to vector<1x16xf32>
      tpu.vector_store %arg8[%swap3A_67, %swap3A_68], %swap3A_71 {strides = array<i32>} : memref<128x128xf32, #tpu.memory_space<vmem>>, vector<1x16xf32>,
      %broadcast_in_dim3A_72 = arith.constant 0.000000e+00 : f32
      %broadcast_in_dim3A_73 = vector.broadcast %broadcast_in_dim3A_72 : f32 to vector<16xf32>
      %swap3A_74 = arith.index_cast %scan3A_38 : i32 to index
      %swap3A_75 = arith.constant 80 : index
      %swap3A_76 = tpu.vector_load %arg8[%swap3A_74, %swap3A_75] {strides = array<i32>} : memref<128x128xf32, #tpu.memory_space<vmem>>, vector<1x16xf32>,
      %swap3A_77 = vector.shape_cast %swap3A_76 : vector<1x16xf32> to vector<16xf32>
      %swap3A_78 = vector.shape_cast %broadcast_in_dim3A_73 : vector<16xf32> to vector<1x16xf32>
      tpu.vector_store %arg8[%swap3A_74, %swap3A_75], %swap3A_78 {strides = array<i32>} : memref<128x128xf32, #tpu.memory_space<vmem>>, vector<1x16xf32>,
      %broadcast_in_dim3A_79 = arith.constant 0.000000e+00 : f32
      %broadcast_in_dim3A_80 = vector.broadcast %broadcast_in_dim3A_79 : f32 to vector<16xf32>
      %swap3A_81 = arith.index_cast %scan3A_38 : i32 to index
      %swap3A_82 = arith.constant 96 : index
      %swap3A_83 = tpu.vector_load %arg8[%swap3A_81, %swap3A_82] {strides = array<i32>} : memref<128x128xf32, #tpu.memory_space<vmem>>, vector<1x16xf32>,
      %swap3A_84 = vector.shape_cast %swap3A_83 : vector<1x16xf32> to vector<16xf32>
      %swap3A_85 = vector.shape_cast %broadcast_in_dim3A_80 : vector<16xf32> to vector<1x16xf32>
      tpu.vector_store %arg8[%swap3A_81, %swap3A_82], %swap3A_85 {strides = array<i32>} : memref<128x128xf32, #tpu.memory_space<vmem>>, vector<1x16xf32>,
      %broadcast_in_dim3A_86 = arith.constant 0.000000e+00 : f32
      %broadcast_in_dim3A_87 = vector.broadcast %broadcast_in_dim3A_86 : f32 to vector<16xf32>
      %swap3A_88 = arith.index_cast %scan3A_38 : i32 to index
      %swap3A_89 = arith.constant 112 : index
      %swap3A_90 = tpu.vector_load %arg8[%swap3A_88, %swap3A_89] {strides = array<i32>} : memref<128x128xf32, #tpu.memory_space<vmem>>, vector<1x16xf32>,
      %swap3A_91 = vector.shape_cast %swap3A_90 : vector<1x16xf32> to vector<16xf32>
      %swap3A_92 = vector.shape_cast %broadcast_in_dim3A_87 : vector<16xf32> to vector<1x16xf32>
      tpu.vector_store %arg8[%swap3A_88, %swap3A_89], %swap3A_92 {strides = array<i32>} : memref<128x128xf32, #tpu.memory_space<vmem>>, vector<1x16xf32>,
    }
    %scan3A_15 = arith.constant 128 : i32
    %add3A_16 = arith.constant 0 : i32
    %add3A_17 = arith.addi %mul3A_0, %add3A_16 : i32
    "tpu.region"() ({
      %run_scoped3A = tpu.sem_alloc : memref<!tpu.dma_semaphore, #tpu.memory_space<semaphore_mem>>
      %dma_start3A = arith.constant 0 : i32
      %dma_start3A_38 = arith.constant 0 : i32
      %dma_start3A_39 = tpu.memref_slice %arg8[%dma_start3A, %dma_start3A_38] : memref<128x128xf32, #tpu.memory_space<vmem>> -> memref<128x128xf32, #tpu.memory_space<vmem>>
      %dma_start3A_40 = arith.constant 0 : i32
      %dma_start3A_41 = tpu.memref_slice %arg10[%add3A_17, %dma_start3A_40] : memref<10112x128xf32, #tpu.memory_space<vmem_shared>> -> memref<128x128xf32, #tpu.memory_space<vmem_shared>>
      %dma_start3A_42 = arith.constant 0 : i32
      %dma_start3A_43 = tpu.memref_slice %arg10[%add3A_17, %dma_start3A_42] : memref<10112x128xf32, #tpu.memory_space<vmem_shared>> -> memref<128x128xf32, #tpu.memory_space<vmem_shared>>
      %dma_start3A_44 = arith.constant 0 : i32
      %dma_start3A_45 = arith.constant 0 : i32
      %dma_start3A_46 = tpu.memref_slice %arg8[%dma_start3A_44, %dma_start3A_45] : memref<128x128xf32, #tpu.memory_space<vmem>> -> memref<128x128xf32, #tpu.memory_space<vmem>>
      tpu.enqueue_dma source(%dma_start3A_46 : memref<128x128xf32, #tpu.memory_space<vmem>>) target(%dma_start3A_43 : memref<128x128xf32, #tpu.memory_space<vmem_shared>>) target_semaphore(%run_scoped3A : memref<!tpu.dma_semaphore, #tpu.memory_space<semaphore_mem>>)
      %dma_wait3A = arith.constant 0 : i32
      %dma_wait3A_47 = arith.constant 0 : i32
      %dma_wait3A_48 = tpu.memref_slice %arg8[%dma_wait3A, %dma_wait3A_47] : memref<128x128xf32, #tpu.memory_space<vmem>> -> memref<128x128xf32, #tpu.memory_space<vmem>>
      %dma_wait3A_49 = arith.constant 0 : i32
      %dma_wait3A_50 = tpu.memref_slice %arg10[%add3A_17, %dma_wait3A_49] : memref<10112x128xf32, #tpu.memory_space<vmem_shared>> -> memref<128x128xf32, #tpu.memory_space<vmem_shared>>
      %dma_wait3A_51 = arith.constant 0 : i32
      %dma_wait3A_52 = tpu.memref_slice %arg10[%add3A_17, %dma_wait3A_51] : memref<10112x128xf32, #tpu.memory_space<vmem_shared>> -> memref<128x128xf32, #tpu.memory_space<vmem_shared>>
      %dma_wait3A_53 = arith.constant 0 : i32
      %dma_wait3A_54 = arith.constant 0 : i32
      %dma_wait3A_55 = tpu.memref_slice %arg8[%dma_wait3A_53, %dma_wait3A_54] : memref<128x128xf32, #tpu.memory_space<vmem>> -> memref<128x128xf32, #tpu.memory_space<vmem>>
      tpu.wait_dma2 semaphore(%run_scoped3A : memref<!tpu.dma_semaphore, #tpu.memory_space<semaphore_mem>>) src(%dma_wait3A_55 : memref<128x128xf32, #tpu.memory_space<vmem>>) dst(%dma_wait3A_52 : memref<128x128xf32, #tpu.memory_space<vmem_shared>>)
      tpu.yield
    }) : () -> ()
    %add3A_18 = arith.constant 128 : i32
    %add3A_19 = arith.addi %mul3A_0, %add3A_18 : i32
    "tpu.region"() ({
      %run_scoped3A = tpu.sem_alloc : memref<!tpu.dma_semaphore, #tpu.memory_space<semaphore_mem>>
      %dma_start3A = arith.constant 0 : i32
      %dma_start3A_38 = arith.constant 0 : i32
      %dma_start3A_39 = tpu.memref_slice %arg8[%dma_start3A, %dma_start3A_38] : memref<128x128xf32, #tpu.memory_space<vmem>> -> memref<128x128xf32, #tpu.memory_space<vmem>>
      %dma_start3A_40 = arith.constant 0 : i32
      %dma_start3A_41 = tpu.memref_slice %arg10[%add3A_19, %dma_start3A_40] : memref<10112x128xf32, #tpu.memory_space<vmem_shared>> -> memref<128x128xf32, #tpu.memory_space<vmem_shared>>
      %dma_start3A_42 = arith.constant 0 : i32
      %dma_start3A_43 = tpu.memref_slice %arg10[%add3A_19, %dma_start3A_42] : memref<10112x128xf32, #tpu.memory_space<vmem_shared>> -> memref<128x128xf32, #tpu.memory_space<vmem_shared>>
      %dma_start3A_44 = arith.constant 0 : i32
      %dma_start3A_45 = arith.constant 0 : i32
      %dma_start3A_46 = tpu.memref_slice %arg8[%dma_start3A_44, %dma_start3A_45] : memref<128x128xf32, #tpu.memory_space<vmem>> -> memref<128x128xf32, #tpu.memory_space<vmem>>
      tpu.enqueue_dma source(%dma_start3A_46 : memref<128x128xf32, #tpu.memory_space<vmem>>) target(%dma_start3A_43 : memref<128x128xf32, #tpu.memory_space<vmem_shared>>) target_semaphore(%run_scoped3A : memref<!tpu.dma_semaphore, #tpu.memory_space<semaphore_mem>>)
      %dma_wait3A = arith.constant 0 : i32
      %dma_wait3A_47 = arith.constant 0 : i32
      %dma_wait3A_48 = tpu.memref_slice %arg8[%dma_wait3A, %dma_wait3A_47] : memref<128x128xf32, #tpu.memory_space<vmem>> -> memref<128x128xf32, #tpu.memory_space<vmem>>
      %dma_wait3A_49 = arith.constant 0 : i32
      %dma_wait3A_50 = tpu.memref_slice %arg10[%add3A_19, %dma_wait3A_49] : memref<10112x128xf32, #tpu.memory_space<vmem_shared>> -> memref<128x128xf32, #tpu.memory_space<vmem_shared>>
      %dma_wait3A_51 = arith.constant 0 : i32
      %dma_wait3A_52 = tpu.memref_slice %arg10[%add3A_19, %dma_wait3A_51] : memref<10112x128xf32, #tpu.memory_space<vmem_shared>> -> memref<128x128xf32, #tpu.memory_space<vmem_shared>>
      %dma_wait3A_53 = arith.constant 0 : i32
      %dma_wait3A_54 = arith.constant 0 : i32
      %dma_wait3A_55 = tpu.memref_slice %arg8[%dma_wait3A_53, %dma_wait3A_54] : memref<128x128xf32, #tpu.memory_space<vmem>> -> memref<128x128xf32, #tpu.memory_space<vmem>>
      tpu.wait_dma2 semaphore(%run_scoped3A : memref<!tpu.dma_semaphore, #tpu.memory_space<semaphore_mem>>) src(%dma_wait3A_55 : memref<128x128xf32, #tpu.memory_space<vmem>>) dst(%dma_wait3A_52 : memref<128x128xf32, #tpu.memory_space<vmem_shared>>)
      tpu.yield
    }) : () -> ()
    %add3A_20 = arith.constant 256 : i32
    %add3A_21 = arith.addi %mul3A_0, %add3A_20 : i32
    "tpu.region"() ({
      %run_scoped3A = tpu.sem_alloc : memref<!tpu.dma_semaphore, #tpu.memory_space<semaphore_mem>>
      %dma_start3A = arith.constant 0 : i32
      %dma_start3A_38 = arith.constant 0 : i32
      %dma_start3A_39 = tpu.memref_slice %arg8[%dma_start3A, %dma_start3A_38] : memref<128x128xf32, #tpu.memory_space<vmem>> -> memref<128x128xf32, #tpu.memory_space<vmem>>
      %dma_start3A_40 = arith.constant 0 : i32
      %dma_start3A_41 = tpu.memref_slice %arg10[%add3A_21, %dma_start3A_40] : memref<10112x128xf32, #tpu.memory_space<vmem_shared>> -> memref<128x128xf32, #tpu.memory_space<vmem_shared>>
      %dma_start3A_42 = arith.constant 0 : i32
      %dma_start3A_43 = tpu.memref_slice %arg10[%add3A_21, %dma_start3A_42] : memref<10112x128xf32, #tpu.memory_space<vmem_shared>> -> memref<128x128xf32, #tpu.memory_space<vmem_shared>>
      %dma_start3A_44 = arith.constant 0 : i32
      %dma_start3A_45 = arith.constant 0 : i32
      %dma_start3A_46 = tpu.memref_slice %arg8[%dma_start3A_44, %dma_start3A_45] : memref<128x128xf32, #tpu.memory_space<vmem>> -> memref<128x128xf32, #tpu.memory_space<vmem>>
      tpu.enqueue_dma source(%dma_start3A_46 : memref<128x128xf32, #tpu.memory_space<vmem>>) target(%dma_start3A_43 : memref<128x128xf32, #tpu.memory_space<vmem_shared>>) target_semaphore(%run_scoped3A : memref<!tpu.dma_semaphore, #tpu.memory_space<semaphore_mem>>)
      %dma_wait3A = arith.constant 0 : i32
      %dma_wait3A_47 = arith.constant 0 : i32
      %dma_wait3A_48 = tpu.memref_slice %arg8[%dma_wait3A, %dma_wait3A_47] : memref<128x128xf32, #tpu.memory_space<vmem>> -> memref<128x128xf32, #tpu.memory_space<vmem>>
      %dma_wait3A_49 = arith.constant 0 : i32
      %dma_wait3A_50 = tpu.memref_slice %arg10[%add3A_21, %dma_wait3A_49] : memref<10112x128xf32, #tpu.memory_space<vmem_shared>> -> memref<128x128xf32, #tpu.memory_space<vmem_shared>>
      %dma_wait3A_51 = arith.constant 0 : i32
      %dma_wait3A_52 = tpu.memref_slice %arg10[%add3A_21, %dma_wait3A_51] : memref<10112x128xf32, #tpu.memory_space<vmem_shared>> -> memref<128x128xf32, #tpu.memory_space<vmem_shared>>
      %dma_wait3A_53 = arith.constant 0 : i32
      %dma_wait3A_54 = arith.constant 0 : i32
      %dma_wait3A_55 = tpu.memref_slice %arg8[%dma_wait3A_53, %dma_wait3A_54] : memref<128x128xf32, #tpu.memory_space<vmem>> -> memref<128x128xf32, #tpu.memory_space<vmem>>
      tpu.wait_dma2 semaphore(%run_scoped3A : memref<!tpu.dma_semaphore, #tpu.memory_space<semaphore_mem>>) src(%dma_wait3A_55 : memref<128x128xf32, #tpu.memory_space<vmem>>) dst(%dma_wait3A_52 : memref<128x128xf32, #tpu.memory_space<vmem_shared>>)
      tpu.yield
    }) : () -> ()
    %add3A_22 = arith.constant 384 : i32
    %add3A_23 = arith.addi %mul3A_0, %add3A_22 : i32
    "tpu.region"() ({
      %run_scoped3A = tpu.sem_alloc : memref<!tpu.dma_semaphore, #tpu.memory_space<semaphore_mem>>
      %dma_start3A = arith.constant 0 : i32
      %dma_start3A_38 = arith.constant 0 : i32
      %dma_start3A_39 = tpu.memref_slice %arg8[%dma_start3A, %dma_start3A_38] : memref<128x128xf32, #tpu.memory_space<vmem>> -> memref<128x128xf32, #tpu.memory_space<vmem>>
      %dma_start3A_40 = arith.constant 0 : i32
      %dma_start3A_41 = tpu.memref_slice %arg10[%add3A_23, %dma_start3A_40] : memref<10112x128xf32, #tpu.memory_space<vmem_shared>> -> memref<128x128xf32, #tpu.memory_space<vmem_shared>>
      %dma_start3A_42 = arith.constant 0 : i32
      %dma_start3A_43 = tpu.memref_slice %arg10[%add3A_23, %dma_start3A_42] : memref<10112x128xf32, #tpu.memory_space<vmem_shared>> -> memref<128x128xf32, #tpu.memory_space<vmem_shared>>
      %dma_start3A_44 = arith.constant 0 : i32
      %dma_start3A_45 = arith.constant 0 : i32
      %dma_start3A_46 = tpu.memref_slice %arg8[%dma_start3A_44, %dma_start3A_45] : memref<128x128xf32, #tpu.memory_space<vmem>> -> memref<128x128xf32, #tpu.memory_space<vmem>>
      tpu.enqueue_dma source(%dma_start3A_46 : memref<128x128xf32, #tpu.memory_space<vmem>>) target(%dma_start3A_43 : memref<128x128xf32, #tpu.memory_space<vmem_shared>>) target_semaphore(%run_scoped3A : memref<!tpu.dma_semaphore, #tpu.memory_space<semaphore_mem>>)
      %dma_wait3A = arith.constant 0 : i32
      %dma_wait3A_47 = arith.constant 0 : i32
      %dma_wait3A_48 = tpu.memref_slice %arg8[%dma_wait3A, %dma_wait3A_47] : memref<128x128xf32, #tpu.memory_space<vmem>> -> memref<128x128xf32, #tpu.memory_space<vmem>>
      %dma_wait3A_49 = arith.constant 0 : i32
      %dma_wait3A_50 = tpu.memref_slice %arg10[%add3A_23, %dma_wait3A_49] : memref<10112x128xf32, #tpu.memory_space<vmem_shared>> -> memref<128x128xf32, #tpu.memory_space<vmem_shared>>
      %dma_wait3A_51 = arith.constant 0 : i32
      %dma_wait3A_52 = tpu.memref_slice %arg10[%add3A_23, %dma_wait3A_51] : memref<10112x128xf32, #tpu.memory_space<vmem_shared>> -> memref<128x128xf32, #tpu.memory_space<vmem_shared>>
      %dma_wait3A_53 = arith.constant 0 : i32
      %dma_wait3A_54 = arith.constant 0 : i32
      %dma_wait3A_55 = tpu.memref_slice %arg8[%dma_wait3A_53, %dma_wait3A_54] : memref<128x128xf32, #tpu.memory_space<vmem>> -> memref<128x128xf32, #tpu.memory_space<vmem>>
      tpu.wait_dma2 semaphore(%run_scoped3A : memref<!tpu.dma_semaphore, #tpu.memory_space<semaphore_mem>>) src(%dma_wait3A_55 : memref<128x128xf32, #tpu.memory_space<vmem>>) dst(%dma_wait3A_52 : memref<128x128xf32, #tpu.memory_space<vmem_shared>>)
      tpu.yield
    }) : () -> ()
    %add3A_24 = arith.constant 512 : i32
    %add3A_25 = arith.addi %mul3A_0, %add3A_24 : i32
    "tpu.region"() ({
      %run_scoped3A = tpu.sem_alloc : memref<!tpu.dma_semaphore, #tpu.memory_space<semaphore_mem>>
      %dma_start3A = arith.constant 0 : i32
      %dma_start3A_38 = arith.constant 0 : i32
      %dma_start3A_39 = tpu.memref_slice %arg8[%dma_start3A, %dma_start3A_38] : memref<128x128xf32, #tpu.memory_space<vmem>> -> memref<120x128xf32, #tpu.memory_space<vmem>>
      %dma_start3A_40 = arith.constant 0 : i32
      %dma_start3A_41 = tpu.memref_slice %arg10[%add3A_25, %dma_start3A_40] : memref<10112x128xf32, #tpu.memory_space<vmem_shared>> -> memref<120x128xf32, #tpu.memory_space<vmem_shared>>
      %dma_start3A_42 = arith.constant 0 : i32
      %dma_start3A_43 = tpu.memref_slice %arg10[%add3A_25, %dma_start3A_42] : memref<10112x128xf32, #tpu.memory_space<vmem_shared>> -> memref<120x128xf32, #tpu.memory_space<vmem_shared>>
      %dma_start3A_44 = arith.constant 0 : i32
      %dma_start3A_45 = arith.constant 0 : i32
      %dma_start3A_46 = tpu.memref_slice %arg8[%dma_start3A_44, %dma_start3A_45] : memref<128x128xf32, #tpu.memory_space<vmem>> -> memref<120x128xf32, #tpu.memory_space<vmem>>
      tpu.enqueue_dma source(%dma_start3A_46 : memref<120x128xf32, #tpu.memory_space<vmem>>) target(%dma_start3A_43 : memref<120x128xf32, #tpu.memory_space<vmem_shared>>) target_semaphore(%run_scoped3A : memref<!tpu.dma_semaphore, #tpu.memory_space<semaphore_mem>>)
      %dma_wait3A = arith.constant 0 : i32
      %dma_wait3A_47 = arith.constant 0 : i32
      %dma_wait3A_48 = tpu.memref_slice %arg8[%dma_wait3A, %dma_wait3A_47] : memref<128x128xf32, #tpu.memory_space<vmem>> -> memref<120x128xf32, #tpu.memory_space<vmem>>
      %dma_wait3A_49 = arith.constant 0 : i32
      %dma_wait3A_50 = tpu.memref_slice %arg10[%add3A_25, %dma_wait3A_49] : memref<10112x128xf32, #tpu.memory_space<vmem_shared>> -> memref<120x128xf32, #tpu.memory_space<vmem_shared>>
      %dma_wait3A_51 = arith.constant 0 : i32
      %dma_wait3A_52 = tpu.memref_slice %arg10[%add3A_25, %dma_wait3A_51] : memref<10112x128xf32, #tpu.memory_space<vmem_shared>> -> memref<120x128xf32, #tpu.memory_space<vmem_shared>>
      %dma_wait3A_53 = arith.constant 0 : i32
      %dma_wait3A_54 = arith.constant 0 : i32
      %dma_wait3A_55 = tpu.memref_slice %arg8[%dma_wait3A_53, %dma_wait3A_54] : memref<128x128xf32, #tpu.memory_space<vmem>> -> memref<120x128xf32, #tpu.memory_space<vmem>>
      tpu.wait_dma2 semaphore(%run_scoped3A : memref<!tpu.dma_semaphore, #tpu.memory_space<semaphore_mem>>) src(%dma_wait3A_55 : memref<120x128xf32, #tpu.memory_space<vmem>>) dst(%dma_wait3A_52 : memref<120x128xf32, #tpu.memory_space<vmem_shared>>)
      tpu.yield
    }) : () -> ()
    %barrier3A = arith.constant 0 : index
    tpu.barrier barrier_id(%barrier3A)
    %gt3A = arith.constant 0 : i32
    %gt3A_26 = arith.cmpi sgt, %select_n3A_10, %gt3A : i32
    %convert_element_type3A = arith.extui %gt3A_26 : i1 to i32
    %cond3A = arith.constant 0 : i32
    %cond3A_27 = arith.cmpi ne, %convert_element_type3A, %cond3A : i32
    scf.if %cond3A_27 {
      "tpu.region"() ({
        %run_scoped3A = tpu.sem_alloc : memref<!tpu.dma_semaphore, #tpu.memory_space<semaphore_mem>>
        %dma_start3A_51 = arith.constant 0 : i32
        %dma_start3A_52 = tpu.memref_slice %arg3[%select_n3A, %dma_start3A_51] : memref<2560x128xi32, #tpu.memory_space<hbm>> -> memref<8x128xi32, #tpu.memory_space<hbm>>
        %dma_start3A_53 = arith.constant 0 : i32
        %dma_start3A_54 = tpu.memref_slice %arg3[%select_n3A, %dma_start3A_53] : memref<2560x128xi32, #tpu.memory_space<hbm>> -> memref<8x128xi32, #tpu.memory_space<hbm>>
        tpu.enqueue_dma source(%dma_start3A_54 : memref<8x128xi32, #tpu.memory_space<hbm>>) target(%arg6 : memref<8x128xi32, #tpu.memory_space<vmem>>) target_semaphore(%run_scoped3A : memref<!tpu.dma_semaphore, #tpu.memory_space<semaphore_mem>>)
        %dma_wait3A = arith.constant 0 : i32
        %dma_wait3A_55 = tpu.memref_slice %arg3[%select_n3A, %dma_wait3A] : memref<2560x128xi32, #tpu.memory_space<hbm>> -> memref<8x128xi32, #tpu.memory_space<hbm>>
        %dma_wait3A_56 = arith.constant 0 : i32
        %dma_wait3A_57 = tpu.memref_slice %arg3[%select_n3A, %dma_wait3A_56] : memref<2560x128xi32, #tpu.memory_space<hbm>> -> memref<8x128xi32, #tpu.memory_space<hbm>>
        tpu.wait_dma2 semaphore(%run_scoped3A : memref<!tpu.dma_semaphore, #tpu.memory_space<semaphore_mem>>) src(%dma_wait3A_57 : memref<8x128xi32, #tpu.memory_space<hbm>>) dst(%arg6 : memref<8x128xi32, #tpu.memory_space<vmem>>)
        tpu.yield
      }) : () -> ()
      "tpu.region"() ({
        %run_scoped3A = tpu.sem_alloc : memref<!tpu.dma_semaphore, #tpu.memory_space<semaphore_mem>>
        %dma_start3A_51 = arith.constant 0 : i32
        %dma_start3A_52 = tpu.memref_slice %arg4[%select_n3A, %dma_start3A_51] : memref<2560x128xi32, #tpu.memory_space<hbm>> -> memref<8x128xi32, #tpu.memory_space<hbm>>
        %dma_start3A_53 = arith.constant 0 : i32
        %dma_start3A_54 = tpu.memref_slice %arg4[%select_n3A, %dma_start3A_53] : memref<2560x128xi32, #tpu.memory_space<hbm>> -> memref<8x128xi32, #tpu.memory_space<hbm>>
        tpu.enqueue_dma source(%dma_start3A_54 : memref<8x128xi32, #tpu.memory_space<hbm>>) target(%arg7 : memref<8x128xi32, #tpu.memory_space<vmem>>) target_semaphore(%run_scoped3A : memref<!tpu.dma_semaphore, #tpu.memory_space<semaphore_mem>>)
        %dma_wait3A = arith.constant 0 : i32
        %dma_wait3A_55 = tpu.memref_slice %arg4[%select_n3A, %dma_wait3A] : memref<2560x128xi32, #tpu.memory_space<hbm>> -> memref<8x128xi32, #tpu.memory_space<hbm>>
        %dma_wait3A_56 = arith.constant 0 : i32
        %dma_wait3A_57 = tpu.memref_slice %arg4[%select_n3A, %dma_wait3A_56] : memref<2560x128xi32, #tpu.memory_space<hbm>> -> memref<8x128xi32, #tpu.memory_space<hbm>>
        tpu.wait_dma2 semaphore(%run_scoped3A : memref<!tpu.dma_semaphore, #tpu.memory_space<semaphore_mem>>) src(%dma_wait3A_57 : memref<8x128xi32, #tpu.memory_space<hbm>>) dst(%arg7 : memref<8x128xi32, #tpu.memory_space<vmem>>)
        tpu.yield
      }) : () -> ()
      %dma_start3A = arith.constant 0 : i32
      %dma_start3A_38 = arith.constant 0 : i32
      %dma_start3A_39 = tpu.memref_slice %arg6[%dma_start3A, %dma_start3A_38] : memref<8x128xi32, #tpu.memory_space<vmem>> -> memref<1x128xi32, #tpu.memory_space<vmem>>
      %dma_start3A_40 = tpu.memref_squeeze %dma_start3A_39 : memref<1x128xi32, #tpu.memory_space<vmem>> -> memref<128xi32, #tpu.memory_space<vmem>>
      %dma_start3A_41 = arith.constant 0 : i32
      %dma_start3A_42 = arith.constant 0 : i32
      %dma_start3A_43 = tpu.memref_slice %arg2[%dma_start3A_41, %dma_start3A_42] : memref<10000x128xf32, #tpu.memory_space<hbm>> -> memref<10000x128xf32, #tpu.memory_space<hbm>>
      tpu.enqueue_indirect_dma source(%dma_start3A_43 : memref<10000x128xf32, #tpu.memory_space<hbm>>) target(%arg8 : memref<128x128xf32, #tpu.memory_space<vmem>>) offsets(%dma_start3A_40 : memref<128xi32, #tpu.memory_space<vmem>>) semaphore(%arg11 : memref<!tpu.dma_semaphore, #tpu.memory_space<semaphore_mem>>)
      %dma_start3A_44 = arith.constant 1 : i32
      %dma_start3A_45 = arith.constant 0 : i32
      %dma_start3A_46 = tpu.memref_slice %arg6[%dma_start3A_44, %dma_start3A_45] : memref<8x128xi32, #tpu.memory_space<vmem>> -> memref<1x128xi32, #tpu.memory_space<vmem>>
      %dma_start3A_47 = tpu.memref_squeeze %dma_start3A_46 : memref<1x128xi32, #tpu.memory_space<vmem>> -> memref<128xi32, #tpu.memory_space<vmem>>
      %dma_start3A_48 = arith.constant 0 : i32
      %dma_start3A_49 = arith.constant 0 : i32
      %dma_start3A_50 = tpu.memref_slice %arg2[%dma_start3A_48, %dma_start3A_49] : memref<10000x128xf32, #tpu.memory_space<hbm>> -> memref<10000x128xf32, #tpu.memory_space<hbm>>
      tpu.enqueue_indirect_dma source(%dma_start3A_50 : memref<10000x128xf32, #tpu.memory_space<hbm>>) target(%arg9 : memref<128x128xf32, #tpu.memory_space<vmem>>) offsets(%dma_start3A_47 : memref<128xi32, #tpu.memory_space<vmem>>) semaphore(%arg12 : memref<!tpu.dma_semaphore, #tpu.memory_space<semaphore_mem>>)
    } else {
    }
    %while3A = arith.constant 0 : i32
    %while3A_28 = arith.constant 0 : i32
    %while3A_29 = arith.subi %select_n3A_10, %while3A_28 : i32
    %while3A_30 = arith.addi %while3A_28, %while3A_29 : i32
    %while3A_31 = arith.constant 1 : i32
    %while3A_32 = arith.divsi %while3A_29, %while3A_31 : i32
    %while3A_33 = arith.muli %while3A_32, %while3A_31 : i32
    %while3A_34 = arith.addi %while3A_28, %while3A_33 : i32
    %while3A_35 = arith.constant 1 : i32
    scf.for %while3A_38 = %while3A_28 to %while3A_34 step %while3A_35  : i32 {
      %scan3A_39 = arith.constant 0 : i32
      %scan3A_40 = arith.constant 0 : i32
      %scan3A_41 = arith.constant 4 : i32
      %scan3A_42 = arith.addi %scan3A_40, %scan3A_41 : i32
      %scan3A_43 = arith.constant 1 : i32
      scf.for %scan3A_50 = %scan3A_40 to %scan3A_42 step %scan3A_43  : i32 {
        %mul3A_51 = arith.constant 2 : i32
        %mul3A_52 = arith.muli %mul3A_51, %scan3A_50 : i32
        %add3A_53 = arith.constant 0 : i32
        %add3A_54 = arith.addi %mul3A_52, %add3A_53 : i32
        %dma_wait3A = arith.constant 0 : i32
        %dma_wait3A_55 = tpu.memref_slice %arg6[%add3A_54, %dma_wait3A] : memref<8x128xi32, #tpu.memory_space<vmem>> -> memref<1x128xi32, #tpu.memory_space<vmem>>
        %dma_wait3A_56 = tpu.memref_squeeze %dma_wait3A_55 : memref<1x128xi32, #tpu.memory_space<vmem>> -> memref<128xi32, #tpu.memory_space<vmem>>
        %dma_wait3A_57 = arith.constant 0 : i32
        %dma_wait3A_58 = arith.constant 0 : i32
        %dma_wait3A_59 = tpu.memref_slice %arg2[%dma_wait3A_57, %dma_wait3A_58] : memref<10000x128xf32, #tpu.memory_space<hbm>> -> memref<10000x128xf32, #tpu.memory_space<hbm>>
        tpu.wait_indirect_dma semaphore(%arg11 : memref<!tpu.dma_semaphore, #tpu.memory_space<semaphore_mem>>) src(%dma_wait3A_59 : memref<10000x128xf32, #tpu.memory_space<hbm>>) dst(%arg8 : memref<128x128xf32, #tpu.memory_space<vmem>>)
        "tpu.region"() ({
          %run_scoped3A = tpu.sem_alloc : memref<!tpu.dma_semaphore, #tpu.memory_space<semaphore_mem>>
          %dma_start3A = arith.constant 0 : i32
          %dma_start3A_84 = tpu.memref_slice %arg7[%add3A_54, %dma_start3A] : memref<8x128xi32, #tpu.memory_space<vmem>> -> memref<1x128xi32, #tpu.memory_space<vmem>>
          %dma_start3A_85 = tpu.memref_squeeze %dma_start3A_84 : memref<1x128xi32, #tpu.memory_space<vmem>> -> memref<128xi32, #tpu.memory_space<vmem>>
          %dma_start3A_86 = arith.constant 0 : i32
          %dma_start3A_87 = arith.constant 0 : i32
          %dma_start3A_88 = tpu.memref_slice %arg10[%dma_start3A_86, %dma_start3A_87] : memref<10112x128xf32, #tpu.memory_space<vmem_shared>> -> memref<10112x128xf32, #tpu.memory_space<vmem_shared>>
          tpu.enqueue_indirect_dma source(%arg8 : memref<128x128xf32, #tpu.memory_space<vmem>>) target(%dma_start3A_88 : memref<10112x128xf32, #tpu.memory_space<vmem_shared>>) offsets(%dma_start3A_85 : memref<128xi32, #tpu.memory_space<vmem>>) semaphore(%run_scoped3A : memref<!tpu.dma_semaphore, #tpu.memory_space<semaphore_mem>>) {add = true}
          %dma_wait3A_89 = arith.constant 0 : i32
          %dma_wait3A_90 = tpu.memref_slice %arg7[%add3A_54, %dma_wait3A_89] : memref<8x128xi32, #tpu.memory_space<vmem>> -> memref<1x128xi32, #tpu.memory_space<vmem>>
          %dma_wait3A_91 = tpu.memref_squeeze %dma_wait3A_90 : memref<1x128xi32, #tpu.memory_space<vmem>> -> memref<128xi32, #tpu.memory_space<vmem>>
          %dma_wait3A_92 = arith.constant 0 : i32
          %dma_wait3A_93 = arith.constant 0 : i32
          %dma_wait3A_94 = tpu.memref_slice %arg10[%dma_wait3A_92, %dma_wait3A_93] : memref<10112x128xf32, #tpu.memory_space<vmem_shared>> -> memref<10112x128xf32, #tpu.memory_space<vmem_shared>>
          tpu.wait_indirect_dma semaphore(%run_scoped3A : memref<!tpu.dma_semaphore, #tpu.memory_space<semaphore_mem>>) src(%arg8 : memref<128x128xf32, #tpu.memory_space<vmem>>) dst(%dma_wait3A_94 : memref<10112x128xf32, #tpu.memory_space<vmem_shared>>)
          tpu.yield
        }) : () -> ()
        %add3A_60 = arith.constant 2 : i32
        %add3A_61 = arith.addi %add3A_54, %add3A_60 : i32
        %lt3A_62 = arith.constant 8 : i32
        %lt3A_63 = arith.cmpi slt, %add3A_61, %lt3A_62 : i32
        %convert_element_type3A_64 = arith.extui %lt3A_63 : i1 to i32
        %cond3A_65 = arith.constant 0 : i32
        %cond3A_66 = arith.cmpi ne, %convert_element_type3A_64, %cond3A_65 : i32
        scf.if %cond3A_66 {
          %add3A_84 = arith.constant 2 : i32
          %add3A_85 = arith.addi %add3A_54, %add3A_84 : i32
          %dma_start3A = arith.constant 0 : i32
          %dma_start3A_86 = tpu.memref_slice %arg6[%add3A_85, %dma_start3A] : memref<8x128xi32, #tpu.memory_space<vmem>> -> memref<1x128xi32, #tpu.memory_space<vmem>>
          %dma_start3A_87 = tpu.memref_squeeze %dma_start3A_86 : memref<1x128xi32, #tpu.memory_space<vmem>> -> memref<128xi32, #tpu.memory_space<vmem>>
          %dma_start3A_88 = arith.constant 0 : i32
          %dma_start3A_89 = arith.constant 0 : i32
          %dma_start3A_90 = tpu.memref_slice %arg2[%dma_start3A_88, %dma_start3A_89] : memref<10000x128xf32, #tpu.memory_space<hbm>> -> memref<10000x128xf32, #tpu.memory_space<hbm>>
          tpu.enqueue_indirect_dma source(%dma_start3A_90 : memref<10000x128xf32, #tpu.memory_space<hbm>>) target(%arg8 : memref<128x128xf32, #tpu.memory_space<vmem>>) offsets(%dma_start3A_87 : memref<128xi32, #tpu.memory_space<vmem>>) semaphore(%arg11 : memref<!tpu.dma_semaphore, #tpu.memory_space<semaphore_mem>>)
        } else {
        }
        %mul3A_67 = arith.constant 2 : i32
        %mul3A_68 = arith.muli %mul3A_67, %scan3A_50 : i32
        %add3A_69 = arith.constant 1 : i32
        %add3A_70 = arith.addi %mul3A_68, %add3A_69 : i32
        %dma_wait3A_71 = arith.constant 0 : i32
        %dma_wait3A_72 = tpu.memref_slice %arg6[%add3A_70, %dma_wait3A_71] : memref<8x128xi32, #tpu.memory_space<vmem>> -> memref<1x128xi32, #tpu.memory_space<vmem>>
        %dma_wait3A_73 = tpu.memref_squeeze %dma_wait3A_72 : memref<1x128xi32, #tpu.memory_space<vmem>> -> memref<128xi32, #tpu.memory_space<vmem>>
        %dma_wait3A_74 = arith.constant 0 : i32
        %dma_wait3A_75 = arith.constant 0 : i32
        %dma_wait3A_76 = tpu.memref_slice %arg2[%dma_wait3A_74, %dma_wait3A_75] : memref<10000x128xf32, #tpu.memory_space<hbm>> -> memref<10000x128xf32, #tpu.memory_space<hbm>>
        tpu.wait_indirect_dma semaphore(%arg12 : memref<!tpu.dma_semaphore, #tpu.memory_space<semaphore_mem>>) src(%dma_wait3A_76 : memref<10000x128xf32, #tpu.memory_space<hbm>>) dst(%arg9 : memref<128x128xf32, #tpu.memory_space<vmem>>)
        "tpu.region"() ({
          %run_scoped3A = tpu.sem_alloc : memref<!tpu.dma_semaphore, #tpu.memory_space<semaphore_mem>>
          %dma_start3A = arith.constant 0 : i32
          %dma_start3A_84 = tpu.memref_slice %arg7[%add3A_70, %dma_start3A] : memref<8x128xi32, #tpu.memory_space<vmem>> -> memref<1x128xi32, #tpu.memory_space<vmem>>
          %dma_start3A_85 = tpu.memref_squeeze %dma_start3A_84 : memref<1x128xi32, #tpu.memory_space<vmem>> -> memref<128xi32, #tpu.memory_space<vmem>>
          %dma_start3A_86 = arith.constant 0 : i32
          %dma_start3A_87 = arith.constant 0 : i32
          %dma_start3A_88 = tpu.memref_slice %arg10[%dma_start3A_86, %dma_start3A_87] : memref<10112x128xf32, #tpu.memory_space<vmem_shared>> -> memref<10112x128xf32, #tpu.memory_space<vmem_shared>>
          tpu.enqueue_indirect_dma source(%arg9 : memref<128x128xf32, #tpu.memory_space<vmem>>) target(%dma_start3A_88 : memref<10112x128xf32, #tpu.memory_space<vmem_shared>>) offsets(%dma_start3A_85 : memref<128xi32, #tpu.memory_space<vmem>>) semaphore(%run_scoped3A : memref<!tpu.dma_semaphore, #tpu.memory_space<semaphore_mem>>) {add = true}
          %dma_wait3A_89 = arith.constant 0 : i32
          %dma_wait3A_90 = tpu.memref_slice %arg7[%add3A_70, %dma_wait3A_89] : memref<8x128xi32, #tpu.memory_space<vmem>> -> memref<1x128xi32, #tpu.memory_space<vmem>>
          %dma_wait3A_91 = tpu.memref_squeeze %dma_wait3A_90 : memref<1x128xi32, #tpu.memory_space<vmem>> -> memref<128xi32, #tpu.memory_space<vmem>>
          %dma_wait3A_92 = arith.constant 0 : i32
          %dma_wait3A_93 = arith.constant 0 : i32
          %dma_wait3A_94 = tpu.memref_slice %arg10[%dma_wait3A_92, %dma_wait3A_93] : memref<10112x128xf32, #tpu.memory_space<vmem_shared>> -> memref<10112x128xf32, #tpu.memory_space<vmem_shared>>
          tpu.wait_indirect_dma semaphore(%run_scoped3A : memref<!tpu.dma_semaphore, #tpu.memory_space<semaphore_mem>>) src(%arg9 : memref<128x128xf32, #tpu.memory_space<vmem>>) dst(%dma_wait3A_94 : memref<10112x128xf32, #tpu.memory_space<vmem_shared>>)
          tpu.yield
        }) : () -> ()
        %add3A_77 = arith.constant 2 : i32
        %add3A_78 = arith.addi %add3A_70, %add3A_77 : i32
        %lt3A_79 = arith.constant 8 : i32
        %lt3A_80 = arith.cmpi slt, %add3A_78, %lt3A_79 : i32
        %convert_element_type3A_81 = arith.extui %lt3A_80 : i1 to i32
        %cond3A_82 = arith.constant 0 : i32
        %cond3A_83 = arith.cmpi ne, %convert_element_type3A_81, %cond3A_82 : i32
        scf.if %cond3A_83 {
          %add3A_84 = arith.constant 2 : i32
          %add3A_85 = arith.addi %add3A_70, %add3A_84 : i32
          %dma_start3A = arith.constant 0 : i32
          %dma_start3A_86 = tpu.memref_slice %arg6[%add3A_85, %dma_start3A] : memref<8x128xi32, #tpu.memory_space<vmem>> -> memref<1x128xi32, #tpu.memory_space<vmem>>
          %dma_start3A_87 = tpu.memref_squeeze %dma_start3A_86 : memref<1x128xi32, #tpu.memory_space<vmem>> -> memref<128xi32, #tpu.memory_space<vmem>>
          %dma_start3A_88 = arith.constant 0 : i32
          %dma_start3A_89 = arith.constant 0 : i32
          %dma_start3A_90 = tpu.memref_slice %arg2[%dma_start3A_88, %dma_start3A_89] : memref<10000x128xf32, #tpu.memory_space<hbm>> -> memref<10000x128xf32, #tpu.memory_space<hbm>>
          tpu.enqueue_indirect_dma source(%dma_start3A_90 : memref<10000x128xf32, #tpu.memory_space<hbm>>) target(%arg9 : memref<128x128xf32, #tpu.memory_space<vmem>>) offsets(%dma_start3A_87 : memref<128xi32, #tpu.memory_space<vmem>>) semaphore(%arg12 : memref<!tpu.dma_semaphore, #tpu.memory_space<semaphore_mem>>)
        } else {
        }
      }
      %scan3A_44 = arith.constant 4 : i32
      %add3A_45 = arith.constant 1 : i32
      %add3A_46 = arith.addi %while3A_38, %add3A_45 : i32
      %lt3A = arith.cmpi slt, %add3A_46, %select_n3A_10 : i32
      %convert_element_type3A_47 = arith.extui %lt3A : i1 to i32
      %cond3A_48 = arith.constant 0 : i32
      %cond3A_49 = arith.cmpi ne, %convert_element_type3A_47, %cond3A_48 : i32
      scf.if %cond3A_49 {
        %add3A_50 = arith.constant 1 : i32
        %add3A_51 = arith.addi %while3A_38, %add3A_50 : i32
        %mul3A_52 = arith.constant 8 : i32
        %mul3A_53 = arith.muli %add3A_51, %mul3A_52 : i32
        %add3A_54 = arith.addi %select_n3A, %mul3A_53 : i32
        "tpu.region"() ({
          %run_scoped3A = tpu.sem_alloc : memref<!tpu.dma_semaphore, #tpu.memory_space<semaphore_mem>>
          %dma_start3A_68 = arith.constant 0 : i32
          %dma_start3A_69 = tpu.memref_slice %arg3[%add3A_54, %dma_start3A_68] : memref<2560x128xi32, #tpu.memory_space<hbm>> -> memref<8x128xi32, #tpu.memory_space<hbm>>
          %dma_start3A_70 = arith.constant 0 : i32
          %dma_start3A_71 = tpu.memref_slice %arg3[%add3A_54, %dma_start3A_70] : memref<2560x128xi32, #tpu.memory_space<hbm>> -> memref<8x128xi32, #tpu.memory_space<hbm>>
          tpu.enqueue_dma source(%dma_start3A_71 : memref<8x128xi32, #tpu.memory_space<hbm>>) target(%arg6 : memref<8x128xi32, #tpu.memory_space<vmem>>) target_semaphore(%run_scoped3A : memref<!tpu.dma_semaphore, #tpu.memory_space<semaphore_mem>>)
          %dma_wait3A = arith.constant 0 : i32
          %dma_wait3A_72 = tpu.memref_slice %arg3[%add3A_54, %dma_wait3A] : memref<2560x128xi32, #tpu.memory_space<hbm>> -> memref<8x128xi32, #tpu.memory_space<hbm>>
          %dma_wait3A_73 = arith.constant 0 : i32
          %dma_wait3A_74 = tpu.memref_slice %arg3[%add3A_54, %dma_wait3A_73] : memref<2560x128xi32, #tpu.memory_space<hbm>> -> memref<8x128xi32, #tpu.memory_space<hbm>>
          tpu.wait_dma2 semaphore(%run_scoped3A : memref<!tpu.dma_semaphore, #tpu.memory_space<semaphore_mem>>) src(%dma_wait3A_74 : memref<8x128xi32, #tpu.memory_space<hbm>>) dst(%arg6 : memref<8x128xi32, #tpu.memory_space<vmem>>)
          tpu.yield
        }) : () -> ()
        "tpu.region"() ({
          %run_scoped3A = tpu.sem_alloc : memref<!tpu.dma_semaphore, #tpu.memory_space<semaphore_mem>>
          %dma_start3A_68 = arith.constant 0 : i32
          %dma_start3A_69 = tpu.memref_slice %arg4[%add3A_54, %dma_start3A_68] : memref<2560x128xi32, #tpu.memory_space<hbm>> -> memref<8x128xi32, #tpu.memory_space<hbm>>
          %dma_start3A_70 = arith.constant 0 : i32
          %dma_start3A_71 = tpu.memref_slice %arg4[%add3A_54, %dma_start3A_70] : memref<2560x128xi32, #tpu.memory_space<hbm>> -> memref<8x128xi32, #tpu.memory_space<hbm>>
          tpu.enqueue_dma source(%dma_start3A_71 : memref<8x128xi32, #tpu.memory_space<hbm>>) target(%arg7 : memref<8x128xi32, #tpu.memory_space<vmem>>) target_semaphore(%run_scoped3A : memref<!tpu.dma_semaphore, #tpu.memory_space<semaphore_mem>>)
          %dma_wait3A = arith.constant 0 : i32
          %dma_wait3A_72 = tpu.memref_slice %arg4[%add3A_54, %dma_wait3A] : memref<2560x128xi32, #tpu.memory_space<hbm>> -> memref<8x128xi32, #tpu.memory_space<hbm>>
          %dma_wait3A_73 = arith.constant 0 : i32
          %dma_wait3A_74 = tpu.memref_slice %arg4[%add3A_54, %dma_wait3A_73] : memref<2560x128xi32, #tpu.memory_space<hbm>> -> memref<8x128xi32, #tpu.memory_space<hbm>>
          tpu.wait_dma2 semaphore(%run_scoped3A : memref<!tpu.dma_semaphore, #tpu.memory_space<semaphore_mem>>) src(%dma_wait3A_74 : memref<8x128xi32, #tpu.memory_space<hbm>>) dst(%arg7 : memref<8x128xi32, #tpu.memory_space<vmem>>)
          tpu.yield
        }) : () -> ()
        %dma_start3A = arith.constant 0 : i32
        %dma_start3A_55 = arith.constant 0 : i32
        %dma_start3A_56 = tpu.memref_slice %arg6[%dma_start3A, %dma_start3A_55] : memref<8x128xi32, #tpu.memory_space<vmem>> -> memref<1x128xi32, #tpu.memory_space<vmem>>
        %dma_start3A_57 = tpu.memref_squeeze %dma_start3A_56 : memref<1x128xi32, #tpu.memory_space<vmem>> -> memref<128xi32, #tpu.memory_space<vmem>>
        %dma_start3A_58 = arith.constant 0 : i32
        %dma_start3A_59 = arith.constant 0 : i32
        %dma_start3A_60 = tpu.memref_slice %arg2[%dma_start3A_58, %dma_start3A_59] : memref<10000x128xf32, #tpu.memory_space<hbm>> -> memref<10000x128xf32, #tpu.memory_space<hbm>>
        tpu.enqueue_indirect_dma source(%dma_start3A_60 : memref<10000x128xf32, #tpu.memory_space<hbm>>) target(%arg8 : memref<128x128xf32, #tpu.memory_space<vmem>>) offsets(%dma_start3A_57 : memref<128xi32, #tpu.memory_space<vmem>>) semaphore(%arg11 : memref<!tpu.dma_semaphore, #tpu.memory_space<semaphore_mem>>)
        %dma_start3A_61 = arith.constant 1 : i32
        %dma_start3A_62 = arith.constant 0 : i32
        %dma_start3A_63 = tpu.memref_slice %arg6[%dma_start3A_61, %dma_start3A_62] : memref<8x128xi32, #tpu.memory_space<vmem>> -> memref<1x128xi32, #tpu.memory_space<vmem>>
        %dma_start3A_64 = tpu.memref_squeeze %dma_start3A_63 : memref<1x128xi32, #tpu.memory_space<vmem>> -> memref<128xi32, #tpu.memory_space<vmem>>
        %dma_start3A_65 = arith.constant 0 : i32
        %dma_start3A_66 = arith.constant 0 : i32
        %dma_start3A_67 = tpu.memref_slice %arg2[%dma_start3A_65, %dma_start3A_66] : memref<10000x128xf32, #tpu.memory_space<hbm>> -> memref<10000x128xf32, #tpu.memory_space<hbm>>
        tpu.enqueue_indirect_dma source(%dma_start3A_67 : memref<10000x128xf32, #tpu.memory_space<hbm>>) target(%arg9 : memref<128x128xf32, #tpu.memory_space<vmem>>) offsets(%dma_start3A_64 : memref<128xi32, #tpu.memory_space<vmem>>) semaphore(%arg12 : memref<!tpu.dma_semaphore, #tpu.memory_space<semaphore_mem>>)
      } else {
      }
    }
    %while3A_36 = arith.constant 1 : i32
    scf.for %while3A_38 = %while3A_34 to %while3A_30 step %while3A_36  : i32 {
      %scan3A_39 = arith.constant 0 : i32
      %scan3A_40 = arith.constant 0 : i32
      %scan3A_41 = arith.constant 4 : i32
      %scan3A_42 = arith.addi %scan3A_40, %scan3A_41 : i32
      %scan3A_43 = arith.constant 1 : i32
      scf.for %scan3A_50 = %scan3A_40 to %scan3A_42 step %scan3A_43  : i32 {
        %mul3A_51 = arith.constant 2 : i32
        %mul3A_52 = arith.muli %mul3A_51, %scan3A_50 : i32
        %add3A_53 = arith.constant 0 : i32
        %add3A_54 = arith.addi %mul3A_52, %add3A_53 : i32
        %dma_wait3A = arith.constant 0 : i32
        %dma_wait3A_55 = tpu.memref_slice %arg6[%add3A_54, %dma_wait3A] : memref<8x128xi32, #tpu.memory_space<vmem>> -> memref<1x128xi32, #tpu.memory_space<vmem>>
        %dma_wait3A_56 = tpu.memref_squeeze %dma_wait3A_55 : memref<1x128xi32, #tpu.memory_space<vmem>> -> memref<128xi32, #tpu.memory_space<vmem>>
        %dma_wait3A_57 = arith.constant 0 : i32
        %dma_wait3A_58 = arith.constant 0 : i32
        %dma_wait3A_59 = tpu.memref_slice %arg2[%dma_wait3A_57, %dma_wait3A_58] : memref<10000x128xf32, #tpu.memory_space<hbm>> -> memref<10000x128xf32, #tpu.memory_space<hbm>>
        tpu.wait_indirect_dma semaphore(%arg11 : memref<!tpu.dma_semaphore, #tpu.memory_space<semaphore_mem>>) src(%dma_wait3A_59 : memref<10000x128xf32, #tpu.memory_space<hbm>>) dst(%arg8 : memref<128x128xf32, #tpu.memory_space<vmem>>)
        "tpu.region"() ({
          %run_scoped3A = tpu.sem_alloc : memref<!tpu.dma_semaphore, #tpu.memory_space<semaphore_mem>>
          %dma_start3A = arith.constant 0 : i32
          %dma_start3A_84 = tpu.memref_slice %arg7[%add3A_54, %dma_start3A] : memref<8x128xi32, #tpu.memory_space<vmem>> -> memref<1x128xi32, #tpu.memory_space<vmem>>
          %dma_start3A_85 = tpu.memref_squeeze %dma_start3A_84 : memref<1x128xi32, #tpu.memory_space<vmem>> -> memref<128xi32, #tpu.memory_space<vmem>>
          %dma_start3A_86 = arith.constant 0 : i32
          %dma_start3A_87 = arith.constant 0 : i32
          %dma_start3A_88 = tpu.memref_slice %arg10[%dma_start3A_86, %dma_start3A_87] : memref<10112x128xf32, #tpu.memory_space<vmem_shared>> -> memref<10112x128xf32, #tpu.memory_space<vmem_shared>>
          tpu.enqueue_indirect_dma source(%arg8 : memref<128x128xf32, #tpu.memory_space<vmem>>) target(%dma_start3A_88 : memref<10112x128xf32, #tpu.memory_space<vmem_shared>>) offsets(%dma_start3A_85 : memref<128xi32, #tpu.memory_space<vmem>>) semaphore(%run_scoped3A : memref<!tpu.dma_semaphore, #tpu.memory_space<semaphore_mem>>) {add = true}
          %dma_wait3A_89 = arith.constant 0 : i32
          %dma_wait3A_90 = tpu.memref_slice %arg7[%add3A_54, %dma_wait3A_89] : memref<8x128xi32, #tpu.memory_space<vmem>> -> memref<1x128xi32, #tpu.memory_space<vmem>>
          %dma_wait3A_91 = tpu.memref_squeeze %dma_wait3A_90 : memref<1x128xi32, #tpu.memory_space<vmem>> -> memref<128xi32, #tpu.memory_space<vmem>>
          %dma_wait3A_92 = arith.constant 0 : i32
          %dma_wait3A_93 = arith.constant 0 : i32
          %dma_wait3A_94 = tpu.memref_slice %arg10[%dma_wait3A_92, %dma_wait3A_93] : memref<10112x128xf32, #tpu.memory_space<vmem_shared>> -> memref<10112x128xf32, #tpu.memory_space<vmem_shared>>
          tpu.wait_indirect_dma semaphore(%run_scoped3A : memref<!tpu.dma_semaphore, #tpu.memory_space<semaphore_mem>>) src(%arg8 : memref<128x128xf32, #tpu.memory_space<vmem>>) dst(%dma_wait3A_94 : memref<10112x128xf32, #tpu.memory_space<vmem_shared>>)
          tpu.yield
        }) : () -> ()
        %add3A_60 = arith.constant 2 : i32
        %add3A_61 = arith.addi %add3A_54, %add3A_60 : i32
        %lt3A_62 = arith.constant 8 : i32
        %lt3A_63 = arith.cmpi slt, %add3A_61, %lt3A_62 : i32
        %convert_element_type3A_64 = arith.extui %lt3A_63 : i1 to i32
        %cond3A_65 = arith.constant 0 : i32
        %cond3A_66 = arith.cmpi ne, %convert_element_type3A_64, %cond3A_65 : i32
        scf.if %cond3A_66 {
          %add3A_84 = arith.constant 2 : i32
          %add3A_85 = arith.addi %add3A_54, %add3A_84 : i32
          %dma_start3A = arith.constant 0 : i32
          %dma_start3A_86 = tpu.memref_slice %arg6[%add3A_85, %dma_start3A] : memref<8x128xi32, #tpu.memory_space<vmem>> -> memref<1x128xi32, #tpu.memory_space<vmem>>
          %dma_start3A_87 = tpu.memref_squeeze %dma_start3A_86 : memref<1x128xi32, #tpu.memory_space<vmem>> -> memref<128xi32, #tpu.memory_space<vmem>>
          %dma_start3A_88 = arith.constant 0 : i32
          %dma_start3A_89 = arith.constant 0 : i32
          %dma_start3A_90 = tpu.memref_slice %arg2[%dma_start3A_88, %dma_start3A_89] : memref<10000x128xf32, #tpu.memory_space<hbm>> -> memref<10000x128xf32, #tpu.memory_space<hbm>>
          tpu.enqueue_indirect_dma source(%dma_start3A_90 : memref<10000x128xf32, #tpu.memory_space<hbm>>) target(%arg8 : memref<128x128xf32, #tpu.memory_space<vmem>>) offsets(%dma_start3A_87 : memref<128xi32, #tpu.memory_space<vmem>>) semaphore(%arg11 : memref<!tpu.dma_semaphore, #tpu.memory_space<semaphore_mem>>)
        } else {
        }
        %mul3A_67 = arith.constant 2 : i32
        %mul3A_68 = arith.muli %mul3A_67, %scan3A_50 : i32
        %add3A_69 = arith.constant 1 : i32
        %add3A_70 = arith.addi %mul3A_68, %add3A_69 : i32
        %dma_wait3A_71 = arith.constant 0 : i32
        %dma_wait3A_72 = tpu.memref_slice %arg6[%add3A_70, %dma_wait3A_71] : memref<8x128xi32, #tpu.memory_space<vmem>> -> memref<1x128xi32, #tpu.memory_space<vmem>>
        %dma_wait3A_73 = tpu.memref_squeeze %dma_wait3A_72 : memref<1x128xi32, #tpu.memory_space<vmem>> -> memref<128xi32, #tpu.memory_space<vmem>>
        %dma_wait3A_74 = arith.constant 0 : i32
        %dma_wait3A_75 = arith.constant 0 : i32
        %dma_wait3A_76 = tpu.memref_slice %arg2[%dma_wait3A_74, %dma_wait3A_75] : memref<10000x128xf32, #tpu.memory_space<hbm>> -> memref<10000x128xf32, #tpu.memory_space<hbm>>
        tpu.wait_indirect_dma semaphore(%arg12 : memref<!tpu.dma_semaphore, #tpu.memory_space<semaphore_mem>>) src(%dma_wait3A_76 : memref<10000x128xf32, #tpu.memory_space<hbm>>) dst(%arg9 : memref<128x128xf32, #tpu.memory_space<vmem>>)
        "tpu.region"() ({
          %run_scoped3A = tpu.sem_alloc : memref<!tpu.dma_semaphore, #tpu.memory_space<semaphore_mem>>
          %dma_start3A = arith.constant 0 : i32
          %dma_start3A_84 = tpu.memref_slice %arg7[%add3A_70, %dma_start3A] : memref<8x128xi32, #tpu.memory_space<vmem>> -> memref<1x128xi32, #tpu.memory_space<vmem>>
          %dma_start3A_85 = tpu.memref_squeeze %dma_start3A_84 : memref<1x128xi32, #tpu.memory_space<vmem>> -> memref<128xi32, #tpu.memory_space<vmem>>
          %dma_start3A_86 = arith.constant 0 : i32
          %dma_start3A_87 = arith.constant 0 : i32
          %dma_start3A_88 = tpu.memref_slice %arg10[%dma_start3A_86, %dma_start3A_87] : memref<10112x128xf32, #tpu.memory_space<vmem_shared>> -> memref<10112x128xf32, #tpu.memory_space<vmem_shared>>
          tpu.enqueue_indirect_dma source(%arg9 : memref<128x128xf32, #tpu.memory_space<vmem>>) target(%dma_start3A_88 : memref<10112x128xf32, #tpu.memory_space<vmem_shared>>) offsets(%dma_start3A_85 : memref<128xi32, #tpu.memory_space<vmem>>) semaphore(%run_scoped3A : memref<!tpu.dma_semaphore, #tpu.memory_space<semaphore_mem>>) {add = true}
          %dma_wait3A_89 = arith.constant 0 : i32
          %dma_wait3A_90 = tpu.memref_slice %arg7[%add3A_70, %dma_wait3A_89] : memref<8x128xi32, #tpu.memory_space<vmem>> -> memref<1x128xi32, #tpu.memory_space<vmem>>
          %dma_wait3A_91 = tpu.memref_squeeze %dma_wait3A_90 : memref<1x128xi32, #tpu.memory_space<vmem>> -> memref<128xi32, #tpu.memory_space<vmem>>
          %dma_wait3A_92 = arith.constant 0 : i32
          %dma_wait3A_93 = arith.constant 0 : i32
          %dma_wait3A_94 = tpu.memref_slice %arg10[%dma_wait3A_92, %dma_wait3A_93] : memref<10112x128xf32, #tpu.memory_space<vmem_shared>> -> memref<10112x128xf32, #tpu.memory_space<vmem_shared>>
          tpu.wait_indirect_dma semaphore(%run_scoped3A : memref<!tpu.dma_semaphore, #tpu.memory_space<semaphore_mem>>) src(%arg9 : memref<128x128xf32, #tpu.memory_space<vmem>>) dst(%dma_wait3A_94 : memref<10112x128xf32, #tpu.memory_space<vmem_shared>>)
          tpu.yield
        }) : () -> ()
        %add3A_77 = arith.constant 2 : i32
        %add3A_78 = arith.addi %add3A_70, %add3A_77 : i32
        %lt3A_79 = arith.constant 8 : i32
        %lt3A_80 = arith.cmpi slt, %add3A_78, %lt3A_79 : i32
        %convert_element_type3A_81 = arith.extui %lt3A_80 : i1 to i32
        %cond3A_82 = arith.constant 0 : i32
        %cond3A_83 = arith.cmpi ne, %convert_element_type3A_81, %cond3A_82 : i32
        scf.if %cond3A_83 {
          %add3A_84 = arith.constant 2 : i32
          %add3A_85 = arith.addi %add3A_70, %add3A_84 : i32
          %dma_start3A = arith.constant 0 : i32
          %dma_start3A_86 = tpu.memref_slice %arg6[%add3A_85, %dma_start3A] : memref<8x128xi32, #tpu.memory_space<vmem>> -> memref<1x128xi32, #tpu.memory_space<vmem>>
          %dma_start3A_87 = tpu.memref_squeeze %dma_start3A_86 : memref<1x128xi32, #tpu.memory_space<vmem>> -> memref<128xi32, #tpu.memory_space<vmem>>
          %dma_start3A_88 = arith.constant 0 : i32
          %dma_start3A_89 = arith.constant 0 : i32
          %dma_start3A_90 = tpu.memref_slice %arg2[%dma_start3A_88, %dma_start3A_89] : memref<10000x128xf32, #tpu.memory_space<hbm>> -> memref<10000x128xf32, #tpu.memory_space<hbm>>
          tpu.enqueue_indirect_dma source(%dma_start3A_90 : memref<10000x128xf32, #tpu.memory_space<hbm>>) target(%arg9 : memref<128x128xf32, #tpu.memory_space<vmem>>) offsets(%dma_start3A_87 : memref<128xi32, #tpu.memory_space<vmem>>) semaphore(%arg12 : memref<!tpu.dma_semaphore, #tpu.memory_space<semaphore_mem>>)
        } else {
        }
      }
      %scan3A_44 = arith.constant 4 : i32
      %add3A_45 = arith.constant 1 : i32
      %add3A_46 = arith.addi %while3A_38, %add3A_45 : i32
      %lt3A = arith.cmpi slt, %add3A_46, %select_n3A_10 : i32
      %convert_element_type3A_47 = arith.extui %lt3A : i1 to i32
      %cond3A_48 = arith.constant 0 : i32
      %cond3A_49 = arith.cmpi ne, %convert_element_type3A_47, %cond3A_48 : i32
      scf.if %cond3A_49 {
        %add3A_50 = arith.constant 1 : i32
        %add3A_51 = arith.addi %while3A_38, %add3A_50 : i32
        %mul3A_52 = arith.constant 8 : i32
        %mul3A_53 = arith.muli %add3A_51, %mul3A_52 : i32
        %add3A_54 = arith.addi %select_n3A, %mul3A_53 : i32
        "tpu.region"() ({
          %run_scoped3A = tpu.sem_alloc : memref<!tpu.dma_semaphore, #tpu.memory_space<semaphore_mem>>
          %dma_start3A_68 = arith.constant 0 : i32
          %dma_start3A_69 = tpu.memref_slice %arg3[%add3A_54, %dma_start3A_68] : memref<2560x128xi32, #tpu.memory_space<hbm>> -> memref<8x128xi32, #tpu.memory_space<hbm>>
          %dma_start3A_70 = arith.constant 0 : i32
          %dma_start3A_71 = tpu.memref_slice %arg3[%add3A_54, %dma_start3A_70] : memref<2560x128xi32, #tpu.memory_space<hbm>> -> memref<8x128xi32, #tpu.memory_space<hbm>>
          tpu.enqueue_dma source(%dma_start3A_71 : memref<8x128xi32, #tpu.memory_space<hbm>>) target(%arg6 : memref<8x128xi32, #tpu.memory_space<vmem>>) target_semaphore(%run_scoped3A : memref<!tpu.dma_semaphore, #tpu.memory_space<semaphore_mem>>)
          %dma_wait3A = arith.constant 0 : i32
          %dma_wait3A_72 = tpu.memref_slice %arg3[%add3A_54, %dma_wait3A] : memref<2560x128xi32, #tpu.memory_space<hbm>> -> memref<8x128xi32, #tpu.memory_space<hbm>>
          %dma_wait3A_73 = arith.constant 0 : i32
          %dma_wait3A_74 = tpu.memref_slice %arg3[%add3A_54, %dma_wait3A_73] : memref<2560x128xi32, #tpu.memory_space<hbm>> -> memref<8x128xi32, #tpu.memory_space<hbm>>
          tpu.wait_dma2 semaphore(%run_scoped3A : memref<!tpu.dma_semaphore, #tpu.memory_space<semaphore_mem>>) src(%dma_wait3A_74 : memref<8x128xi32, #tpu.memory_space<hbm>>) dst(%arg6 : memref<8x128xi32, #tpu.memory_space<vmem>>)
          tpu.yield
        }) : () -> ()
        "tpu.region"() ({
          %run_scoped3A = tpu.sem_alloc : memref<!tpu.dma_semaphore, #tpu.memory_space<semaphore_mem>>
          %dma_start3A_68 = arith.constant 0 : i32
          %dma_start3A_69 = tpu.memref_slice %arg4[%add3A_54, %dma_start3A_68] : memref<2560x128xi32, #tpu.memory_space<hbm>> -> memref<8x128xi32, #tpu.memory_space<hbm>>
          %dma_start3A_70 = arith.constant 0 : i32
          %dma_start3A_71 = tpu.memref_slice %arg4[%add3A_54, %dma_start3A_70] : memref<2560x128xi32, #tpu.memory_space<hbm>> -> memref<8x128xi32, #tpu.memory_space<hbm>>
          tpu.enqueue_dma source(%dma_start3A_71 : memref<8x128xi32, #tpu.memory_space<hbm>>) target(%arg7 : memref<8x128xi32, #tpu.memory_space<vmem>>) target_semaphore(%run_scoped3A : memref<!tpu.dma_semaphore, #tpu.memory_space<semaphore_mem>>)
          %dma_wait3A = arith.constant 0 : i32
          %dma_wait3A_72 = tpu.memref_slice %arg4[%add3A_54, %dma_wait3A] : memref<2560x128xi32, #tpu.memory_space<hbm>> -> memref<8x128xi32, #tpu.memory_space<hbm>>
          %dma_wait3A_73 = arith.constant 0 : i32
          %dma_wait3A_74 = tpu.memref_slice %arg4[%add3A_54, %dma_wait3A_73] : memref<2560x128xi32, #tpu.memory_space<hbm>> -> memref<8x128xi32, #tpu.memory_space<hbm>>
          tpu.wait_dma2 semaphore(%run_scoped3A : memref<!tpu.dma_semaphore, #tpu.memory_space<semaphore_mem>>) src(%dma_wait3A_74 : memref<8x128xi32, #tpu.memory_space<hbm>>) dst(%arg7 : memref<8x128xi32, #tpu.memory_space<vmem>>)
          tpu.yield
        }) : () -> ()
        %dma_start3A = arith.constant 0 : i32
        %dma_start3A_55 = arith.constant 0 : i32
        %dma_start3A_56 = tpu.memref_slice %arg6[%dma_start3A, %dma_start3A_55] : memref<8x128xi32, #tpu.memory_space<vmem>> -> memref<1x128xi32, #tpu.memory_space<vmem>>
        %dma_start3A_57 = tpu.memref_squeeze %dma_start3A_56 : memref<1x128xi32, #tpu.memory_space<vmem>> -> memref<128xi32, #tpu.memory_space<vmem>>
        %dma_start3A_58 = arith.constant 0 : i32
        %dma_start3A_59 = arith.constant 0 : i32
        %dma_start3A_60 = tpu.memref_slice %arg2[%dma_start3A_58, %dma_start3A_59] : memref<10000x128xf32, #tpu.memory_space<hbm>> -> memref<10000x128xf32, #tpu.memory_space<hbm>>
        tpu.enqueue_indirect_dma source(%dma_start3A_60 : memref<10000x128xf32, #tpu.memory_space<hbm>>) target(%arg8 : memref<128x128xf32, #tpu.memory_space<vmem>>) offsets(%dma_start3A_57 : memref<128xi32, #tpu.memory_space<vmem>>) semaphore(%arg11 : memref<!tpu.dma_semaphore, #tpu.memory_space<semaphore_mem>>)
        %dma_start3A_61 = arith.constant 1 : i32
        %dma_start3A_62 = arith.constant 0 : i32
        %dma_start3A_63 = tpu.memref_slice %arg6[%dma_start3A_61, %dma_start3A_62] : memref<8x128xi32, #tpu.memory_space<vmem>> -> memref<1x128xi32, #tpu.memory_space<vmem>>
        %dma_start3A_64 = tpu.memref_squeeze %dma_start3A_63 : memref<1x128xi32, #tpu.memory_space<vmem>> -> memref<128xi32, #tpu.memory_space<vmem>>
        %dma_start3A_65 = arith.constant 0 : i32
        %dma_start3A_66 = arith.constant 0 : i32
        %dma_start3A_67 = tpu.memref_slice %arg2[%dma_start3A_65, %dma_start3A_66] : memref<10000x128xf32, #tpu.memory_space<hbm>> -> memref<10000x128xf32, #tpu.memory_space<hbm>>
        tpu.enqueue_indirect_dma source(%dma_start3A_67 : memref<10000x128xf32, #tpu.memory_space<hbm>>) target(%arg9 : memref<128x128xf32, #tpu.memory_space<vmem>>) offsets(%dma_start3A_64 : memref<128xi32, #tpu.memory_space<vmem>>) semaphore(%arg12 : memref<!tpu.dma_semaphore, #tpu.memory_space<semaphore_mem>>)
      } else {
      }
    }
    %barrier3A_37 = arith.constant 0 : index
    tpu.barrier barrier_id(%barrier3A_37)
    "tpu.region"() ({
      %run_scoped3A = tpu.sem_alloc : memref<!tpu.dma_semaphore, #tpu.memory_space<semaphore_mem>>
      %dma_start3A = arith.constant 0 : i32
      %dma_start3A_38 = tpu.memref_slice %arg5[%arg0, %mul3A_0, %dma_start3A] : memref<2x10112x128xf32, #tpu.memory_space<hbm>> -> memref<1x632x128xf32, #tpu.memory_space<hbm>>
      %dma_start3A_39 = tpu.memref_squeeze %dma_start3A_38 : memref<1x632x128xf32, #tpu.memory_space<hbm>> -> memref<632x128xf32, #tpu.memory_space<hbm>>
      %dma_start3A_40 = arith.constant 0 : i32
      %dma_start3A_41 = tpu.memref_slice %arg10[%mul3A_0, %dma_start3A_40] : memref<10112x128xf32, #tpu.memory_space<vmem_shared>> -> memref<632x128xf32, #tpu.memory_space<vmem_shared>>
      tpu.enqueue_dma source(%dma_start3A_41 : memref<632x128xf32, #tpu.memory_space<vmem_shared>>) target(%dma_start3A_39 : memref<632x128xf32, #tpu.memory_space<hbm>>) target_semaphore(%run_scoped3A : memref<!tpu.dma_semaphore, #tpu.memory_space<semaphore_mem>>)
      %dma_wait3A = arith.constant 0 : i32
      %dma_wait3A_42 = tpu.memref_slice %arg5[%arg0, %mul3A_0, %dma_wait3A] : memref<2x10112x128xf32, #tpu.memory_space<hbm>> -> memref<1x632x128xf32, #tpu.memory_space<hbm>>
      %dma_wait3A_43 = tpu.memref_squeeze %dma_wait3A_42 : memref<1x632x128xf32, #tpu.memory_space<hbm>> -> memref<632x128xf32, #tpu.memory_space<hbm>>
      %dma_wait3A_44 = arith.constant 0 : i32
      %dma_wait3A_45 = tpu.memref_slice %arg10[%mul3A_0, %dma_wait3A_44] : memref<10112x128xf32, #tpu.memory_space<vmem_shared>> -> memref<632x128xf32, #tpu.memory_space<vmem_shared>>
      tpu.wait_dma2 semaphore(%run_scoped3A : memref<!tpu.dma_semaphore, #tpu.memory_space<semaphore_mem>>) src(%dma_wait3A_45 : memref<632x128xf32, #tpu.memory_space<vmem_shared>>) dst(%dma_wait3A_43 : memref<632x128xf32, #tpu.memory_space<hbm>>)
      tpu.yield
    }) : () -> ()
    return
  }
}

#map = affine_map<(d0, d1) -> (0, 0)>
#map1 = affine_map<(d0, d1) -> (0, 0, 0)>
module attributes {stable_mosaic.version = 14 : i64} {
  func.func @_deg_pass(%arg0: i32, %arg1: i32, %arg2: memref<2560x128xi32, #tpu.memory_space<hbm>>, %arg3: memref<2x10112x128xf32, #tpu.memory_space<hbm>>, %arg4: memref<80x128xi32, #tpu.memory_space<vmem>>, %arg5: memref<128x128xf32, #tpu.memory_space<vmem>>, %arg6: memref<10112x128xf32, #tpu.memory_space<vmem_shared>>) attributes {dimension_semantics = [#tpu.dimension_semantics<core_parallel>, #tpu.dimension_semantics<subcore_parallel>], iteration_bounds = array<i64: 2, 16>, scalar_prefetch = 0 : i64, scratch_operands = 3 : i64, tpu.core_type = #tpu.core_type<sc_vector_subcore>, window_params = [{transform_indices = #map}, {transform_indices = #map1}]} {
    %mul3A = arith.constant 16 : i32
    %mul3A_0 = arith.muli %arg0, %mul3A : i32
    %add3A = arith.addi %mul3A_0, %arg1 : i32
    %mul3A_1 = arith.constant 632 : i32
    %mul3A_2 = arith.muli %arg1, %mul3A_1 : i32
    %mul3A_3 = arith.constant 80 : i32
    %mul3A_4 = arith.muli %add3A, %mul3A_3 : i32
    "tpu.region"() ({
      %run_scoped3A = tpu.sem_alloc : memref<!tpu.dma_semaphore, #tpu.memory_space<semaphore_mem>>
      %dma_start3A = arith.constant 0 : i32
      %dma_start3A_33 = tpu.memref_slice %arg2[%mul3A_4, %dma_start3A] : memref<2560x128xi32, #tpu.memory_space<hbm>> -> memref<80x128xi32, #tpu.memory_space<hbm>>
      %dma_start3A_34 = arith.constant 0 : i32
      %dma_start3A_35 = tpu.memref_slice %arg2[%mul3A_4, %dma_start3A_34] : memref<2560x128xi32, #tpu.memory_space<hbm>> -> memref<80x128xi32, #tpu.memory_space<hbm>>
      tpu.enqueue_dma source(%dma_start3A_35 : memref<80x128xi32, #tpu.memory_space<hbm>>) target(%arg4 : memref<80x128xi32, #tpu.memory_space<vmem>>) target_semaphore(%run_scoped3A : memref<!tpu.dma_semaphore, #tpu.memory_space<semaphore_mem>>)
      %dma_wait3A = arith.constant 0 : i32
      %dma_wait3A_36 = tpu.memref_slice %arg2[%mul3A_4, %dma_wait3A] : memref<2560x128xi32, #tpu.memory_space<hbm>> -> memref<80x128xi32, #tpu.memory_space<hbm>>
      %dma_wait3A_37 = arith.constant 0 : i32
      %dma_wait3A_38 = tpu.memref_slice %arg2[%mul3A_4, %dma_wait3A_37] : memref<2560x128xi32, #tpu.memory_space<hbm>> -> memref<80x128xi32, #tpu.memory_space<hbm>>
      tpu.wait_dma2 semaphore(%run_scoped3A : memref<!tpu.dma_semaphore, #tpu.memory_space<semaphore_mem>>) src(%dma_wait3A_38 : memref<80x128xi32, #tpu.memory_space<hbm>>) dst(%arg4 : memref<80x128xi32, #tpu.memory_space<vmem>>)
      tpu.yield
    }) : () -> ()
    %scan3A = arith.constant 0 : i32
    %scan3A_5 = arith.constant 0 : i32
    %scan3A_6 = arith.constant 128 : i32
    %scan3A_7 = arith.addi %scan3A_5, %scan3A_6 : i32
    %scan3A_8 = arith.constant 1 : i32
    scf.for %scan3A_33 = %scan3A_5 to %scan3A_7 step %scan3A_8  : i32 {
      %broadcast_in_dim3A = arith.constant 0.000000e+00 : f32
      %broadcast_in_dim3A_34 = vector.broadcast %broadcast_in_dim3A : f32 to vector<16xf32>
      %swap3A = arith.index_cast %scan3A_33 : i32 to index
      %swap3A_35 = arith.constant 0 : index
      %swap3A_36 = tpu.vector_load %arg5[%swap3A, %swap3A_35] {strides = array<i32>} : memref<128x128xf32, #tpu.memory_space<vmem>>, vector<1x16xf32>,
      %swap3A_37 = vector.shape_cast %swap3A_36 : vector<1x16xf32> to vector<16xf32>
      %swap3A_38 = vector.shape_cast %broadcast_in_dim3A_34 : vector<16xf32> to vector<1x16xf32>
      tpu.vector_store %arg5[%swap3A, %swap3A_35], %swap3A_38 {strides = array<i32>} : memref<128x128xf32, #tpu.memory_space<vmem>>, vector<1x16xf32>,
      %broadcast_in_dim3A_39 = arith.constant 0.000000e+00 : f32
      %broadcast_in_dim3A_40 = vector.broadcast %broadcast_in_dim3A_39 : f32 to vector<16xf32>
      %swap3A_41 = arith.index_cast %scan3A_33 : i32 to index
      %swap3A_42 = arith.constant 16 : index
      %swap3A_43 = tpu.vector_load %arg5[%swap3A_41, %swap3A_42] {strides = array<i32>} : memref<128x128xf32, #tpu.memory_space<vmem>>, vector<1x16xf32>,
      %swap3A_44 = vector.shape_cast %swap3A_43 : vector<1x16xf32> to vector<16xf32>
      %swap3A_45 = vector.shape_cast %broadcast_in_dim3A_40 : vector<16xf32> to vector<1x16xf32>
      tpu.vector_store %arg5[%swap3A_41, %swap3A_42], %swap3A_45 {strides = array<i32>} : memref<128x128xf32, #tpu.memory_space<vmem>>, vector<1x16xf32>,
      %broadcast_in_dim3A_46 = arith.constant 0.000000e+00 : f32
      %broadcast_in_dim3A_47 = vector.broadcast %broadcast_in_dim3A_46 : f32 to vector<16xf32>
      %swap3A_48 = arith.index_cast %scan3A_33 : i32 to index
      %swap3A_49 = arith.constant 32 : index
      %swap3A_50 = tpu.vector_load %arg5[%swap3A_48, %swap3A_49] {strides = array<i32>} : memref<128x128xf32, #tpu.memory_space<vmem>>, vector<1x16xf32>,
      %swap3A_51 = vector.shape_cast %swap3A_50 : vector<1x16xf32> to vector<16xf32>
      %swap3A_52 = vector.shape_cast %broadcast_in_dim3A_47 : vector<16xf32> to vector<1x16xf32>
      tpu.vector_store %arg5[%swap3A_48, %swap3A_49], %swap3A_52 {strides = array<i32>} : memref<128x128xf32, #tpu.memory_space<vmem>>, vector<1x16xf32>,
      %broadcast_in_dim3A_53 = arith.constant 0.000000e+00 : f32
      %broadcast_in_dim3A_54 = vector.broadcast %broadcast_in_dim3A_53 : f32 to vector<16xf32>
      %swap3A_55 = arith.index_cast %scan3A_33 : i32 to index
      %swap3A_56 = arith.constant 48 : index
      %swap3A_57 = tpu.vector_load %arg5[%swap3A_55, %swap3A_56] {strides = array<i32>} : memref<128x128xf32, #tpu.memory_space<vmem>>, vector<1x16xf32>,
      %swap3A_58 = vector.shape_cast %swap3A_57 : vector<1x16xf32> to vector<16xf32>
      %swap3A_59 = vector.shape_cast %broadcast_in_dim3A_54 : vector<16xf32> to vector<1x16xf32>
      tpu.vector_store %arg5[%swap3A_55, %swap3A_56], %swap3A_59 {strides = array<i32>} : memref<128x128xf32, #tpu.memory_space<vmem>>, vector<1x16xf32>,
      %broadcast_in_dim3A_60 = arith.constant 0.000000e+00 : f32
      %broadcast_in_dim3A_61 = vector.broadcast %broadcast_in_dim3A_60 : f32 to vector<16xf32>
      %swap3A_62 = arith.index_cast %scan3A_33 : i32 to index
      %swap3A_63 = arith.constant 64 : index
      %swap3A_64 = tpu.vector_load %arg5[%swap3A_62, %swap3A_63] {strides = array<i32>} : memref<128x128xf32, #tpu.memory_space<vmem>>, vector<1x16xf32>,
      %swap3A_65 = vector.shape_cast %swap3A_64 : vector<1x16xf32> to vector<16xf32>
      %swap3A_66 = vector.shape_cast %broadcast_in_dim3A_61 : vector<16xf32> to vector<1x16xf32>
      tpu.vector_store %arg5[%swap3A_62, %swap3A_63], %swap3A_66 {strides = array<i32>} : memref<128x128xf32, #tpu.memory_space<vmem>>, vector<1x16xf32>,
      %broadcast_in_dim3A_67 = arith.constant 0.000000e+00 : f32
      %broadcast_in_dim3A_68 = vector.broadcast %broadcast_in_dim3A_67 : f32 to vector<16xf32>
      %swap3A_69 = arith.index_cast %scan3A_33 : i32 to index
      %swap3A_70 = arith.constant 80 : index
      %swap3A_71 = tpu.vector_load %arg5[%swap3A_69, %swap3A_70] {strides = array<i32>} : memref<128x128xf32, #tpu.memory_space<vmem>>, vector<1x16xf32>,
      %swap3A_72 = vector.shape_cast %swap3A_71 : vector<1x16xf32> to vector<16xf32>
      %swap3A_73 = vector.shape_cast %broadcast_in_dim3A_68 : vector<16xf32> to vector<1x16xf32>
      tpu.vector_store %arg5[%swap3A_69, %swap3A_70], %swap3A_73 {strides = array<i32>} : memref<128x128xf32, #tpu.memory_space<vmem>>, vector<1x16xf32>,
      %broadcast_in_dim3A_74 = arith.constant 0.000000e+00 : f32
      %broadcast_in_dim3A_75 = vector.broadcast %broadcast_in_dim3A_74 : f32 to vector<16xf32>
      %swap3A_76 = arith.index_cast %scan3A_33 : i32 to index
      %swap3A_77 = arith.constant 96 : index
      %swap3A_78 = tpu.vector_load %arg5[%swap3A_76, %swap3A_77] {strides = array<i32>} : memref<128x128xf32, #tpu.memory_space<vmem>>, vector<1x16xf32>,
      %swap3A_79 = vector.shape_cast %swap3A_78 : vector<1x16xf32> to vector<16xf32>
      %swap3A_80 = vector.shape_cast %broadcast_in_dim3A_75 : vector<16xf32> to vector<1x16xf32>
      tpu.vector_store %arg5[%swap3A_76, %swap3A_77], %swap3A_80 {strides = array<i32>} : memref<128x128xf32, #tpu.memory_space<vmem>>, vector<1x16xf32>,
      %broadcast_in_dim3A_81 = arith.constant 0.000000e+00 : f32
      %broadcast_in_dim3A_82 = vector.broadcast %broadcast_in_dim3A_81 : f32 to vector<16xf32>
      %swap3A_83 = arith.index_cast %scan3A_33 : i32 to index
      %swap3A_84 = arith.constant 112 : index
      %swap3A_85 = tpu.vector_load %arg5[%swap3A_83, %swap3A_84] {strides = array<i32>} : memref<128x128xf32, #tpu.memory_space<vmem>>, vector<1x16xf32>,
      %swap3A_86 = vector.shape_cast %swap3A_85 : vector<1x16xf32> to vector<16xf32>
      %swap3A_87 = vector.shape_cast %broadcast_in_dim3A_82 : vector<16xf32> to vector<1x16xf32>
      tpu.vector_store %arg5[%swap3A_83, %swap3A_84], %swap3A_87 {strides = array<i32>} : memref<128x128xf32, #tpu.memory_space<vmem>>, vector<1x16xf32>,
    }
    %scan3A_9 = arith.constant 128 : i32
    %add3A_10 = arith.constant 0 : i32
    %add3A_11 = arith.addi %mul3A_2, %add3A_10 : i32
    "tpu.region"() ({
      %run_scoped3A = tpu.sem_alloc : memref<!tpu.dma_semaphore, #tpu.memory_space<semaphore_mem>>
      %dma_start3A = arith.constant 0 : i32
      %dma_start3A_33 = arith.constant 0 : i32
      %dma_start3A_34 = tpu.memref_slice %arg5[%dma_start3A, %dma_start3A_33] : memref<128x128xf32, #tpu.memory_space<vmem>> -> memref<128x128xf32, #tpu.memory_space<vmem>>
      %dma_start3A_35 = arith.constant 0 : i32
      %dma_start3A_36 = tpu.memref_slice %arg6[%add3A_11, %dma_start3A_35] : memref<10112x128xf32, #tpu.memory_space<vmem_shared>> -> memref<128x128xf32, #tpu.memory_space<vmem_shared>>
      %dma_start3A_37 = arith.constant 0 : i32
      %dma_start3A_38 = tpu.memref_slice %arg6[%add3A_11, %dma_start3A_37] : memref<10112x128xf32, #tpu.memory_space<vmem_shared>> -> memref<128x128xf32, #tpu.memory_space<vmem_shared>>
      %dma_start3A_39 = arith.constant 0 : i32
      %dma_start3A_40 = arith.constant 0 : i32
      %dma_start3A_41 = tpu.memref_slice %arg5[%dma_start3A_39, %dma_start3A_40] : memref<128x128xf32, #tpu.memory_space<vmem>> -> memref<128x128xf32, #tpu.memory_space<vmem>>
      tpu.enqueue_dma source(%dma_start3A_41 : memref<128x128xf32, #tpu.memory_space<vmem>>) target(%dma_start3A_38 : memref<128x128xf32, #tpu.memory_space<vmem_shared>>) target_semaphore(%run_scoped3A : memref<!tpu.dma_semaphore, #tpu.memory_space<semaphore_mem>>)
      %dma_wait3A = arith.constant 0 : i32
      %dma_wait3A_42 = arith.constant 0 : i32
      %dma_wait3A_43 = tpu.memref_slice %arg5[%dma_wait3A, %dma_wait3A_42] : memref<128x128xf32, #tpu.memory_space<vmem>> -> memref<128x128xf32, #tpu.memory_space<vmem>>
      %dma_wait3A_44 = arith.constant 0 : i32
      %dma_wait3A_45 = tpu.memref_slice %arg6[%add3A_11, %dma_wait3A_44] : memref<10112x128xf32, #tpu.memory_space<vmem_shared>> -> memref<128x128xf32, #tpu.memory_space<vmem_shared>>
      %dma_wait3A_46 = arith.constant 0 : i32
      %dma_wait3A_47 = tpu.memref_slice %arg6[%add3A_11, %dma_wait3A_46] : memref<10112x128xf32, #tpu.memory_space<vmem_shared>> -> memref<128x128xf32, #tpu.memory_space<vmem_shared>>
      %dma_wait3A_48 = arith.constant 0 : i32
      %dma_wait3A_49 = arith.constant 0 : i32
      %dma_wait3A_50 = tpu.memref_slice %arg5[%dma_wait3A_48, %dma_wait3A_49] : memref<128x128xf32, #tpu.memory_space<vmem>> -> memref<128x128xf32, #tpu.memory_space<vmem>>
      tpu.wait_dma2 semaphore(%run_scoped3A : memref<!tpu.dma_semaphore, #tpu.memory_space<semaphore_mem>>) src(%dma_wait3A_50 : memref<128x128xf32, #tpu.memory_space<vmem>>) dst(%dma_wait3A_47 : memref<128x128xf32, #tpu.memory_space<vmem_shared>>)
      tpu.yield
    }) : () -> ()
    %add3A_12 = arith.constant 128 : i32
    %add3A_13 = arith.addi %mul3A_2, %add3A_12 : i32
    "tpu.region"() ({
      %run_scoped3A = tpu.sem_alloc : memref<!tpu.dma_semaphore, #tpu.memory_space<semaphore_mem>>
      %dma_start3A = arith.constant 0 : i32
      %dma_start3A_33 = arith.constant 0 : i32
      %dma_start3A_34 = tpu.memref_slice %arg5[%dma_start3A, %dma_start3A_33] : memref<128x128xf32, #tpu.memory_space<vmem>> -> memref<128x128xf32, #tpu.memory_space<vmem>>
      %dma_start3A_35 = arith.constant 0 : i32
      %dma_start3A_36 = tpu.memref_slice %arg6[%add3A_13, %dma_start3A_35] : memref<10112x128xf32, #tpu.memory_space<vmem_shared>> -> memref<128x128xf32, #tpu.memory_space<vmem_shared>>
      %dma_start3A_37 = arith.constant 0 : i32
      %dma_start3A_38 = tpu.memref_slice %arg6[%add3A_13, %dma_start3A_37] : memref<10112x128xf32, #tpu.memory_space<vmem_shared>> -> memref<128x128xf32, #tpu.memory_space<vmem_shared>>
      %dma_start3A_39 = arith.constant 0 : i32
      %dma_start3A_40 = arith.constant 0 : i32
      %dma_start3A_41 = tpu.memref_slice %arg5[%dma_start3A_39, %dma_start3A_40] : memref<128x128xf32, #tpu.memory_space<vmem>> -> memref<128x128xf32, #tpu.memory_space<vmem>>
      tpu.enqueue_dma source(%dma_start3A_41 : memref<128x128xf32, #tpu.memory_space<vmem>>) target(%dma_start3A_38 : memref<128x128xf32, #tpu.memory_space<vmem_shared>>) target_semaphore(%run_scoped3A : memref<!tpu.dma_semaphore, #tpu.memory_space<semaphore_mem>>)
      %dma_wait3A = arith.constant 0 : i32
      %dma_wait3A_42 = arith.constant 0 : i32
      %dma_wait3A_43 = tpu.memref_slice %arg5[%dma_wait3A, %dma_wait3A_42] : memref<128x128xf32, #tpu.memory_space<vmem>> -> memref<128x128xf32, #tpu.memory_space<vmem>>
      %dma_wait3A_44 = arith.constant 0 : i32
      %dma_wait3A_45 = tpu.memref_slice %arg6[%add3A_13, %dma_wait3A_44] : memref<10112x128xf32, #tpu.memory_space<vmem_shared>> -> memref<128x128xf32, #tpu.memory_space<vmem_shared>>
      %dma_wait3A_46 = arith.constant 0 : i32
      %dma_wait3A_47 = tpu.memref_slice %arg6[%add3A_13, %dma_wait3A_46] : memref<10112x128xf32, #tpu.memory_space<vmem_shared>> -> memref<128x128xf32, #tpu.memory_space<vmem_shared>>
      %dma_wait3A_48 = arith.constant 0 : i32
      %dma_wait3A_49 = arith.constant 0 : i32
      %dma_wait3A_50 = tpu.memref_slice %arg5[%dma_wait3A_48, %dma_wait3A_49] : memref<128x128xf32, #tpu.memory_space<vmem>> -> memref<128x128xf32, #tpu.memory_space<vmem>>
      tpu.wait_dma2 semaphore(%run_scoped3A : memref<!tpu.dma_semaphore, #tpu.memory_space<semaphore_mem>>) src(%dma_wait3A_50 : memref<128x128xf32, #tpu.memory_space<vmem>>) dst(%dma_wait3A_47 : memref<128x128xf32, #tpu.memory_space<vmem_shared>>)
      tpu.yield
    }) : () -> ()
    %add3A_14 = arith.constant 256 : i32
    %add3A_15 = arith.addi %mul3A_2, %add3A_14 : i32
    "tpu.region"() ({
      %run_scoped3A = tpu.sem_alloc : memref<!tpu.dma_semaphore, #tpu.memory_space<semaphore_mem>>
      %dma_start3A = arith.constant 0 : i32
      %dma_start3A_33 = arith.constant 0 : i32
      %dma_start3A_34 = tpu.memref_slice %arg5[%dma_start3A, %dma_start3A_33] : memref<128x128xf32, #tpu.memory_space<vmem>> -> memref<128x128xf32, #tpu.memory_space<vmem>>
      %dma_start3A_35 = arith.constant 0 : i32
      %dma_start3A_36 = tpu.memref_slice %arg6[%add3A_15, %dma_start3A_35] : memref<10112x128xf32, #tpu.memory_space<vmem_shared>> -> memref<128x128xf32, #tpu.memory_space<vmem_shared>>
      %dma_start3A_37 = arith.constant 0 : i32
      %dma_start3A_38 = tpu.memref_slice %arg6[%add3A_15, %dma_start3A_37] : memref<10112x128xf32, #tpu.memory_space<vmem_shared>> -> memref<128x128xf32, #tpu.memory_space<vmem_shared>>
      %dma_start3A_39 = arith.constant 0 : i32
      %dma_start3A_40 = arith.constant 0 : i32
      %dma_start3A_41 = tpu.memref_slice %arg5[%dma_start3A_39, %dma_start3A_40] : memref<128x128xf32, #tpu.memory_space<vmem>> -> memref<128x128xf32, #tpu.memory_space<vmem>>
      tpu.enqueue_dma source(%dma_start3A_41 : memref<128x128xf32, #tpu.memory_space<vmem>>) target(%dma_start3A_38 : memref<128x128xf32, #tpu.memory_space<vmem_shared>>) target_semaphore(%run_scoped3A : memref<!tpu.dma_semaphore, #tpu.memory_space<semaphore_mem>>)
      %dma_wait3A = arith.constant 0 : i32
      %dma_wait3A_42 = arith.constant 0 : i32
      %dma_wait3A_43 = tpu.memref_slice %arg5[%dma_wait3A, %dma_wait3A_42] : memref<128x128xf32, #tpu.memory_space<vmem>> -> memref<128x128xf32, #tpu.memory_space<vmem>>
      %dma_wait3A_44 = arith.constant 0 : i32
      %dma_wait3A_45 = tpu.memref_slice %arg6[%add3A_15, %dma_wait3A_44] : memref<10112x128xf32, #tpu.memory_space<vmem_shared>> -> memref<128x128xf32, #tpu.memory_space<vmem_shared>>
      %dma_wait3A_46 = arith.constant 0 : i32
      %dma_wait3A_47 = tpu.memref_slice %arg6[%add3A_15, %dma_wait3A_46] : memref<10112x128xf32, #tpu.memory_space<vmem_shared>> -> memref<128x128xf32, #tpu.memory_space<vmem_shared>>
      %dma_wait3A_48 = arith.constant 0 : i32
      %dma_wait3A_49 = arith.constant 0 : i32
      %dma_wait3A_50 = tpu.memref_slice %arg5[%dma_wait3A_48, %dma_wait3A_49] : memref<128x128xf32, #tpu.memory_space<vmem>> -> memref<128x128xf32, #tpu.memory_space<vmem>>
      tpu.wait_dma2 semaphore(%run_scoped3A : memref<!tpu.dma_semaphore, #tpu.memory_space<semaphore_mem>>) src(%dma_wait3A_50 : memref<128x128xf32, #tpu.memory_space<vmem>>) dst(%dma_wait3A_47 : memref<128x128xf32, #tpu.memory_space<vmem_shared>>)
      tpu.yield
    }) : () -> ()
    %add3A_16 = arith.constant 384 : i32
    %add3A_17 = arith.addi %mul3A_2, %add3A_16 : i32
    "tpu.region"() ({
      %run_scoped3A = tpu.sem_alloc : memref<!tpu.dma_semaphore, #tpu.memory_space<semaphore_mem>>
      %dma_start3A = arith.constant 0 : i32
      %dma_start3A_33 = arith.constant 0 : i32
      %dma_start3A_34 = tpu.memref_slice %arg5[%dma_start3A, %dma_start3A_33] : memref<128x128xf32, #tpu.memory_space<vmem>> -> memref<128x128xf32, #tpu.memory_space<vmem>>
      %dma_start3A_35 = arith.constant 0 : i32
      %dma_start3A_36 = tpu.memref_slice %arg6[%add3A_17, %dma_start3A_35] : memref<10112x128xf32, #tpu.memory_space<vmem_shared>> -> memref<128x128xf32, #tpu.memory_space<vmem_shared>>
      %dma_start3A_37 = arith.constant 0 : i32
      %dma_start3A_38 = tpu.memref_slice %arg6[%add3A_17, %dma_start3A_37] : memref<10112x128xf32, #tpu.memory_space<vmem_shared>> -> memref<128x128xf32, #tpu.memory_space<vmem_shared>>
      %dma_start3A_39 = arith.constant 0 : i32
      %dma_start3A_40 = arith.constant 0 : i32
      %dma_start3A_41 = tpu.memref_slice %arg5[%dma_start3A_39, %dma_start3A_40] : memref<128x128xf32, #tpu.memory_space<vmem>> -> memref<128x128xf32, #tpu.memory_space<vmem>>
      tpu.enqueue_dma source(%dma_start3A_41 : memref<128x128xf32, #tpu.memory_space<vmem>>) target(%dma_start3A_38 : memref<128x128xf32, #tpu.memory_space<vmem_shared>>) target_semaphore(%run_scoped3A : memref<!tpu.dma_semaphore, #tpu.memory_space<semaphore_mem>>)
      %dma_wait3A = arith.constant 0 : i32
      %dma_wait3A_42 = arith.constant 0 : i32
      %dma_wait3A_43 = tpu.memref_slice %arg5[%dma_wait3A, %dma_wait3A_42] : memref<128x128xf32, #tpu.memory_space<vmem>> -> memref<128x128xf32, #tpu.memory_space<vmem>>
      %dma_wait3A_44 = arith.constant 0 : i32
      %dma_wait3A_45 = tpu.memref_slice %arg6[%add3A_17, %dma_wait3A_44] : memref<10112x128xf32, #tpu.memory_space<vmem_shared>> -> memref<128x128xf32, #tpu.memory_space<vmem_shared>>
      %dma_wait3A_46 = arith.constant 0 : i32
      %dma_wait3A_47 = tpu.memref_slice %arg6[%add3A_17, %dma_wait3A_46] : memref<10112x128xf32, #tpu.memory_space<vmem_shared>> -> memref<128x128xf32, #tpu.memory_space<vmem_shared>>
      %dma_wait3A_48 = arith.constant 0 : i32
      %dma_wait3A_49 = arith.constant 0 : i32
      %dma_wait3A_50 = tpu.memref_slice %arg5[%dma_wait3A_48, %dma_wait3A_49] : memref<128x128xf32, #tpu.memory_space<vmem>> -> memref<128x128xf32, #tpu.memory_space<vmem>>
      tpu.wait_dma2 semaphore(%run_scoped3A : memref<!tpu.dma_semaphore, #tpu.memory_space<semaphore_mem>>) src(%dma_wait3A_50 : memref<128x128xf32, #tpu.memory_space<vmem>>) dst(%dma_wait3A_47 : memref<128x128xf32, #tpu.memory_space<vmem_shared>>)
      tpu.yield
    }) : () -> ()
    %add3A_18 = arith.constant 512 : i32
    %add3A_19 = arith.addi %mul3A_2, %add3A_18 : i32
    "tpu.region"() ({
      %run_scoped3A = tpu.sem_alloc : memref<!tpu.dma_semaphore, #tpu.memory_space<semaphore_mem>>
      %dma_start3A = arith.constant 0 : i32
      %dma_start3A_33 = arith.constant 0 : i32
      %dma_start3A_34 = tpu.memref_slice %arg5[%dma_start3A, %dma_start3A_33] : memref<128x128xf32, #tpu.memory_space<vmem>> -> memref<120x128xf32, #tpu.memory_space<vmem>>
      %dma_start3A_35 = arith.constant 0 : i32
      %dma_start3A_36 = tpu.memref_slice %arg6[%add3A_19, %dma_start3A_35] : memref<10112x128xf32, #tpu.memory_space<vmem_shared>> -> memref<120x128xf32, #tpu.memory_space<vmem_shared>>
      %dma_start3A_37 = arith.constant 0 : i32
      %dma_start3A_38 = tpu.memref_slice %arg6[%add3A_19, %dma_start3A_37] : memref<10112x128xf32, #tpu.memory_space<vmem_shared>> -> memref<120x128xf32, #tpu.memory_space<vmem_shared>>
      %dma_start3A_39 = arith.constant 0 : i32
      %dma_start3A_40 = arith.constant 0 : i32
      %dma_start3A_41 = tpu.memref_slice %arg5[%dma_start3A_39, %dma_start3A_40] : memref<128x128xf32, #tpu.memory_space<vmem>> -> memref<120x128xf32, #tpu.memory_space<vmem>>
      tpu.enqueue_dma source(%dma_start3A_41 : memref<120x128xf32, #tpu.memory_space<vmem>>) target(%dma_start3A_38 : memref<120x128xf32, #tpu.memory_space<vmem_shared>>) target_semaphore(%run_scoped3A : memref<!tpu.dma_semaphore, #tpu.memory_space<semaphore_mem>>)
      %dma_wait3A = arith.constant 0 : i32
      %dma_wait3A_42 = arith.constant 0 : i32
      %dma_wait3A_43 = tpu.memref_slice %arg5[%dma_wait3A, %dma_wait3A_42] : memref<128x128xf32, #tpu.memory_space<vmem>> -> memref<120x128xf32, #tpu.memory_space<vmem>>
      %dma_wait3A_44 = arith.constant 0 : i32
      %dma_wait3A_45 = tpu.memref_slice %arg6[%add3A_19, %dma_wait3A_44] : memref<10112x128xf32, #tpu.memory_space<vmem_shared>> -> memref<120x128xf32, #tpu.memory_space<vmem_shared>>
      %dma_wait3A_46 = arith.constant 0 : i32
      %dma_wait3A_47 = tpu.memref_slice %arg6[%add3A_19, %dma_wait3A_46] : memref<10112x128xf32, #tpu.memory_space<vmem_shared>> -> memref<120x128xf32, #tpu.memory_space<vmem_shared>>
      %dma_wait3A_48 = arith.constant 0 : i32
      %dma_wait3A_49 = arith.constant 0 : i32
      %dma_wait3A_50 = tpu.memref_slice %arg5[%dma_wait3A_48, %dma_wait3A_49] : memref<128x128xf32, #tpu.memory_space<vmem>> -> memref<120x128xf32, #tpu.memory_space<vmem>>
      tpu.wait_dma2 semaphore(%run_scoped3A : memref<!tpu.dma_semaphore, #tpu.memory_space<semaphore_mem>>) src(%dma_wait3A_50 : memref<120x128xf32, #tpu.memory_space<vmem>>) dst(%dma_wait3A_47 : memref<120x128xf32, #tpu.memory_space<vmem_shared>>)
      tpu.yield
    }) : () -> ()
    %scan3A_20 = arith.constant 0 : i32
    %scan3A_21 = arith.constant 0 : i32
    %scan3A_22 = arith.constant 128 : i32
    %scan3A_23 = arith.addi %scan3A_21, %scan3A_22 : i32
    %scan3A_24 = arith.constant 1 : i32
    scf.for %scan3A_33 = %scan3A_21 to %scan3A_23 step %scan3A_24  : i32 {
      %broadcast_in_dim3A = arith.constant 1.000000e+00 : f32
      %broadcast_in_dim3A_34 = vector.broadcast %broadcast_in_dim3A : f32 to vector<16xf32>
      %swap3A = arith.index_cast %scan3A_33 : i32 to index
      %swap3A_35 = arith.constant 0 : index
      %swap3A_36 = tpu.vector_load %arg5[%swap3A, %swap3A_35] {strides = array<i32>} : memref<128x128xf32, #tpu.memory_space<vmem>>, vector<1x16xf32>,
      %swap3A_37 = vector.shape_cast %swap3A_36 : vector<1x16xf32> to vector<16xf32>
      %swap3A_38 = vector.shape_cast %broadcast_in_dim3A_34 : vector<16xf32> to vector<1x16xf32>
      tpu.vector_store %arg5[%swap3A, %swap3A_35], %swap3A_38 {strides = array<i32>} : memref<128x128xf32, #tpu.memory_space<vmem>>, vector<1x16xf32>,
      %broadcast_in_dim3A_39 = arith.constant 1.000000e+00 : f32
      %broadcast_in_dim3A_40 = vector.broadcast %broadcast_in_dim3A_39 : f32 to vector<16xf32>
      %swap3A_41 = arith.index_cast %scan3A_33 : i32 to index
      %swap3A_42 = arith.constant 16 : index
      %swap3A_43 = tpu.vector_load %arg5[%swap3A_41, %swap3A_42] {strides = array<i32>} : memref<128x128xf32, #tpu.memory_space<vmem>>, vector<1x16xf32>,
      %swap3A_44 = vector.shape_cast %swap3A_43 : vector<1x16xf32> to vector<16xf32>
      %swap3A_45 = vector.shape_cast %broadcast_in_dim3A_40 : vector<16xf32> to vector<1x16xf32>
      tpu.vector_store %arg5[%swap3A_41, %swap3A_42], %swap3A_45 {strides = array<i32>} : memref<128x128xf32, #tpu.memory_space<vmem>>, vector<1x16xf32>,
      %broadcast_in_dim3A_46 = arith.constant 1.000000e+00 : f32
      %broadcast_in_dim3A_47 = vector.broadcast %broadcast_in_dim3A_46 : f32 to vector<16xf32>
      %swap3A_48 = arith.index_cast %scan3A_33 : i32 to index
      %swap3A_49 = arith.constant 32 : index
      %swap3A_50 = tpu.vector_load %arg5[%swap3A_48, %swap3A_49] {strides = array<i32>} : memref<128x128xf32, #tpu.memory_space<vmem>>, vector<1x16xf32>,
      %swap3A_51 = vector.shape_cast %swap3A_50 : vector<1x16xf32> to vector<16xf32>
      %swap3A_52 = vector.shape_cast %broadcast_in_dim3A_47 : vector<16xf32> to vector<1x16xf32>
      tpu.vector_store %arg5[%swap3A_48, %swap3A_49], %swap3A_52 {strides = array<i32>} : memref<128x128xf32, #tpu.memory_space<vmem>>, vector<1x16xf32>,
      %broadcast_in_dim3A_53 = arith.constant 1.000000e+00 : f32
      %broadcast_in_dim3A_54 = vector.broadcast %broadcast_in_dim3A_53 : f32 to vector<16xf32>
      %swap3A_55 = arith.index_cast %scan3A_33 : i32 to index
      %swap3A_56 = arith.constant 48 : index
      %swap3A_57 = tpu.vector_load %arg5[%swap3A_55, %swap3A_56] {strides = array<i32>} : memref<128x128xf32, #tpu.memory_space<vmem>>, vector<1x16xf32>,
      %swap3A_58 = vector.shape_cast %swap3A_57 : vector<1x16xf32> to vector<16xf32>
      %swap3A_59 = vector.shape_cast %broadcast_in_dim3A_54 : vector<16xf32> to vector<1x16xf32>
      tpu.vector_store %arg5[%swap3A_55, %swap3A_56], %swap3A_59 {strides = array<i32>} : memref<128x128xf32, #tpu.memory_space<vmem>>, vector<1x16xf32>,
      %broadcast_in_dim3A_60 = arith.constant 1.000000e+00 : f32
      %broadcast_in_dim3A_61 = vector.broadcast %broadcast_in_dim3A_60 : f32 to vector<16xf32>
      %swap3A_62 = arith.index_cast %scan3A_33 : i32 to index
      %swap3A_63 = arith.constant 64 : index
      %swap3A_64 = tpu.vector_load %arg5[%swap3A_62, %swap3A_63] {strides = array<i32>} : memref<128x128xf32, #tpu.memory_space<vmem>>, vector<1x16xf32>,
      %swap3A_65 = vector.shape_cast %swap3A_64 : vector<1x16xf32> to vector<16xf32>
      %swap3A_66 = vector.shape_cast %broadcast_in_dim3A_61 : vector<16xf32> to vector<1x16xf32>
      tpu.vector_store %arg5[%swap3A_62, %swap3A_63], %swap3A_66 {strides = array<i32>} : memref<128x128xf32, #tpu.memory_space<vmem>>, vector<1x16xf32>,
      %broadcast_in_dim3A_67 = arith.constant 1.000000e+00 : f32
      %broadcast_in_dim3A_68 = vector.broadcast %broadcast_in_dim3A_67 : f32 to vector<16xf32>
      %swap3A_69 = arith.index_cast %scan3A_33 : i32 to index
      %swap3A_70 = arith.constant 80 : index
      %swap3A_71 = tpu.vector_load %arg5[%swap3A_69, %swap3A_70] {strides = array<i32>} : memref<128x128xf32, #tpu.memory_space<vmem>>, vector<1x16xf32>,
      %swap3A_72 = vector.shape_cast %swap3A_71 : vector<1x16xf32> to vector<16xf32>
      %swap3A_73 = vector.shape_cast %broadcast_in_dim3A_68 : vector<16xf32> to vector<1x16xf32>
      tpu.vector_store %arg5[%swap3A_69, %swap3A_70], %swap3A_73 {strides = array<i32>} : memref<128x128xf32, #tpu.memory_space<vmem>>, vector<1x16xf32>,
      %broadcast_in_dim3A_74 = arith.constant 1.000000e+00 : f32
      %broadcast_in_dim3A_75 = vector.broadcast %broadcast_in_dim3A_74 : f32 to vector<16xf32>
      %swap3A_76 = arith.index_cast %scan3A_33 : i32 to index
      %swap3A_77 = arith.constant 96 : index
      %swap3A_78 = tpu.vector_load %arg5[%swap3A_76, %swap3A_77] {strides = array<i32>} : memref<128x128xf32, #tpu.memory_space<vmem>>, vector<1x16xf32>,
      %swap3A_79 = vector.shape_cast %swap3A_78 : vector<1x16xf32> to vector<16xf32>
      %swap3A_80 = vector.shape_cast %broadcast_in_dim3A_75 : vector<16xf32> to vector<1x16xf32>
      tpu.vector_store %arg5[%swap3A_76, %swap3A_77], %swap3A_80 {strides = array<i32>} : memref<128x128xf32, #tpu.memory_space<vmem>>, vector<1x16xf32>,
      %broadcast_in_dim3A_81 = arith.constant 1.000000e+00 : f32
      %broadcast_in_dim3A_82 = vector.broadcast %broadcast_in_dim3A_81 : f32 to vector<16xf32>
      %swap3A_83 = arith.index_cast %scan3A_33 : i32 to index
      %swap3A_84 = arith.constant 112 : index
      %swap3A_85 = tpu.vector_load %arg5[%swap3A_83, %swap3A_84] {strides = array<i32>} : memref<128x128xf32, #tpu.memory_space<vmem>>, vector<1x16xf32>,
      %swap3A_86 = vector.shape_cast %swap3A_85 : vector<1x16xf32> to vector<16xf32>
      %swap3A_87 = vector.shape_cast %broadcast_in_dim3A_82 : vector<16xf32> to vector<1x16xf32>
      tpu.vector_store %arg5[%swap3A_83, %swap3A_84], %swap3A_87 {strides = array<i32>} : memref<128x128xf32, #tpu.memory_space<vmem>>, vector<1x16xf32>,
    }
    %scan3A_25 = arith.constant 128 : i32
    %barrier3A = arith.constant 0 : index
    tpu.barrier barrier_id(%barrier3A)
    %scan3A_26 = arith.constant 0 : i32
    %scan3A_27 = arith.constant 0 : i32
    %scan3A_28 = arith.constant 80 : i32
    %scan3A_29 = arith.addi %scan3A_27, %scan3A_28 : i32
    %scan3A_30 = arith.constant 1 : i32
    scf.for %scan3A_33 = %scan3A_27 to %scan3A_29 step %scan3A_30  : i32 {
      "tpu.region"() ({
        %run_scoped3A = tpu.sem_alloc : memref<!tpu.dma_semaphore, #tpu.memory_space<semaphore_mem>>
        %dma_start3A = arith.constant 0 : i32
        %dma_start3A_34 = tpu.memref_slice %arg4[%scan3A_33, %dma_start3A] : memref<80x128xi32, #tpu.memory_space<vmem>> -> memref<1x128xi32, #tpu.memory_space<vmem>>
        %dma_start3A_35 = tpu.memref_squeeze %dma_start3A_34 : memref<1x128xi32, #tpu.memory_space<vmem>> -> memref<128xi32, #tpu.memory_space<vmem>>
        %dma_start3A_36 = arith.constant 0 : i32
        %dma_start3A_37 = arith.constant 0 : i32
        %dma_start3A_38 = tpu.memref_slice %arg6[%dma_start3A_36, %dma_start3A_37] : memref<10112x128xf32, #tpu.memory_space<vmem_shared>> -> memref<10112x128xf32, #tpu.memory_space<vmem_shared>>
        tpu.enqueue_indirect_dma source(%arg5 : memref<128x128xf32, #tpu.memory_space<vmem>>) target(%dma_start3A_38 : memref<10112x128xf32, #tpu.memory_space<vmem_shared>>) offsets(%dma_start3A_35 : memref<128xi32, #tpu.memory_space<vmem>>) semaphore(%run_scoped3A : memref<!tpu.dma_semaphore, #tpu.memory_space<semaphore_mem>>) {add = true}
        %dma_wait3A = arith.constant 0 : i32
        %dma_wait3A_39 = tpu.memref_slice %arg4[%scan3A_33, %dma_wait3A] : memref<80x128xi32, #tpu.memory_space<vmem>> -> memref<1x128xi32, #tpu.memory_space<vmem>>
        %dma_wait3A_40 = tpu.memref_squeeze %dma_wait3A_39 : memref<1x128xi32, #tpu.memory_space<vmem>> -> memref<128xi32, #tpu.memory_space<vmem>>
        %dma_wait3A_41 = arith.constant 0 : i32
        %dma_wait3A_42 = arith.constant 0 : i32
        %dma_wait3A_43 = tpu.memref_slice %arg6[%dma_wait3A_41, %dma_wait3A_42] : memref<10112x128xf32, #tpu.memory_space<vmem_shared>> -> memref<10112x128xf32, #tpu.memory_space<vmem_shared>>
        tpu.wait_indirect_dma semaphore(%run_scoped3A : memref<!tpu.dma_semaphore, #tpu.memory_space<semaphore_mem>>) src(%arg5 : memref<128x128xf32, #tpu.memory_space<vmem>>) dst(%dma_wait3A_43 : memref<10112x128xf32, #tpu.memory_space<vmem_shared>>)
        tpu.yield
      }) : () -> ()
    }
    %scan3A_31 = arith.constant 80 : i32
    %barrier3A_32 = arith.constant 0 : index
    tpu.barrier barrier_id(%barrier3A_32)
    "tpu.region"() ({
      %run_scoped3A = tpu.sem_alloc : memref<!tpu.dma_semaphore, #tpu.memory_space<semaphore_mem>>
      %dma_start3A = arith.constant 0 : i32
      %dma_start3A_33 = tpu.memref_slice %arg3[%arg0, %mul3A_2, %dma_start3A] : memref<2x10112x128xf32, #tpu.memory_space<hbm>> -> memref<1x632x128xf32, #tpu.memory_space<hbm>>
      %dma_start3A_34 = tpu.memref_squeeze %dma_start3A_33 : memref<1x632x128xf32, #tpu.memory_space<hbm>> -> memref<632x128xf32, #tpu.memory_space<hbm>>
      %dma_start3A_35 = arith.constant 0 : i32
      %dma_start3A_36 = tpu.memref_slice %arg6[%mul3A_2, %dma_start3A_35] : memref<10112x128xf32, #tpu.memory_space<vmem_shared>> -> memref<632x128xf32, #tpu.memory_space<vmem_shared>>
      tpu.enqueue_dma source(%dma_start3A_36 : memref<632x128xf32, #tpu.memory_space<vmem_shared>>) target(%dma_start3A_34 : memref<632x128xf32, #tpu.memory_space<hbm>>) target_semaphore(%run_scoped3A : memref<!tpu.dma_semaphore, #tpu.memory_space<semaphore_mem>>)
      %dma_wait3A = arith.constant 0 : i32
      %dma_wait3A_37 = tpu.memref_slice %arg3[%arg0, %mul3A_2, %dma_wait3A] : memref<2x10112x128xf32, #tpu.memory_space<hbm>> -> memref<1x632x128xf32, #tpu.memory_space<hbm>>
      %dma_wait3A_38 = tpu.memref_squeeze %dma_wait3A_37 : memref<1x632x128xf32, #tpu.memory_space<hbm>> -> memref<632x128xf32, #tpu.memory_space<hbm>>
      %dma_wait3A_39 = arith.constant 0 : i32
      %dma_wait3A_40 = tpu.memref_slice %arg6[%mul3A_2, %dma_wait3A_39] : memref<10112x128xf32, #tpu.memory_space<vmem_shared>> -> memref<632x128xf32, #tpu.memory_space<vmem_shared>>
      tpu.wait_dma2 semaphore(%run_scoped3A : memref<!tpu.dma_semaphore, #tpu.memory_space<semaphore_mem>>) src(%dma_wait3A_40 : memref<632x128xf32, #tpu.memory_space<vmem_shared>>) dst(%dma_wait3A_38 : memref<632x128xf32, #tpu.memory_space<hbm>>)
      tpu.yield
    }) : () -> ()
    return
  }
}

module attributes {stable_mosaic.version = 14 : i64} {
  func.func @_mm_body(%arg0: i32, %arg1: memref<1000x128xf32, #tpu.memory_space<vmem>>, %arg2: memref<128x128xf32, #tpu.memory_space<vmem>>, %arg3: memref<1000x128xf32, #tpu.memory_space<vmem>>) attributes {dimension_semantics = [#tpu.dimension_semantics<arbitrary>], iteration_bounds = array<i64: 10>, scalar_prefetch = 0 : i64, scratch_operands = 0 : i64, tpu.core_type = #tpu.core_type<tc>, window_params = [{transform_indices = @transform_0, window_bounds = array<i64: 1000, 128>}, {pipeline_mode = #tpu.pipeline_mode<synchronous>, transform_indices = @transform_1, window_bounds = array<i64: 128, 128>}, {transform_indices = @transform_2, window_bounds = array<i64: 1000, 128>}]} {
    %get3A = arith.constant 0 : index
    %get3A_0 = arith.constant 0 : index
    %get3A_1 = vector.load %arg1[%get3A, %get3A_0] : memref<1000x128xf32, #tpu.memory_space<vmem>>, vector<1000x128xf32>
    %get3A_2 = arith.constant 0 : index
    %get3A_3 = arith.constant 0 : index
    %get3A_4 = vector.load %arg2[%get3A_2, %get3A_3] : memref<128x128xf32, #tpu.memory_space<vmem>>, vector<128x128xf32>
    %dot_general3A = arith.constant dense<0.000000e+00> : vector<1000x128xf32>
    %dot_general3A_5 = tpu.matmul %get3A_1, %get3A_4, %dot_general3A {dimension_numbers = #tpu.dot_dimension_numbers<[1], [0], [0], [1], [0, 0, 1, 1], [], []>, transpose_lhs_hint = false} : vector<1000x128xf32>, vector<128x128xf32>, vector<1000x128xf32> -> vector<1000x128xf32>
    %swap3A = arith.constant 0 : index
    %swap3A_6 = arith.constant 0 : index
    %swap3A_7 = vector.load %arg3[%swap3A, %swap3A_6] : memref<1000x128xf32, #tpu.memory_space<vmem>>, vector<1000x128xf32>
    tpu.vector_store %arg3[%swap3A, %swap3A_6], %dot_general3A_5 {strides = array<i32>} : memref<1000x128xf32, #tpu.memory_space<vmem>>, vector<1000x128xf32>,
    return
  }
  func.func @transform_0(%arg0: i32) -> (i32, i32) {
    %c0_i32 = arith.constant 0 : i32
    %c0_i32_0 = arith.constant 0 : i32
    return %arg0, %c0_i32 : i32, i32
  }
  func.func @transform_1(%arg0: i32) -> (i32, i32) {
    %c0_i32 = arith.constant 0 : i32
    %c0_i32_0 = arith.constant 0 : i32
    %c0_i32_1 = arith.constant 0 : i32
    return %c0_i32, %c0_i32_0 : i32, i32
  }
  func.func @transform_2(%arg0: i32) -> (i32, i32) {
    %c0_i32 = arith.constant 0 : i32
    %c0_i32_0 = arith.constant 0 : i32
    return %arg0, %c0_i32 : i32, i32
  }
}

module attributes {stable_mosaic.version = 14 : i64} {
  func.func @_mid_body(%arg0: i32, %arg1: memref<2x1000x128xf32, #tpu.memory_space<vmem>>, %arg2: memref<2x1000x128xf32, #tpu.memory_space<vmem>>, %arg3: memref<1x128xf32, #tpu.memory_space<vmem>>, %arg4: memref<128x128xf32, #tpu.memory_space<vmem>>, %arg5: memref<1000x128xf32, #tpu.memory_space<vmem>>) attributes {dimension_semantics = [#tpu.dimension_semantics<arbitrary>], iteration_bounds = array<i64: 10>, scalar_prefetch = 0 : i64, scratch_operands = 0 : i64, tpu.core_type = #tpu.core_type<tc>, window_params = [{transform_indices = @transform_0, window_bounds = array<i64: 2, 1000, 128>}, {transform_indices = @transform_1, window_bounds = array<i64: 2, 1000, 128>}, {pipeline_mode = #tpu.pipeline_mode<synchronous>, transform_indices = @transform_2, window_bounds = array<i64: 1, 128>}, {pipeline_mode = #tpu.pipeline_mode<synchronous>, transform_indices = @transform_3, window_bounds = array<i64: 128, 128>}, {transform_indices = @transform_4, window_bounds = array<i64: 1000, 128>}]} {
    %get3A = arith.constant 0 : index
    %get3A_0 = arith.constant 0 : index
    %get3A_1 = arith.constant 0 : index
    %get3A_2 = vector.load %arg1[%get3A, %get3A_0, %get3A_1] : memref<2x1000x128xf32, #tpu.memory_space<vmem>>, vector<1x1000x128xf32>
    %get3A_3 = vector.shape_cast %get3A_2 : vector<1x1000x128xf32> to vector<1000x128xf32>
    %get3A_4 = arith.constant 1 : index
    %get3A_5 = arith.constant 0 : index
    %get3A_6 = arith.constant 0 : index
    %get3A_7 = vector.load %arg1[%get3A_4, %get3A_5, %get3A_6] : memref<2x1000x128xf32, #tpu.memory_space<vmem>>, vector<1x1000x128xf32>
    %get3A_8 = vector.shape_cast %get3A_7 : vector<1x1000x128xf32> to vector<1000x128xf32>
    %add3A = arith.addf %get3A_3, %get3A_8 : vector<1000x128xf32>
    %get3A_9 = arith.constant 0 : index
    %get3A_10 = arith.constant 0 : index
    %get3A_11 = arith.constant 0 : index
    %get3A_12 = vector.load %arg2[%get3A_9, %get3A_10, %get3A_11] : memref<2x1000x128xf32, #tpu.memory_space<vmem>>, vector<1x1000x128xf32>
    %get3A_13 = vector.shape_cast %get3A_12 : vector<1x1000x128xf32> to vector<1000x128xf32>
    %get3A_14 = arith.constant 1 : index
    %get3A_15 = arith.constant 0 : index
    %get3A_16 = arith.constant 0 : index
    %get3A_17 = vector.load %arg2[%get3A_14, %get3A_15, %get3A_16] : memref<2x1000x128xf32, #tpu.memory_space<vmem>>, vector<1x1000x128xf32>
    %get3A_18 = vector.shape_cast %get3A_17 : vector<1x1000x128xf32> to vector<1000x128xf32>
    %add3A_19 = arith.addf %get3A_13, %get3A_18 : vector<1000x128xf32>
    %slice3A = vector.extract_strided_slice %add3A_19 {offsets = [0, 0], sizes = [1000, 1], strides = [1, 1]} : vector<1000x128xf32> to vector<1000x1xf32>
    %max3A = arith.constant 1.000000e+00 : f32
    %max3A_20 = vector.broadcast %max3A : f32 to vector<1000x1xf32>
    %max3A_21 = arith.maximumf %slice3A, %max3A_20 : vector<1000x1xf32>
    %div3A = arith.constant 1.000000e+00 : f32
    %div3A_22 = vector.broadcast %div3A : f32 to vector<1000x1xf32>
    %div3A_23 = arith.divf %div3A_22, %max3A_21 : vector<1000x1xf32>
    %mul3A = vector.broadcast %div3A_23 : vector<1000x1xf32> to vector<1000x128xf32>
    %mul3A_24 = arith.mulf %add3A, %mul3A : vector<1000x128xf32>
    %get3A_25 = arith.constant 0 : index
    %get3A_26 = arith.constant 0 : index
    %get3A_27 = vector.load %arg3[%get3A_25, %get3A_26] : memref<1x128xf32, #tpu.memory_space<vmem>>, vector<1x128xf32>
    %add3A_28 = vector.broadcast %get3A_27 : vector<1x128xf32> to vector<1000x128xf32>
    %add3A_29 = arith.addf %mul3A_24, %add3A_28 : vector<1000x128xf32>
    %max3A_30 = arith.constant 0.000000e+00 : f32
    %max3A_31 = vector.broadcast %max3A_30 : f32 to vector<1000x128xf32>
    %max3A_32 = arith.maximumf %add3A_29, %max3A_31 : vector<1000x128xf32>
    %get3A_33 = arith.constant 0 : index
    %get3A_34 = arith.constant 0 : index
    %get3A_35 = vector.load %arg4[%get3A_33, %get3A_34] : memref<128x128xf32, #tpu.memory_space<vmem>>, vector<128x128xf32>
    %dot_general3A = arith.constant dense<0.000000e+00> : vector<1000x128xf32>
    %dot_general3A_36 = tpu.matmul %max3A_32, %get3A_35, %dot_general3A {dimension_numbers = #tpu.dot_dimension_numbers<[1], [0], [0], [1], [0, 0, 1, 1], [], []>, transpose_lhs_hint = false} : vector<1000x128xf32>, vector<128x128xf32>, vector<1000x128xf32> -> vector<1000x128xf32>
    %swap3A = arith.constant 0 : index
    %swap3A_37 = arith.constant 0 : index
    %swap3A_38 = vector.load %arg5[%swap3A, %swap3A_37] : memref<1000x128xf32, #tpu.memory_space<vmem>>, vector<1000x128xf32>
    tpu.vector_store %arg5[%swap3A, %swap3A_37], %dot_general3A_36 {strides = array<i32>} : memref<1000x128xf32, #tpu.memory_space<vmem>>, vector<1000x128xf32>,
    return
  }
  func.func @transform_0(%arg0: i32) -> (i32, i32, i32) {
    %c0_i32 = arith.constant 0 : i32
    %c0_i32_0 = arith.constant 0 : i32
    %c0_i32_1 = arith.constant 0 : i32
    return %c0_i32, %arg0, %c0_i32_0 : i32, i32, i32
  }
  func.func @transform_1(%arg0: i32) -> (i32, i32, i32) {
    %c0_i32 = arith.constant 0 : i32
    %c0_i32_0 = arith.constant 0 : i32
    %c0_i32_1 = arith.constant 0 : i32
    return %c0_i32, %arg0, %c0_i32_0 : i32, i32, i32
  }
  func.func @transform_2(%arg0: i32) -> (i32, i32) {
    %c0_i32 = arith.constant 0 : i32
    %c0_i32_0 = arith.constant 0 : i32
    %c0_i32_1 = arith.constant 0 : i32
    return %c0_i32, %c0_i32_0 : i32, i32
  }
  func.func @transform_3(%arg0: i32) -> (i32, i32) {
    %c0_i32 = arith.constant 0 : i32
    %c0_i32_0 = arith.constant 0 : i32
    %c0_i32_1 = arith.constant 0 : i32
    return %c0_i32, %c0_i32_0 : i32, i32
  }
  func.func @transform_4(%arg0: i32) -> (i32, i32) {
    %c0_i32 = arith.constant 0 : i32
    %c0_i32_0 = arith.constant 0 : i32
    return %arg0, %c0_i32 : i32, i32
  }
}

module attributes {stable_mosaic.version = 14 : i64} {
  func.func @_fin_body(%arg0: i32, %arg1: memref<2x1000x128xf32, #tpu.memory_space<vmem>>, %arg2: memref<2x1000x128xf32, #tpu.memory_space<vmem>>, %arg3: memref<1x128xf32, #tpu.memory_space<vmem>>, %arg4: memref<1000x128xf32, #tpu.memory_space<vmem>>) attributes {dimension_semantics = [#tpu.dimension_semantics<arbitrary>], iteration_bounds = array<i64: 10>, scalar_prefetch = 0 : i64, scratch_operands = 0 : i64, tpu.core_type = #tpu.core_type<tc>, window_params = [{transform_indices = @transform_0, window_bounds = array<i64: 2, 1000, 128>}, {transform_indices = @transform_1, window_bounds = array<i64: 2, 1000, 128>}, {pipeline_mode = #tpu.pipeline_mode<synchronous>, transform_indices = @transform_2, window_bounds = array<i64: 1, 128>}, {transform_indices = @transform_3, window_bounds = array<i64: 1000, 128>}]} {
    %get3A = arith.constant 0 : index
    %get3A_0 = arith.constant 0 : index
    %get3A_1 = arith.constant 0 : index
    %get3A_2 = vector.load %arg1[%get3A, %get3A_0, %get3A_1] : memref<2x1000x128xf32, #tpu.memory_space<vmem>>, vector<1x1000x128xf32>
    %get3A_3 = vector.shape_cast %get3A_2 : vector<1x1000x128xf32> to vector<1000x128xf32>
    %get3A_4 = arith.constant 1 : index
    %get3A_5 = arith.constant 0 : index
    %get3A_6 = arith.constant 0 : index
    %get3A_7 = vector.load %arg1[%get3A_4, %get3A_5, %get3A_6] : memref<2x1000x128xf32, #tpu.memory_space<vmem>>, vector<1x1000x128xf32>
    %get3A_8 = vector.shape_cast %get3A_7 : vector<1x1000x128xf32> to vector<1000x128xf32>
    %add3A = arith.addf %get3A_3, %get3A_8 : vector<1000x128xf32>
    %get3A_9 = arith.constant 0 : index
    %get3A_10 = arith.constant 0 : index
    %get3A_11 = arith.constant 0 : index
    %get3A_12 = vector.load %arg2[%get3A_9, %get3A_10, %get3A_11] : memref<2x1000x128xf32, #tpu.memory_space<vmem>>, vector<1x1000x128xf32>
    %get3A_13 = vector.shape_cast %get3A_12 : vector<1x1000x128xf32> to vector<1000x128xf32>
    %get3A_14 = arith.constant 1 : index
    %get3A_15 = arith.constant 0 : index
    %get3A_16 = arith.constant 0 : index
    %get3A_17 = vector.load %arg2[%get3A_14, %get3A_15, %get3A_16] : memref<2x1000x128xf32, #tpu.memory_space<vmem>>, vector<1x1000x128xf32>
    %get3A_18 = vector.shape_cast %get3A_17 : vector<1x1000x128xf32> to vector<1000x128xf32>
    %add3A_19 = arith.addf %get3A_13, %get3A_18 : vector<1000x128xf32>
    %slice3A = vector.extract_strided_slice %add3A_19 {offsets = [0, 0], sizes = [1000, 1], strides = [1, 1]} : vector<1000x128xf32> to vector<1000x1xf32>
    %max3A = arith.constant 1.000000e+00 : f32
    %max3A_20 = vector.broadcast %max3A : f32 to vector<1000x1xf32>
    %max3A_21 = arith.maximumf %slice3A, %max3A_20 : vector<1000x1xf32>
    %div3A = vector.broadcast %max3A_21 : vector<1000x1xf32> to vector<1000x128xf32>
    %div3A_22 = arith.divf %add3A, %div3A : vector<1000x128xf32>
    %get3A_23 = arith.constant 0 : index
    %get3A_24 = arith.constant 0 : index
    %get3A_25 = vector.load %arg3[%get3A_23, %get3A_24] : memref<1x128xf32, #tpu.memory_space<vmem>>, vector<1x128xf32>
    %add3A_26 = vector.broadcast %get3A_25 : vector<1x128xf32> to vector<1000x128xf32>
    %add3A_27 = arith.addf %div3A_22, %add3A_26 : vector<1000x128xf32>
    %swap3A = arith.constant 0 : index
    %swap3A_28 = arith.constant 0 : index
    %swap3A_29 = vector.load %arg4[%swap3A, %swap3A_28] : memref<1000x128xf32, #tpu.memory_space<vmem>>, vector<1000x128xf32>
    tpu.vector_store %arg4[%swap3A, %swap3A_28], %add3A_27 {strides = array<i32>} : memref<1000x128xf32, #tpu.memory_space<vmem>>, vector<1000x128xf32>,
    return
  }
  func.func @transform_0(%arg0: i32) -> (i32, i32, i32) {
    %c0_i32 = arith.constant 0 : i32
    %c0_i32_0 = arith.constant 0 : i32
    %c0_i32_1 = arith.constant 0 : i32
    return %c0_i32, %arg0, %c0_i32_0 : i32, i32, i32
  }
  func.func @transform_1(%arg0: i32) -> (i32, i32, i32) {
    %c0_i32 = arith.constant 0 : i32
    %c0_i32_0 = arith.constant 0 : i32
    %c0_i32_1 = arith.constant 0 : i32
    return %c0_i32, %arg0, %c0_i32_0 : i32, i32, i32
  }
  func.func @transform_2(%arg0: i32) -> (i32, i32) {
    %c0_i32 = arith.constant 0 : i32
    %c0_i32_0 = arith.constant 0 : i32
    %c0_i32_1 = arith.constant 0 : i32
    return %c0_i32, %c0_i32_0 : i32, i32
  }
  func.func @transform_3(%arg0: i32) -> (i32, i32) {
    %c0_i32 = arith.constant 0 : i32
    %c0_i32_0 = arith.constant 0 : i32
    return %arg0, %c0_i32 : i32, i32
  }
}

</mosaic_0001>

<sc_bundles>
// kernel: kernel.11.cloned.1.call-start
scs
__scs_entry_jumppad:
0x0: {  	(pc) =	sbr.rel $0x88, $3  }
0x1: {  	(tag) =	ssettag $0x0;
	lr =	simm.s32 $0x1  }
0x2: {  	[smem:$0x3F9B] =	sst lr;
	_ =	strace $0xD0000000  }
0x3: {  	_ = 	snop  }
0x4: {  	_ = 	snop  }
0x5: {  	_ = 	snop  }
0x6: {  	_ = 	snop  }
0x7: {  	_ = 	snop  }
__scs_overlays_trampoline_lowered:
0x8: {  	[smem:$0x3FAA] =	sst s0  }
0x9: {  	[smem:$0x3FAB] =	sst s1  }
0xa: {  	[smem:$0x3FAC] =	sst s2  }
0xb: {  	[smem:$0x3FAD] =	sst s3  }
0xc: {  	[smem:$0x3FAE] =	sst s4  }
0xd: {  	[smem:$0x3FAF] =	sst s5  }
0xe: {  	[smem:$0x3FB0] =	sst s6  }
0xf: {  	[smem:$0x3FB1] =	sst s7  }
0x10: {  	[smem:$0x3FB2] =	sst s8  }
0x11: {  	[smem:$0x3FB3] =	sst s9;
	s0 =	simm.s32 @!p0 $0x0  }
0x12: {  	s1 =	sld [smem:$0x3F99];
	s0 =	simm.s32 @p0 $0x1  }
0x13: {  	[smem:$0x3FB4] =	sst s0;
	s0 =	simm.s32 @!p1 $0x0  }
0x14: {  	s2 =	sld [smem:$0x3F98];
	s0 =	simm.s32 @p1 $0x1  }
0x15: {  	[smem:$0x3FB5] =	sst s0;
	s0 =	simm.s32 @!p2 $0x0  }
0x16: {  	s3 =	sld [smem:$0x3FDB];
	s0 =	simm.s32 @p2 $0x1  }
0x17: {  	s4 =	simm.s32 $0x1BF5;
	[smem:$0x3FB7] =	sst s0  }
0x18: {  	s0 =	sld [smem:$0x3F9A];
	_ =	swait.ge [sflag:s4], $0x0  }
0x19: {  	s7 =	sld [smem:$0x3F9B]  }
0x1a: {  	s8 =	sadd.s32 $0xFFFFE003, lr  }
0x1b: {  	s9 =	sadd.s32 $0xFFFFFEF7, lr;
	s5 =	simm.s32 $0xFFFFFFFF;
	p2 =	slt.u32 s8, $0xFFFFF086  }
0x1c: {  	p1 =	slt.u32 s9, $0xF7A;
	s5 =	simm.s32 @!p2 $0x0  }
0x1d: {  	s5 =	simm.s32 @p1 $0x1;
	p0 =	seq.s32 s7, s2  }
0x1e: {  	s7 =	smul.u32 @!p0 $0xF7A, s2;
	p2 =	seq.s32 @!p0 s5, $0x0  }
0x1f: {  	s9 =	smul.u32 $0xF7A, s1;
	s8 =	simm.s32 @!p0 $0x1BF5;
	p2 =	por !p2, p0  }
0x20: {  	[sflag:s8] =	ssyncset.s32 @!p0 $0xFFFFF086;
	s6 =	sadd.s32 @!p0 s3, s7;
	s7 =	simm.s32 @!p0 $0x108  }
0x21: {  	s3 =	sadd.s32 s3, s9;
	s6 =	sadd.s32 @!p0 $0x88, s6;
	s7 =	simm.s32 @p2 $0x1082  }
0x22: {  	[simem:s7], [sflag:s8] =	dma.local @!p0 [hbm:s6], $0xF7A  }
0x23: {  	s9 =	sor.u32 $0xD0000000, s2;
	s6 =	simm.s32 $0x108;
	_ =	swait.ge @!p0 [sflag:s8], $0x0  }
0x24: {  	s3 =	sadd.s32 $0x88, s3;
	s6 =	simm.s32 @!p1 $0x1082;
	[sflag:s4] =	ssyncset.s32 $0xFFFFF086  }
0x25: {  	[simem:s6], [sflag:s4] =	dma.local [hbm:s3], $0xF7A  }
0x26: {  	[smem:$0x3F9B] =	sst s1;
	(tag) =	ssettag s2;
	_ =	strace s9  }
0x27: {  	s1 =	sld [smem:$0x3FAB]  }
0x28: {  	s2 =	sld [smem:$0x3FAC]  }
0x29: {  	s4 =	sld [smem:$0x3FAE]  }
0x2a: {  	p0 =	seq.s32 s5, $0x0;
	s5 =	sld [smem:$0x3FAF]  }
0x2b: {  	s6 =	sld [smem:$0x3FB0]  }
0x2c: {  	s7 =	sld [smem:$0x3FB1]  }
0x2d: {  	s3 =	simm.s32 $0x108;
	s8 =	sld [smem:$0x3FB2]  }
0x2e: {  	s3 =	simm.s32 @!p0 $0x1082;
	s9 =	sld [smem:$0x3FB3]  }
0x2f: {  	lr =	sadd.s32 s0, s3;
	s0 =	sld [smem:$0x3FAA]  }
0x30: {  	s3 =	sld [smem:$0x3FAD]  }
0x31: {  	[smem:$0x3FB6] =	sst s10  }
0x32: {  	s10 =	sld [smem:$0x3FB4];
	_ =	sdelay $0x3  }
0x33: {  	p0 =	seq.s32 s10, $0x1;
	s10 =	sld [smem:$0x3FB6];
	_ =	sdelay $0x3  }
0x34: {  	[smem:$0x3FB6] =	sst s10  }
0x35: {  	s10 =	sld [smem:$0x3FB5];
	_ =	sdelay $0x3  }
0x36: {  	p1 =	seq.s32 s10, $0x1;
	s10 =	sld [smem:$0x3FB6];
	_ =	sdelay $0x3  }
0x37: {  	[smem:$0x3FB6] =	sst s10  }
0x38: {  	s10 =	sld [smem:$0x3FB7]  }
0x39: {  	_ = 	snop;
	(pc) =	sbr.ind lr, $3  }
0x3a: {  	_ = 	snop  }
0x3b: {  	_ = 	snop  }
0x3c: {  	p2 =	seq.s32 s10, $0x1;
	s10 =	sld [smem:$0x3FB6]  }
0x3d: {  	_ =	shalt  }
0x3e: {  	_ =	shalt  }
0x3f: {  	_ =	shalt  }
0x40: {  	_ =	shalt  }
0x41: {  	_ =	shalt  }
0x42: {  	_ =	shalt  }
0x43: {  	_ =	shalt  }
0x44: {  	_ =	shalt  }
0x45: {  	_ =	shalt  }
0x46: {  	_ =	shalt  }
0x47: {  	_ =	shalt  }
0x48: {  	_ =	shalt  }
0x49: {  	_ =	shalt  }
0x4a: {  	_ =	shalt  }
0x4b: {  	_ =	shalt  }
0x4c: {  	_ =	shalt  }
0x4d: {  	_ =	shalt  }
0x4e: {  	_ =	shalt  }
0x4f: {  	_ =	shalt  }
0x50: {  	_ =	shalt  }
0x51: {  	_ =	shalt  }
0x52: {  	_ =	shalt  }
0x53: {  	_ =	shalt  }
0x54: {  	_ =	shalt  }
0x55: {  	_ =	shalt  }
0x56: {  	_ =	shalt  }
0x57: {  	_ =	shalt  }
0x58: {  	_ =	shalt  }
0x59: {  	_ =	shalt  }
0x5a: {  	_ =	shalt  }
0x5b: {  	_ =	shalt  }
0x5c: {  	_ =	shalt  }
0x5d: {  	_ =	shalt  }
0x5e: {  	_ =	shalt  }
0x5f: {  	_ =	shalt  }
0x60: {  	_ =	shalt  }
0x61: {  	_ =	shalt  }
0x62: {  	_ =	shalt  }
0x63: {  	_ =	shalt  }
0x64: {  	_ =	shalt  }
0x65: {  	_ =	shalt  }
0x66: {  	_ =	shalt  }
0x67: {  	_ =	shalt  }
0x68: {  	_ =	shalt  }
0x69: {  	_ =	shalt  }
0x6a: {  	_ =	shalt  }
0x6b: {  	_ =	shalt  }
0x6c: {  	_ =	shalt  }
0x6d: {  	_ =	shalt  }
0x6e: {  	_ =	shalt  }
0x6f: {  	_ =	shalt  }
0x70: {  	_ =	shalt  }
0x71: {  	_ =	shalt  }
0x72: {  	_ =	shalt  }
0x73: {  	_ =	shalt  }
0x74: {  	_ =	shalt  }
0x75: {  	_ =	shalt  }
0x76: {  	_ =	shalt  }
0x77: {  	_ =	shalt  }
0x78: {  	_ =	shalt  }
0x79: {  	_ =	shalt  }
0x7a: {  	_ =	shalt  }
0x7b: {  	_ =	shalt  }
0x7c: {  	_ =	shalt  }
0x7d: {  	_ =	shalt  }
0x7e: {  	_ =	shalt  }
0x7f: {  	_ =	shalt  }
0x80: {  	_ =	shalt  }
0x81: {  	_ =	shalt  }
0x82: {  	_ =	shalt  }
0x83: {  	_ =	shalt  }
0x84: {  	_ =	shalt  }
0x85: {  	_ =	shalt  }
0x86: {  	_ =	shalt  }
0x87: {  	_ =	shalt  }
.Lfunc_end0:
.L_simem_size_0:
called_computation.1_lowered:
.L_overlay_start_0:
0x88: {  	s2 =	sld [smem:$0x3FD9]  }
0x89: {  	s3 =	sld [smem:$0x3FFE];
	_ =	sdelay $0x1  }
0x8a: {  	s1 =	srdreg.scid  }
0x8b: {  	s0 =	sand.u32 $0x1, s1  }
0x8c: {  	s17 =	sshll.u32 s0, $0xA;
	s2 =	sadd.s32 s3, s2  }
0x8d: {  	s2 =	sadd.s32 s2, s17  }
0x8e: {  	[smem:$0x3FC2] =	sst s2  }
0x8f: {  	_ = 	snop  }
0x90: {  	s2 =	sld [smem:$0x3FD0];
	(tm) =	ssettm $0x1  }
0x91: {  	s18 =	sld [smem:$0x3FFB];
	_ =	sdelay $0x3  }
0x92: {  	_ =	strace s18  }
0x93: {  	s3 =	sld [smem:$0x3FFC];
	_ =	sdelay $0x3  }
0x94: {  	_ =	strace s3  }
0x95: {  	s3 =	sld [smem:$0x3FFD];
	_ =	sdelay $0x3  }
0x96: {  	_ =	strace s3  }
0x97: {  	_ =	strace $0x8FFFFFFF  }
0x98: {  	s19 =	sld [smem:$0x3FDB];
	_ =	sdelay $0x1  }
0x99: {  	s4 =	simm.s32 $_scs_section_size  }
0x9a: {  	s5 =	simm.s32 $_size__tile_overlayer_lowered;
	s6 =	simm.s32 $_tile_overlayer_lowered  }
0x9b: {  	s22 =	simm.s32 $0x1BFF;
	s21 =	sshll.u32 s6, $0x1;
	s3 =	sadd.s32 s4, s19  }
0x9c: {  	s7 =	simm.s32 $0x0;
	s20 =	sshll.u32 s5, $0x1;
	s5 =	sadd.s32 s21, s3  }
0x9d: {  	[timem:s7], [sflag:s22] =	dma.local [hbm:s5], s20  }
0x9e: {  	_ =	swait.ge [sflag:s22], s20  }
0x9f: {  	s4 =	ssub.s32 $0x0, s20;
	[sflag:s22] =	ssyncset.done $0x0  }
0xa0: {  	[sflag:s22] =	ssyncadd.s32 s4;
	_ =	sdelay $0x1  }
0xa1: {  	s23 =	simm.s32 $0x1B8B  }
0xa2: {  	_ =	swait.ge [sflag:s23], $0x1  }
0xa3: {  	[sflag:s23] =	ssyncset.done $0x0  }
0xa4: {  	s25 =	simm.s32 $0x1B8E;
	s24 =	sld [smem:$0x3FFE];
	[sflag:s23] =	ssyncadd.s32 $0xFFFFFFFF  }
0xa5: {  	s26 =	simm.s32 $execute0_lowered;
	[smem:$0x3FD2] =	sst s25  }
0xa6: {  	s5 =	sshll.u32 s26, $0x1;
	_ =	strace $0x80000046;
	[dreg:$0x1] =	wrdreg $0xFFFFFFFF  }
0xa7: {  	s28 =	simm.s32 $_size_execute0_lowered;
	s3 =	sadd.s32 s3, s5;
	[dreg:$0x0] =	wrdreg $0x0  }
0xa8: {  	s5 =	sshll.u32 s28, $0x1;
	[dreg:$0x2] =	wrdreg s3  }
0xa9: {  	[dreg:$0x3] =	wrdreg s5  }
0xaa: {  	[dreg:$0x4] =	wrdreg $0xC0  }
0xab: {  	_ =	task [dreg:s7], $0x5FFFF  }
0xac: {  	[dreg:$0x1] =	wrdreg $0xFFFFFFFF  }
0xad: {  	[dreg:$0x0] =	wrdreg $0x60  }
0xae: {  	[dreg:$0x2] =	wrdreg s2  }
0xaf: {  	[dreg:$0x3] =	wrdreg s24  }
0xb0: {  	[dreg:$0x4] =	wrdreg $0x88000  }
0xb1: {  	[dreg:$0x5] =	wrdreg $0xA  }
0xb2: {  	_ =	task.clear_ibuf [dreg:s7], $0x6FFFF;
	_ =	strace $0x90000046  }
0xb3: {  	s29 =	simm.s32 $0xA;
	_ =	strace $0x80000048  }
0xb4: {  	_ =	swait.ge [sflag:s29], $0x1  }
0xb5: {  	[sflag:s29] =	ssyncadd.s32 $0xFFFFFFFF  }
0xb6: {  	_ =	strace $0x90000048  }
0xb7: {  	_ =	sfence  }
0xb8: {  	s30 =	sld [smem:$0x0];
	_ =	sdelay $0x2  }
0xb9: {  	s31 =	sshll.u32 s1, $0xD;
	s1 =	sshrl.u32 s1, $0x2  }
0xba: {  	s3 =	sand.u32 $0x4000, s31;
	s1 =	sadd.s32 s1, s30  }
0xbb: {  	s0 =	sor.u32 s3, s0;
	s1 =	sshll.u32 s1, $0x11  }
0xbc: {  	s0 =	sor.u32 s1, s0  }
0xbd: {  	s0 =	sadd.s32 $0x8F2B, s0  }
0xbe: {  	[sflag:s0] =	ssyncadd.remote.s32 $0x1  }
0xbf: {  	_ =	sfence.sel $0xFFFF  }
0xc0: {  	[dreg:$0x0] =	wrdreg $0xFFFFFFFF;
	(pc) =	sbr.abs _section_cstart, $3  }
0xc1: {  	[dreg:$0x1] =	wrdreg $0xFFFFFFFF  }
0xc2: {  	_ =	task.clear_ibuf [dreg:s7], $0x2FFFF;
	_ =	strace $0x9FFFFFFF  }
0xc3: {  	(tm) =	ssettm $0x7FFFFFFF  }
tec
execute0_lowered:
.L_overlay_start_1:
0x0: {  	(tag) =	ssettag $0x1  }
0x1: {  	s1 =	rddreg [dreg:$0x0]  }
0x2: {  	s0 =	rddreg [dreg:$0x1];
	s2 =	srdreg.scid  }
0x3: {  	s9 =	stileid.u32;
	s3 =	rddreg [dreg:$0x2];
	s4 =	simm.s32 $0x0  }
0x4: {  	s24 =	simm.s32 $0x100;
	s25 =	simm.s32 $0x480;
	s26 =	simm.s32 $0x180  }
0x5: {  	s28 =	simm.s32 $0x280;
	s29 =	simm.s32 $0x600;
	s30 =	simm.s32 $0x300  }
0x6: {  	s31 =	simm.s32 $0x680;
	s2 =	sand.u32 $0x1, s2;
	s5 =	smul.u32 $0x98, s9  }
0x7: {  	s7 =	sshll.u32 s9, $0x3;
	s8 =	smul.u32 $0x13C00, s9;
	[smem:$0x7FF] =	sst s4  }
0x8: {  	s16 =	smul.u32 $0x4F000, s9;
	_ =	strace $0x80000047;
	[dreg:$0x4] =	wrdreg s24  }
0x9: {  	s6 =	smul.u32 $0x13C000, s2;
	p0 =	seq.s32 s2, $0x0;
	[dreg:$0x5] =	wrdreg s25  }
0xa: {  	s7 =	sor.u32 $0x980, s7;
	s2 =	ssub.s32 $0x2, s2;
	[dreg:$0x6] =	wrdreg s26  }
0xb: {  	s24 =	simm.s32 $0x500;
	s25 =	simm.s32 $0x200;
	s26 =	simm.s32 $0x580  }
0xc: {  	s7 =	smov.u32 @p0 s5;
	s18 =	sshrl.u32 s2, $0x1;
	s14 =	sadd.s32 s8, s6  }
0xd: {  	s15 =	sshll.u32 s7, $0x4;
	s7 =	sshrl.u32 s16, $0x2;
	s2 =	ssub.s32 s2, s18  }
0xe: {  	s18 =	simm.s32 $0x3;
	s5 =	sshrl.u32 s14, $0x3;
	s6 =	sadd.s32 s7, s3  }
0xf: {  	s17 =	sadd.s32 s15, s0;
	s14 =	smax.u32 s2, $0x1;
	s7 =	sadd.s32 $0x4000, s6  }
0x10: {  	s2 =	simm.s32 $0x380;
	s19 =	sadd.s32 $0x8000, s6;
	[dreg:$0x7] =	wrdreg s7  }
0x11: {  	s0 =	sadd.s32 s5, s0;
	s20 =	sadd.s32 $0xC000, s6;
	[dreg:$0x8] =	wrdreg s19  }
0x12: {  	s5 =	simm.s32 $0x13;
	s21 =	sadd.s32 $0x10000, s6;
	[dreg:$0x9] =	wrdreg s20  }
0x13: {  	s22 =	sadd.s32 $0xC000, s17;
	s23 =	sadd.s32 $0x2000, s17;
	[dreg:$0xa] =	wrdreg s21  }
0x14: {  	s15 =	sadd.s32 $0x2080, s17;
	s16 =	sadd.s32 $0xC080, s17;
	[dreg:$0xb] =	wrdreg s22  }
0x15: {  	s17 =	simm.s32 $0x800;
	s5 =	simm.s32 @!p0 $0x1;
	[dreg:$0xc] =	wrdreg s23  }
0x16: {  	s0 =	sadd.s32 $0x16000, s0;
	s19 =	simm.s32 $0x400;
	s20 =	simm.s32 $0x80  }
0x17: {  	s21 =	simm.s32 $0x4800;
	s22 =	simm.s32 $0x1;
	s23 =	simm.s32 $0x2  }
0x18: {  	v0 =	vimm.f32 $0.0e+00;
	s7 =	simm.s32 $0x780;
	[dreg:$0xd] =	wrdreg s0;
	s0 =	simm.s32 $0x700  }
.LBB2_1:
0x19: {  	s8 =	simm.s32 $0x0;
	s9 =	simm.s32 $0x200  }
.LBB2_2:
0x1a: {  	p0 =	sne.s32 s9, $0xFE00;
	[tilespmem:s8+$0x870] =	vst v0  }
0x1b: {  	[tilespmem:s8+$0x800] =	vst v0  }
0x1c: {  	[tilespmem:s8+$0x810] =	vst v0  }
.Ltmp0:
0x1d: {  	[tilespmem:s8+$0x820] =	vst v0;
	(pc) =	sbr.rel @p0 .LBB2_2-.Ltmp0, $4  }
0x1e: {  	[tilespmem:s8+$0x830] =	vst v0  }
0x1f: {  	[tilespmem:s8+$0x840] =	vst v0  }
0x20: {  	[tilespmem:s8+$0x850] =	vst v0  }
0x21: {  	[tilespmem:s8+$0x860] =	vst v0;
	s8 =	sshra.s32 s9, $0x2;
	s9 =	sadd.s32 $0x200, s9  }
0x22: {  	[tilespmem:s8+$0x870] =	vst v0  }
0x23: {  	[tilespmem:s8+$0x800] =	vst v0  }
0x24: {  	[tilespmem:s8+$0x810] =	vst v0  }
0x25: {  	[tilespmem:s8+$0x820] =	vst v0  }
0x26: {  	[tilespmem:s8+$0x830] =	vst v0  }
0x27: {  	[tilespmem:s8+$0x840] =	vst v0  }
0x28: {  	[tilespmem:s8+$0x850] =	vst v0  }
0x29: {  	[tilespmem:s8+$0x860] =	vst v0  }
0x2a: {  	[spmem:s6] =	stream.linear.scatter [tilespmem:s17], [sflag:$0x3], $0x4000, $0x38;
	[tilespmem:$0x1C400] =	vst v63  }
0x2b: {  	_ =	swait.ge [sflag:s18], $0x4000  }
0x2c: {  	[sflag:s18] =	ssyncset.done $0x0  }
0x2d: {  	s9 =	rddreg [dreg:$0x7];
	[sflag:s18] =	ssyncadd.s32 $0xFFFFC000  }
0x2e: {  	[spmem:s9] =	stream.linear.scatter [tilespmem:s17], [sflag:$0x3], $0x4000, $0x38;
	[tilespmem:$0x1C400] =	vst v63  }
0x2f: {  	_ =	swait.ge [sflag:s18], $0x4000  }
0x30: {  	[sflag:s18] =	ssyncset.done $0x0  }
0x31: {  	s10 =	rddreg [dreg:$0x8];
	[sflag:s18] =	ssyncadd.s32 $0xFFFFC000  }
0x32: {  	[spmem:s10] =	stream.linear.scatter [tilespmem:s17], [sflag:$0x3], $0x4000, $0x38;
	[tilespmem:$0x1C400] =	vst v63  }
0x33: {  	_ =	swait.ge [sflag:s18], $0x4000  }
0x34: {  	[sflag:s18] =	ssyncset.done $0x0  }
0x35: {  	s11 =	rddreg [dreg:$0x9];
	[sflag:s18] =	ssyncadd.s32 $0xFFFFC000  }
0x36: {  	[spmem:s11] =	stream.linear.scatter [tilespmem:s17], [sflag:$0x3], $0x4000, $0x38;
	[tilespmem:$0x1C400] =	vst v63  }
0x37: {  	_ =	swait.ge [sflag:s18], $0x4000  }
0x38: {  	[sflag:s18] =	ssyncset.done $0x0  }
0x39: {  	s12 =	rddreg [dreg:$0xa];
	[sflag:s18] =	ssyncadd.s32 $0xFFFFC000  }
0x3a: {  	[spmem:s12] =	stream.linear.scatter [tilespmem:s17], [sflag:$0x3], $0x3C00, $0x38;
	[tilespmem:$0x1C400] =	vst v63  }
0x3b: {  	_ =	swait.ge [sflag:s18], $0x3C00  }
0x3c: {  	[sflag:s18] =	ssyncset.done $0x0  }
0x3d: {  	[sflag:s18] =	ssyncadd.s32 $0xFFFFC400  }
0x3e: {  	[bflag:$0x0] =	sbarrier.arrive $0xFFFF  }
0x3f: {  	s13 =	simm.s32 $0x0;
	s9 =	rddreg [dreg:$0xb]  }
0x40: {  	[tilespmem:s13], [sflag:$0x3] =	stream.linear.gather [hbm4b:s9+s13], $0x400, $0x38;
	[tilespmem:$0x1C400] =	vst v63  }
0x41: {  	_ =	swait.ge [sflag:s18], $0x400  }
0x42: {  	[sflag:s18] =	ssyncset.done $0x0  }
0x43: {  	s10 =	rddreg [dreg:$0xc];
	[sflag:s18] =	ssyncadd.s32 $0xFFFFFC00  }
0x44: {  	[tilespmem:s19], [sflag:$0x3] =	stream.linear.gather [hbm4b:s10+s13], $0x400, $0x38;
	[tilespmem:$0x1C400] =	vst v63  }
0x45: {  	_ =	swait.ge [sflag:s18], $0x400  }
0x46: {  	[sflag:s18] =	ssyncset.done $0x0  }
0x47: {  	[sflag:s18] =	ssyncadd.s32 $0xFFFFFC00  }
0x48: {  	[tilespmem:s17], [sflag:$0x1] =	stream.indirect.gather [hbm4b:s1+s20], $0x80, s13, s20, $0xb8;
	[tilespmem:$0x1C400] =	vst v63  }
0x49: {  	_ = 	snop  }
0x4a: {  	[tilespmem:s21], [sflag:$0x2] =	stream.indirect.gather [hbm4b:s1+s20], $0x80, s20, s20, $0xb8;
	[tilespmem:$0x1C400] =	vst v63  }
0x4b: {  	_ =	swait.ge [sflag:s22], $0x4000  }
0x4c: {  	[sflag:s22] =	ssyncset.done $0x0  }
0x4d: {  	[sflag:s22] =	ssyncadd.s32 $0xFFFFC000  }
0x4e: {  	[spmem:s3] =	stream.indirect.scatter.add.f32 [tilespmem:s17], [sflag:$0x3], $0x80, s19, s20, $0xb8;
	[tilespmem:$0x1C400] =	vst v63  }
0x4f: {  	_ =	swait.ge [sflag:s18], $0x4000  }
0x50: {  	[sflag:s18] =	ssyncset.done $0x0  }
0x51: {  	s11 =	rddreg [dreg:$0x4];
	[sflag:s18] =	ssyncadd.s32 $0xFFFFC000  }
0x52: {  	[tilespmem:s17], [sflag:$0x1] =	stream.indirect.gather [hbm4b:s1+s20], $0x80, s11, s20, $0xb8;
	[tilespmem:$0x1C400] =	vst v63  }
0x53: {  	_ =	swait.ge [sflag:s23], $0x4000  }
0x54: {  	[sflag:s23] =	ssyncset.done $0x0  }
0x55: {  	s12 =	rddreg [dreg:$0x5];
	[sflag:s23] =	ssyncadd.s32 $0xFFFFC000  }
0x56: {  	[spmem:s3] =	stream.indirect.scatter.add.f32 [tilespmem:s21], [sflag:$0x3], $0x80, s12, s20, $0xb8;
	[tilespmem:$0x1C400] =	vst v63  }
0x57: {  	_ =	swait.ge [sflag:s18], $0x4000  }
0x58: {  	[sflag:s18] =	ssyncset.done $0x0  }
0x59: {  	s13 =	rddreg [dreg:$0x6];
	[sflag:s18] =	ssyncadd.s32 $0xFFFFC000  }
0x5a: {  	[tilespmem:s21], [sflag:$0x2] =	stream.indirect.gather [hbm4b:s1+s20], $0x80, s13, s20, $0xb8;
	[tilespmem:$0x1C400] =	vst v63  }
0x5b: {  	_ =	swait.ge [sflag:s22], $0x4000  }
0x5c: {  	[sflag:s22] =	ssyncset.done $0x0  }
0x5d: {  	[sflag:s22] =	ssyncadd.s32 $0xFFFFC000  }
0x5e: {  	[spmem:s3] =	stream.indirect.scatter.add.f32 [tilespmem:s17], [sflag:$0x3], $0x80, s24, s20, $0xb8;
	[tilespmem:$0x1C400] =	vst v63  }
0x5f: {  	_ =	swait.ge [sflag:s18], $0x4000  }
0x60: {  	[sflag:s18] =	ssyncset.done $0x0  }
0x61: {  	[sflag:s18] =	ssyncadd.s32 $0xFFFFC000  }
0x62: {  	[tilespmem:s17], [sflag:$0x1] =	stream.indirect.gather [hbm4b:s1+s20], $0x80, s25, s20, $0xb8;
	[tilespmem:$0x1C400] =	vst v63  }
0x63: {  	_ =	swait.ge [sflag:s23], $0x4000  }
0x64: {  	[sflag:s23] =	ssyncset.done $0x0  }
0x65: {  	[sflag:s23] =	ssyncadd.s32 $0xFFFFC000  }
0x66: {  	[spmem:s3] =	stream.indirect.scatter.add.f32 [tilespmem:s21], [sflag:$0x3], $0x80, s26, s20, $0xb8;
	[tilespmem:$0x1C400] =	vst v63  }
0x67: {  	_ =	swait.ge [sflag:s18], $0x4000  }
0x68: {  	[sflag:s18] =	ssyncset.done $0x0  }
0x69: {  	[sflag:s18] =	ssyncadd.s32 $0xFFFFC000  }
0x6a: {  	[tilespmem:s21], [sflag:$0x2] =	stream.indirect.gather [hbm4b:s1+s20], $0x80, s28, s20, $0xb8;
	[tilespmem:$0x1C400] =	vst v63  }
0x6b: {  	_ =	swait.ge [sflag:s22], $0x4000  }
0x6c: {  	[sflag:s22] =	ssyncset.done $0x0  }
0x6d: {  	[sflag:s22] =	ssyncadd.s32 $0xFFFFC000  }
0x6e: {  	[spmem:s3] =	stream.indirect.scatter.add.f32 [tilespmem:s17], [sflag:$0x3], $0x80, s29, s20, $0xb8;
	[tilespmem:$0x1C400] =	vst v63  }
0x6f: {  	_ =	swait.ge [sflag:s18], $0x4000  }
0x70: {  	[sflag:s18] =	ssyncset.done $0x0  }
0x71: {  	[sflag:s18] =	ssyncadd.s32 $0xFFFFC000  }
0x72: {  	[tilespmem:s17], [sflag:$0x1] =	stream.indirect.gather [hbm4b:s1+s20], $0x80, s30, s20, $0xb8;
	[tilespmem:$0x1C400] =	vst v63  }
0x73: {  	_ =	swait.ge [sflag:s23], $0x4000  }
0x74: {  	[sflag:s23] =	ssyncset.done $0x0  }
0x75: {  	[sflag:s23] =	ssyncadd.s32 $0xFFFFC000  }
0x76: {  	[spmem:s3] =	stream.indirect.scatter.add.f32 [tilespmem:s21], [sflag:$0x3], $0x80, s31, s20, $0xb8;
	[tilespmem:$0x1C400] =	vst v63  }
0x77: {  	_ =	swait.ge [sflag:s18], $0x4000  }
0x78: {  	[sflag:s18] =	ssyncset.done $0x0  }
0x79: {  	[sflag:s18] =	ssyncadd.s32 $0xFFFFC000  }
0x7a: {  	[tilespmem:s21], [sflag:$0x2] =	stream.indirect.gather [hbm4b:s1+s20], $0x80, s2, s20, $0xb8;
	[tilespmem:$0x1C400] =	vst v63  }
0x7b: {  	_ =	swait.ge [sflag:s22], $0x4000  }
0x7c: {  	[sflag:s22] =	ssyncset.done $0x0  }
0x7d: {  	[sflag:s22] =	ssyncadd.s32 $0xFFFFC000  }
0x7e: {  	[spmem:s3] =	stream.indirect.scatter.add.f32 [tilespmem:s17], [sflag:$0x3], $0x80, s0, s20, $0xb8;
	[tilespmem:$0x1C400] =	vst v63  }
0x7f: {  	_ =	swait.ge [sflag:s18], $0x4000  }
0x80: {  	[sflag:s18] =	ssyncset.done $0x0  }
0x81: {  	[sflag:s18] =	ssyncadd.s32 $0xFFFFC000  }
0x82: {  	_ =	swait.ge [sflag:s23], $0x4000  }
0x83: {  	[sflag:s23] =	ssyncset.done $0x0  }
0x84: {  	[sflag:s23] =	ssyncadd.s32 $0xFFFFC000  }
0x85: {  	[spmem:s3] =	stream.indirect.scatter.add.f32 [tilespmem:s21], [sflag:$0x3], $0x80, s7, s20, $0xb8;
	[tilespmem:$0x1C400] =	vst v63  }
0x86: {  	_ =	swait.ge [sflag:s18], $0x4000  }
0x87: {  	p1 =	sle.u32 s5, $0x1;
	[sflag:s18] =	ssyncset.done $0x0  }
0x88: {  	s8 =	simm.s32 @!p1 $0x0;
	s9 =	simm.s32 @!p1 $0x3;
	[sflag:s18] =	ssyncadd.s32 $0xFFFFC000  }
0x89: {  	[tilespmem:s8], [sflag:$0x3] =	stream.linear.gather @!p1 [hbm4b:s16+s8], $0x400, $0x38;
	[tilespmem:$0x1C400] =	vst v63  }
0x8a: {  	_ =	swait.ge @!p1 [sflag:s9], $0x400  }
0x8b: {  	[sflag:s9] =	ssyncset.done @!p1 $0x0  }
0x8c: {  	p0 =	sne.s32 s5, $0x1;
	s10 =	simm.s32 @!p1 $0x400;
	[sflag:s9] =	ssyncadd.s32 @!p1 $0xFFFFFC00  }
0x8d: {  	[tilespmem:s10], [sflag:$0x3] =	stream.linear.gather @!p1 [hbm4b:s15+s8], $0x400, $0x38;
	[tilespmem:$0x1C400] =	vst v63  }
.Ltmp1:
0x8e: {  	_ =	swait.ge @!p1 [sflag:s9], $0x400;
	(pc) =	sbr.rel @!p0 .LBB2_5-.Ltmp1, $4  }
0x8f: {  	s11 =	simm.s32 @!p1 $0x80;
	[sflag:s9] =	ssyncset.done @!p1 $0x0  }
0x90: {  	s12 =	simm.s32 @!p1 $0x4800;
	[sflag:s9] =	ssyncadd.s32 @!p1 $0xFFFFFC00;
	s9 =	simm.s32 @!p1 $0x800  }
0x91: {  	[tilespmem:s9], [sflag:$0x1] =	stream.indirect.gather @!p1 [hbm4b:s1+s11], $0x80, s8, s11, $0xb8;
	[tilespmem:$0x1C400] =	vst v63  }
0x92: {  	s10 =	sadd.s32 $0x80, s16;
	s8 =	simm.s32 $0x1;
	s9 =	sadd.s32 $0x80, s15  }
.LBB2_4:
0x93: {  	[tilespmem:s12], [sflag:$0x2] =	stream.indirect.gather @!p1 [hbm4b:s1+s11], $0x80, s11, s11, $0xb8;
	[tilespmem:$0x1C400] =	vst v63  }
0x94: {  	_ =	swait.ge [sflag:s22], $0x4000  }
0x95: {  	[sflag:s22] =	ssyncset.done $0x0  }
0x96: {  	[sflag:s22] =	ssyncadd.s32 $0xFFFFC000  }
0x97: {  	[spmem:s3] =	stream.indirect.scatter.add.f32 [tilespmem:s17], [sflag:$0x3], $0x80, s19, s20, $0xb8;
	[tilespmem:$0x1C400] =	vst v63  }
0x98: {  	_ =	swait.ge [sflag:s18], $0x4000  }
0x99: {  	[sflag:s18] =	ssyncset.done $0x0  }
0x9a: {  	s13 =	rddreg [dreg:$0x4];
	[sflag:s18] =	ssyncadd.s32 $0xFFFFC000  }
0x9b: {  	[tilespmem:s17], [sflag:$0x1] =	stream.indirect.gather [hbm4b:s1+s20], $0x80, s13, s20, $0xb8;
	[tilespmem:$0x1C400] =	vst v63  }
0x9c: {  	_ =	swait.ge [sflag:s23], $0x4000  }
0x9d: {  	[sflag:s23] =	ssyncset.done $0x0  }
0x9e: {  	s12 =	rddreg [dreg:$0x5];
	[sflag:s23] =	ssyncadd.s32 $0xFFFFC000  }
0x9f: {  	[spmem:s3] =	stream.indirect.scatter.add.f32 [tilespmem:s21], [sflag:$0x3], $0x80, s12, s20, $0xb8;
	[tilespmem:$0x1C400] =	vst v63  }
0xa0: {  	_ =	swait.ge [sflag:s18], $0x4000  }
0xa1: {  	[sflag:s18] =	ssyncset.done $0x0  }
0xa2: {  	s13 =	rddreg [dreg:$0x6];
	[sflag:s18] =	ssyncadd.s32 $0xFFFFC000  }
0xa3: {  	[tilespmem:s21], [sflag:$0x2] =	stream.indirect.gather [hbm4b:s1+s20], $0x80, s13, s20, $0xb8;
	[tilespmem:$0x1C400] =	vst v63  }
0xa4: {  	_ =	swait.ge [sflag:s22], $0x4000  }
0xa5: {  	[sflag:s22] =	ssyncset.done $0x0  }
0xa6: {  	[sflag:s22] =	ssyncadd.s32 $0xFFFFC000  }
0xa7: {  	[spmem:s3] =	stream.indirect.scatter.add.f32 [tilespmem:s17], [sflag:$0x3], $0x80, s24, s20, $0xb8;
	[tilespmem:$0x1C400] =	vst v63  }
0xa8: {  	_ =	swait.ge [sflag:s18], $0x4000  }
0xa9: {  	[sflag:s18] =	ssyncset.done $0x0  }
0xaa: {  	[sflag:s18] =	ssyncadd.s32 $0xFFFFC000  }
0xab: {  	[tilespmem:s17], [sflag:$0x1] =	stream.indirect.gather [hbm4b:s1+s20], $0x80, s25, s20, $0xb8;
	[tilespmem:$0x1C400] =	vst v63  }
0xac: {  	_ =	swait.ge [sflag:s23], $0x4000  }
0xad: {  	[sflag:s23] =	ssyncset.done $0x0  }
0xae: {  	[sflag:s23] =	ssyncadd.s32 $0xFFFFC000  }
0xaf: {  	[spmem:s3] =	stream.indirect.scatter.add.f32 [tilespmem:s21], [sflag:$0x3], $0x80, s26, s20, $0xb8;
	[tilespmem:$0x1C400] =	vst v63  }
0xb0: {  	_ =	swait.ge [sflag:s18], $0x4000  }
0xb1: {  	[sflag:s18] =	ssyncset.done $0x0  }
0xb2: {  	[sflag:s18] =	ssyncadd.s32 $0xFFFFC000  }
0xb3: {  	[tilespmem:s21], [sflag:$0x2] =	stream.indirect.gather [hbm4b:s1+s20], $0x80, s28, s20, $0xb8;
	[tilespmem:$0x1C400] =	vst v63  }
0xb4: {  	_ =	swait.ge [sflag:s22], $0x4000  }
0xb5: {  	[sflag:s22] =	ssyncset.done $0x0  }
0xb6: {  	[sflag:s22] =	ssyncadd.s32 $0xFFFFC000  }
0xb7: {  	[spmem:s3] =	stream.indirect.scatter.add.f32 [tilespmem:s17], [sflag:$0x3], $0x80, s29, s20, $0xb8;
	[tilespmem:$0x1C400] =	vst v63  }
0xb8: {  	_ =	swait.ge [sflag:s18], $0x4000  }
0xb9: {  	[sflag:s18] =	ssyncset.done $0x0  }
0xba: {  	[sflag:s18] =	ssyncadd.s32 $0xFFFFC000  }
0xbb: {  	[tilespmem:s17], [sflag:$0x1] =	stream.indirect.gather [hbm4b:s1+s20], $0x80, s30, s20, $0xb8;
	[tilespmem:$0x1C400] =	vst v63  }
0xbc: {  	_ =	swait.ge [sflag:s23], $0x4000  }
0xbd: {  	[sflag:s23] =	ssyncset.done $0x0  }
0xbe: {  	[sflag:s23] =	ssyncadd.s32 $0xFFFFC000  }
0xbf: {  	[spmem:s3] =	stream.indirect.scatter.add.f32 [tilespmem:s21], [sflag:$0x3], $0x80, s31, s20, $0xb8;
	[tilespmem:$0x1C400] =	vst v63  }
0xc0: {  	_ =	swait.ge [sflag:s18], $0x4000  }
0xc1: {  	[sflag:s18] =	ssyncset.done $0x0  }
0xc2: {  	[sflag:s18] =	ssyncadd.s32 $0xFFFFC000  }
0xc3: {  	[tilespmem:s21], [sflag:$0x2] =	stream.indirect.gather [hbm4b:s1+s20], $0x80, s2, s20, $0xb8;
	[tilespmem:$0x1C400] =	vst v63  }
0xc4: {  	_ =	swait.ge [sflag:s22], $0x4000  }
0xc5: {  	[sflag:s22] =	ssyncset.done $0x0  }
0xc6: {  	[sflag:s22] =	ssyncadd.s32 $0xFFFFC000  }
0xc7: {  	[spmem:s3] =	stream.indirect.scatter.add.f32 [tilespmem:s17], [sflag:$0x3], $0x80, s0, s20, $0xb8;
	[tilespmem:$0x1C400] =	vst v63  }
0xc8: {  	_ =	swait.ge [sflag:s18], $0x4000  }
0xc9: {  	[sflag:s18] =	ssyncset.done $0x0  }
0xca: {  	[sflag:s18] =	ssyncadd.s32 $0xFFFFC000  }
0xcb: {  	_ =	swait.ge [sflag:s23], $0x4000  }
0xcc: {  	[sflag:s23] =	ssyncset.done $0x0  }
0xcd: {  	[sflag:s23] =	ssyncadd.s32 $0xFFFFC000  }
0xce: {  	[spmem:s3] =	stream.indirect.scatter.add.f32 [tilespmem:s21], [sflag:$0x3], $0x80, s7, s20, $0xb8;
	[tilespmem:$0x1C400] =	vst v63  }
0xcf: {  	s8 =	sadd.s32 $0x1, s8;
	_ =	swait.ge [sflag:s18], $0x4000  }
0xd0: {  	p1 =	sge.u32 s8, s5;
	[sflag:s18] =	ssyncset.done $0x0  }
0xd1: {  	s11 =	simm.s32 @!p1 $0x3;
	s12 =	simm.s32 @!p1 $0x0;
	[sflag:s18] =	ssyncadd.s32 $0xFFFFC000  }
0xd2: {  	[tilespmem:s12], [sflag:$0x3] =	stream.linear.gather @!p1 [hbm4b:s10+s12], $0x400, $0x38;
	[tilespmem:$0x1C400] =	vst v63  }
0xd3: {  	_ =	swait.ge @!p1 [sflag:s11], $0x400  }
0xd4: {  	[sflag:s11] =	ssyncset.done @!p1 $0x0  }
0xd5: {  	p0 =	sne.s32 s5, s8;
	s13 =	simm.s32 @!p1 $0x400;
	[sflag:s11] =	ssyncadd.s32 @!p1 $0xFFFFFC00  }
0xd6: {  	[tilespmem:s13], [sflag:$0x3] =	stream.linear.gather @!p1 [hbm4b:s9+s12], $0x400, $0x38;
	[tilespmem:$0x1C400] =	vst v63  }
.Ltmp2:
0xd7: {  	_ =	swait.ge @!p1 [sflag:s11], $0x400;
	(pc) =	sbr.rel @p0 .LBB2_4-.Ltmp2, $4  }
0xd8: {  	[sflag:s11] =	ssyncset.done @!p1 $0x0  }
0xd9: {  	s13 =	simm.s32 @!p1 $0x800;
	[sflag:s11] =	ssyncadd.s32 @!p1 $0xFFFFFC00;
	s11 =	simm.s32 @!p1 $0x80  }
0xda: {  	[tilespmem:s13], [sflag:$0x1] =	stream.indirect.gather @!p1 [hbm4b:s1+s11], $0x80, s12, s11, $0xb8;
	[tilespmem:$0x1C400] =	vst v63  }
0xdb: {  	s10 =	sadd.s32 $0x80, s10;
	s9 =	sadd.s32 $0x80, s9;
	s12 =	simm.s32 @!p1 $0x4800  }
.LBB2_5:
0xdc: {  	[tilespmem:s12], [sflag:$0x2] =	stream.indirect.gather @!p1 [hbm4b:s1+s11], $0x80, s11, s11, $0xb8;
	[tilespmem:$0x1C400] =	vst v63  }
0xdd: {  	s8 =	stileid.u32;
	s9 =	sshrl.u32 s6, $0x3;
	s4 =	sadd.s32 $0x1, s4  }
0xde: {  	s8 =	sshll.u32 s8, $0x6;
	[bflag:$0x0] =	sbarrier.arrive $0xFFFF;
	p0 =	sne.s32 s4, s14  }
.Ltmp3:
0xdf: {  	s8 =	sor.u32 $0x1C03, s8;
	s10 =	rddreg [dreg:$0xd];
	(pc) =	sbr.rel @p0 .LBB2_1-.Ltmp3, $4  }
0xe0: {  	[hbm:s10], [sflag:s8] =	dma.local [spmem:s9], $0x2780  }
0xe1: {  	_ =	swait.ge [sflag:s18], $0x2780  }
0xe2: {  	[sflag:s18] =	ssyncset.done $0x0  }
0xe3: {  	[sflag:s18] =	ssyncadd.s32 $0xFFFFD880  }
0xe4: {  	_ =	sfence.sel $0x180000  }
0xe5: {  	[bflag:$0x0] =	sbarrier.arrive $0xFFFF  }
0xe6: {  	_ =	strace $0x90000047  }
0xe7: {  	s0 =	stileid.u32;
	[bflag:$0x2] =	sbarrier.arrive $0xFFFF  }
0xe8: {  	p0 =	sne.s32 s0, $0x0;
	s0 =	rddreg [dreg:$0x3]  }
0xe9: {  	s0 =	sadd.s32 @!p0 $0x100000, s0  }
0xea: {  	[sflag:s0] =	ssyncadd.tile.s32 @!p0 $0x1;
	_ =	shalt  }
.Lfunc_end2:
_tile_overlayer_lowered:
.L_overlay_start_2:
0xeb: {  	(tag) =	ssettag $0x2  }
0xec: {  	s0 =	rddreg [dreg:$0x0];
	s2 =	stileid.u32  }
0xed: {  	s1 =	rddreg [dreg:$0x1];
	p0 =	sne.s32 s2, $0x0  }
0xee: {  	s3 =	rddreg [dreg:$0x2];
	[bflag:$0x3] =	sbarrier.arrive $0xFFFF;
	s2 =	simm.s32 @!p0 $0x1C03  }
0xef: {  	[timem:s3], [sflag:s2] =	dma.local @!p0 [hbm:s0], s1  }
0xf0: {  	s0 =	simm.s32 @!p0 $0x3  }
0xf1: {  	_ =	swait.ge @!p0 [sflag:s0], s1  }
0xf2: {  	s1 =	ssub.s32 @!p0 $0x0, s1;
	[sflag:s0] =	ssyncset.done @!p0 $0x0  }
0xf3: {  	[sflag:s0] =	ssyncadd.s32 @!p0 s1  }
0xf4: {  	[bflag:$0x3] =	sbarrier.arrive $0xFFFF  }
0xf5: {  	_ =	shalt  }

// kernel: kernel.14.cloned.1.call-start
scs
__scs_entry_jumppad:
0x0: {  	(pc) =	sbr.rel $0x88, $3  }
0x1: {  	(tag) =	ssettag $0x0;
	lr =	simm.s32 $0x1  }
0x2: {  	[smem:$0x3F9B] =	sst lr;
	_ =	strace $0xD0000000  }
0x3: {  	_ = 	snop  }
0x4: {  	_ = 	snop  }
0x5: {  	_ = 	snop  }
0x6: {  	_ = 	snop  }
0x7: {  	_ = 	snop  }
__scs_overlays_trampoline_lowered:
0x8: {  	[smem:$0x3FAA] =	sst s0  }
0x9: {  	[smem:$0x3FAB] =	sst s1  }
0xa: {  	[smem:$0x3FAC] =	sst s2  }
0xb: {  	[smem:$0x3FAD] =	sst s3  }
0xc: {  	[smem:$0x3FAE] =	sst s4  }
0xd: {  	[smem:$0x3FAF] =	sst s5  }
0xe: {  	[smem:$0x3FB0] =	sst s6  }
0xf: {  	[smem:$0x3FB1] =	sst s7  }
0x10: {  	[smem:$0x3FB2] =	sst s8  }
0x11: {  	[smem:$0x3FB3] =	sst s9;
	s0 =	simm.s32 @!p0 $0x0  }
0x12: {  	s1 =	sld [smem:$0x3F99];
	s0 =	simm.s32 @p0 $0x1  }
0x13: {  	[smem:$0x3FB4] =	sst s0;
	s0 =	simm.s32 @!p1 $0x0  }
0x14: {  	s2 =	sld [smem:$0x3F98];
	s0 =	simm.s32 @p1 $0x1  }
0x15: {  	[smem:$0x3FB5] =	sst s0;
	s0 =	simm.s32 @!p2 $0x0  }
0x16: {  	s3 =	sld [smem:$0x3FDB];
	s0 =	simm.s32 @p2 $0x1  }
0x17: {  	s4 =	simm.s32 $0x1BF5;
	[smem:$0x3FB7] =	sst s0  }
0x18: {  	s0 =	sld [smem:$0x3F9A];
	_ =	swait.ge [sflag:s4], $0x0  }
0x19: {  	s7 =	sld [smem:$0x3F9B]  }
0x1a: {  	s8 =	sadd.s32 $0xFFFFE003, lr  }
0x1b: {  	s9 =	sadd.s32 $0xFFFFFEF7, lr;
	s5 =	simm.s32 $0xFFFFFFFF;
	p2 =	slt.u32 s8, $0xFFFFF086  }
0x1c: {  	p1 =	slt.u32 s9, $0xF7A;
	s5 =	simm.s32 @!p2 $0x0  }
0x1d: {  	s5 =	simm.s32 @p1 $0x1;
	p0 =	seq.s32 s7, s2  }
0x1e: {  	s7 =	smul.u32 @!p0 $0xF7A, s2;
	p2 =	seq.s32 @!p0 s5, $0x0  }
0x1f: {  	s9 =	smul.u32 $0xF7A, s1;
	s8 =	simm.s32 @!p0 $0x1BF5;
	p2 =	por !p2, p0  }
0x20: {  	[sflag:s8] =	ssyncset.s32 @!p0 $0xFFFFF086;
	s6 =	sadd.s32 @!p0 s3, s7;
	s7 =	simm.s32 @!p0 $0x108  }
0x21: {  	s3 =	sadd.s32 s3, s9;
	s6 =	sadd.s32 @!p0 $0x88, s6;
	s7 =	simm.s32 @p2 $0x1082  }
0x22: {  	[simem:s7], [sflag:s8] =	dma.local @!p0 [hbm:s6], $0xF7A  }
0x23: {  	s9 =	sor.u32 $0xD0000000, s2;
	s6 =	simm.s32 $0x108;
	_ =	swait.ge @!p0 [sflag:s8], $0x0  }
0x24: {  	s3 =	sadd.s32 $0x88, s3;
	s6 =	simm.s32 @!p1 $0x1082;
	[sflag:s4] =	ssyncset.s32 $0xFFFFF086  }
0x25: {  	[simem:s6], [sflag:s4] =	dma.local [hbm:s3], $0xF7A  }
0x26: {  	[smem:$0x3F9B] =	sst s1;
	(tag) =	ssettag s2;
	_ =	strace s9  }
0x27: {  	s1 =	sld [smem:$0x3FAB]  }
0x28: {  	s2 =	sld [smem:$0x3FAC]  }
0x29: {  	s4 =	sld [smem:$0x3FAE]  }
0x2a: {  	p0 =	seq.s32 s5, $0x0;
	s5 =	sld [smem:$0x3FAF]  }
0x2b: {  	s6 =	sld [smem:$0x3FB0]  }
0x2c: {  	s7 =	sld [smem:$0x3FB1]  }
0x2d: {  	s3 =	simm.s32 $0x108;
	s8 =	sld [smem:$0x3FB2]  }
0x2e: {  	s3 =	simm.s32 @!p0 $0x1082;
	s9 =	sld [smem:$0x3FB3]  }
0x2f: {  	lr =	sadd.s32 s0, s3;
	s0 =	sld [smem:$0x3FAA]  }
0x30: {  	s3 =	sld [smem:$0x3FAD]  }
0x31: {  	[smem:$0x3FB6] =	sst s10  }
0x32: {  	s10 =	sld [smem:$0x3FB4];
	_ =	sdelay $0x3  }
0x33: {  	p0 =	seq.s32 s10, $0x1;
	s10 =	sld [smem:$0x3FB6];
	_ =	sdelay $0x3  }
0x34: {  	[smem:$0x3FB6] =	sst s10  }
0x35: {  	s10 =	sld [smem:$0x3FB5];
	_ =	sdelay $0x3  }
0x36: {  	p1 =	seq.s32 s10, $0x1;
	s10 =	sld [smem:$0x3FB6];
	_ =	sdelay $0x3  }
0x37: {  	[smem:$0x3FB6] =	sst s10  }
0x38: {  	s10 =	sld [smem:$0x3FB7]  }
0x39: {  	_ = 	snop;
	(pc) =	sbr.ind lr, $3  }
0x3a: {  	_ = 	snop  }
0x3b: {  	_ = 	snop  }
0x3c: {  	p2 =	seq.s32 s10, $0x1;
	s10 =	sld [smem:$0x3FB6]  }
0x3d: {  	_ =	shalt  }
0x3e: {  	_ =	shalt  }
0x3f: {  	_ =	shalt  }
0x40: {  	_ =	shalt  }
0x41: {  	_ =	shalt  }
0x42: {  	_ =	shalt  }
0x43: {  	_ =	shalt  }
0x44: {  	_ =	shalt  }
0x45: {  	_ =	shalt  }
0x46: {  	_ =	shalt  }
0x47: {  	_ =	shalt  }
0x48: {  	_ =	shalt  }
0x49: {  	_ =	shalt  }
0x4a: {  	_ =	shalt  }
0x4b: {  	_ =	shalt  }
0x4c: {  	_ =	shalt  }
0x4d: {  	_ =	shalt  }
0x4e: {  	_ =	shalt  }
0x4f: {  	_ =	shalt  }
0x50: {  	_ =	shalt  }
0x51: {  	_ =	shalt  }
0x52: {  	_ =	shalt  }
0x53: {  	_ =	shalt  }
0x54: {  	_ =	shalt  }
0x55: {  	_ =	shalt  }
0x56: {  	_ =	shalt  }
0x57: {  	_ =	shalt  }
0x58: {  	_ =	shalt  }
0x59: {  	_ =	shalt  }
0x5a: {  	_ =	shalt  }
0x5b: {  	_ =	shalt  }
0x5c: {  	_ =	shalt  }
0x5d: {  	_ =	shalt  }
0x5e: {  	_ =	shalt  }
0x5f: {  	_ =	shalt  }
0x60: {  	_ =	shalt  }
0x61: {  	_ =	shalt  }
0x62: {  	_ =	shalt  }
0x63: {  	_ =	shalt  }
0x64: {  	_ =	shalt  }
0x65: {  	_ =	shalt  }
0x66: {  	_ =	shalt  }
0x67: {  	_ =	shalt  }
0x68: {  	_ =	shalt  }
0x69: {  	_ =	shalt  }
0x6a: {  	_ =	shalt  }
0x6b: {  	_ =	shalt  }
0x6c: {  	_ =	shalt  }
0x6d: {  	_ =	shalt  }
0x6e: {  	_ =	shalt  }
0x6f: {  	_ =	shalt  }
0x70: {  	_ =	shalt  }
0x71: {  	_ =	shalt  }
0x72: {  	_ =	shalt  }
0x73: {  	_ =	shalt  }
0x74: {  	_ =	shalt  }
0x75: {  	_ =	shalt  }
0x76: {  	_ =	shalt  }
0x77: {  	_ =	shalt  }
0x78: {  	_ =	shalt  }
0x79: {  	_ =	shalt  }
0x7a: {  	_ =	shalt  }
0x7b: {  	_ =	shalt  }
0x7c: {  	_ =	shalt  }
0x7d: {  	_ =	shalt  }
0x7e: {  	_ =	shalt  }
0x7f: {  	_ =	shalt  }
0x80: {  	_ =	shalt  }
0x81: {  	_ =	shalt  }
0x82: {  	_ =	shalt  }
0x83: {  	_ =	shalt  }
0x84: {  	_ =	shalt  }
0x85: {  	_ =	shalt  }
0x86: {  	_ =	shalt  }
0x87: {  	_ =	shalt  }
.Lfunc_end0:
.L_simem_size_0:
called_computation.2_lowered:
.L_overlay_start_0:
0x88: {  	s2 =	sld [smem:$0x3FD9]  }
0x89: {  	s3 =	sld [smem:$0x3FFE];
	_ =	sdelay $0x1  }
0x8a: {  	s1 =	srdreg.scid  }
0x8b: {  	s0 =	sand.u32 $0x1, s1  }
0x8c: {  	s17 =	sshll.u32 s0, $0xA;
	s2 =	sadd.s32 s3, s2  }
0x8d: {  	s2 =	sadd.s32 s2, s17  }
0x8e: {  	[smem:$0x3FC2] =	sst s2  }
0x8f: {  	_ = 	snop  }
0x90: {  	s2 =	sld [smem:$0x3FD0];
	(tm) =	ssettm $0x1  }
0x91: {  	s18 =	sld [smem:$0x3FFB];
	_ =	sdelay $0x3  }
0x92: {  	_ =	strace s18  }
0x93: {  	s3 =	sld [smem:$0x3FFC];
	_ =	sdelay $0x3  }
0x94: {  	_ =	strace s3  }
0x95: {  	s3 =	sld [smem:$0x3FFD];
	_ =	sdelay $0x3  }
0x96: {  	_ =	strace s3  }
0x97: {  	_ =	strace $0x8FFFFFFF  }
0x98: {  	s19 =	sld [smem:$0x3FDB];
	_ =	sdelay $0x1  }
0x99: {  	s4 =	simm.s32 $_scs_section_size  }
0x9a: {  	s5 =	simm.s32 $_size__tile_overlayer_lowered;
	s6 =	simm.s32 $_tile_overlayer_lowered  }
0x9b: {  	s22 =	simm.s32 $0x1BFF;
	s21 =	sshll.u32 s6, $0x1;
	s3 =	sadd.s32 s4, s19  }
0x9c: {  	s7 =	simm.s32 $0x0;
	s20 =	sshll.u32 s5, $0x1;
	s5 =	sadd.s32 s21, s3  }
0x9d: {  	[timem:s7], [sflag:s22] =	dma.local [hbm:s5], s20  }
0x9e: {  	_ =	swait.ge [sflag:s22], s20  }
0x9f: {  	s4 =	ssub.s32 $0x0, s20;
	[sflag:s22] =	ssyncset.done $0x0  }
0xa0: {  	[sflag:s22] =	ssyncadd.s32 s4;
	_ =	sdelay $0x1  }
0xa1: {  	s23 =	simm.s32 $0x1B8B  }
0xa2: {  	_ =	swait.ge [sflag:s23], $0x1  }
0xa3: {  	[sflag:s23] =	ssyncset.done $0x0  }
0xa4: {  	s25 =	simm.s32 $0x1B8E;
	s24 =	sld [smem:$0x3FFE];
	[sflag:s23] =	ssyncadd.s32 $0xFFFFFFFF  }
0xa5: {  	s26 =	simm.s32 $execute0_lowered;
	[smem:$0x3FD2] =	sst s25  }
0xa6: {  	s5 =	sshll.u32 s26, $0x1;
	_ =	strace $0x8000004C;
	[dreg:$0x1] =	wrdreg $0xFFFFFFFF  }
0xa7: {  	s28 =	simm.s32 $_size_execute0_lowered;
	s3 =	sadd.s32 s3, s5;
	[dreg:$0x0] =	wrdreg $0x0  }
0xa8: {  	s5 =	sshll.u32 s28, $0x1;
	[dreg:$0x2] =	wrdreg s3  }
0xa9: {  	[dreg:$0x3] =	wrdreg s5  }
0xaa: {  	[dreg:$0x4] =	wrdreg $0xC0  }
0xab: {  	_ =	task [dreg:s7], $0x5FFFF  }
0xac: {  	[dreg:$0x1] =	wrdreg $0xFFFFFFFF  }
0xad: {  	[dreg:$0x0] =	wrdreg $0x60  }
0xae: {  	[dreg:$0x2] =	wrdreg s2  }
0xaf: {  	[dreg:$0x3] =	wrdreg s24  }
0xb0: {  	[dreg:$0x4] =	wrdreg $0x88000  }
0xb1: {  	[dreg:$0x5] =	wrdreg $0x9  }
0xb2: {  	_ =	task.clear_ibuf [dreg:s7], $0x6FFFF;
	_ =	strace $0x9000004C  }
0xb3: {  	s29 =	simm.s32 $0x9;
	_ =	strace $0x8000004E  }
0xb4: {  	_ =	swait.ge [sflag:s29], $0x1  }
0xb5: {  	[sflag:s29] =	ssyncadd.s32 $0xFFFFFFFF  }
0xb6: {  	_ =	strace $0x9000004E  }
0xb7: {  	_ =	sfence  }
0xb8: {  	s30 =	sld [smem:$0x0];
	_ =	sdelay $0x2  }
0xb9: {  	s31 =	sshll.u32 s1, $0xD;
	s1 =	sshrl.u32 s1, $0x2  }
0xba: {  	s3 =	sand.u32 $0x4000, s31;
	s1 =	sadd.s32 s1, s30  }
0xbb: {  	s0 =	sor.u32 s3, s0;
	s1 =	sshll.u32 s1, $0x11  }
0xbc: {  	s0 =	sor.u32 s1, s0  }
0xbd: {  	s0 =	sadd.s32 $0x8F2B, s0  }
0xbe: {  	[sflag:s0] =	ssyncadd.remote.s32 $0x1  }
0xbf: {  	_ =	sfence.sel $0xFFFF  }
0xc0: {  	[dreg:$0x0] =	wrdreg $0xFFFFFFFF;
	(pc) =	sbr.abs _section_cstart, $3  }
0xc1: {  	[dreg:$0x1] =	wrdreg $0xFFFFFFFF  }
0xc2: {  	_ =	task.clear_ibuf [dreg:s7], $0x2FFFF;
	_ =	strace $0x9FFFFFFF  }
0xc3: {  	(tm) =	ssettm $0x7FFFFFFF  }
tec
execute0_lowered:
.L_overlay_start_1:
0x0: {  	(tag) =	ssettag $0x1  }
0x1: {  	s1 =	rddreg [dreg:$0x0]  }
0x2: {  	s0 =	rddreg [dreg:$0x1];
	s2 =	srdreg.scid  }
0x3: {  	s9 =	stileid.u32;
	s3 =	rddreg [dreg:$0x2];
	s4 =	simm.s32 $0x0  }
0x4: {  	s24 =	simm.s32 $0x100;
	s25 =	simm.s32 $0x480;
	s26 =	simm.s32 $0x180  }
0x5: {  	s28 =	simm.s32 $0x280;
	s29 =	simm.s32 $0x600;
	s30 =	simm.s32 $0x300  }
0x6: {  	s31 =	simm.s32 $0x680;
	s2 =	sand.u32 $0x1, s2;
	s5 =	smul.u32 $0x98, s9  }
0x7: {  	s7 =	sshll.u32 s9, $0x3;
	s8 =	smul.u32 $0x13C00, s9;
	[smem:$0x7FF] =	sst s4  }
0x8: {  	s16 =	smul.u32 $0x4F000, s9;
	_ =	strace $0x8000004D;
	[dreg:$0x4] =	wrdreg s24  }
0x9: {  	s6 =	smul.u32 $0x13C000, s2;
	p0 =	seq.s32 s2, $0x0;
	[dreg:$0x5] =	wrdreg s25  }
0xa: {  	s7 =	sor.u32 $0x980, s7;
	s2 =	ssub.s32 $0x2, s2;
	[dreg:$0x6] =	wrdreg s26  }
0xb: {  	s24 =	simm.s32 $0x500;
	s25 =	simm.s32 $0x200;
	s26 =	simm.s32 $0x580  }
0xc: {  	s7 =	smov.u32 @p0 s5;
	s18 =	sshrl.u32 s2, $0x1;
	s14 =	sadd.s32 s8, s6  }
0xd: {  	s15 =	sshll.u32 s7, $0x4;
	s7 =	sshrl.u32 s16, $0x2;
	s2 =	ssub.s32 s2, s18  }
0xe: {  	s18 =	simm.s32 $0x3;
	s5 =	sshrl.u32 s14, $0x3;
	s6 =	sadd.s32 s7, s3  }
0xf: {  	s17 =	sadd.s32 s15, s0;
	s14 =	smax.u32 s2, $0x1;
	s7 =	sadd.s32 $0x4000, s6  }
0x10: {  	s2 =	simm.s32 $0x380;
	s19 =	sadd.s32 $0x8000, s6;
	[dreg:$0x7] =	wrdreg s7  }
0x11: {  	s0 =	sadd.s32 s5, s0;
	s20 =	sadd.s32 $0xC000, s6;
	[dreg:$0x8] =	wrdreg s19  }
0x12: {  	s5 =	simm.s32 $0x13;
	s21 =	sadd.s32 $0x10000, s6;
	[dreg:$0x9] =	wrdreg s20  }
0x13: {  	s22 =	sadd.s32 $0xC000, s17;
	s23 =	sadd.s32 $0x2000, s17;
	[dreg:$0xa] =	wrdreg s21  }
0x14: {  	s15 =	sadd.s32 $0x2080, s17;
	s16 =	sadd.s32 $0xC080, s17;
	[dreg:$0xb] =	wrdreg s22  }
0x15: {  	s17 =	simm.s32 $0x800;
	s5 =	simm.s32 @!p0 $0x1;
	[dreg:$0xc] =	wrdreg s23  }
0x16: {  	s0 =	sadd.s32 $0x64200, s0;
	s19 =	simm.s32 $0x400;
	s20 =	simm.s32 $0x80  }
0x17: {  	s21 =	simm.s32 $0x4800;
	s22 =	simm.s32 $0x1;
	s23 =	simm.s32 $0x2  }
0x18: {  	v0 =	vimm.f32 $0.0e+00;
	s7 =	simm.s32 $0x780;
	[dreg:$0xd] =	wrdreg s0;
	s0 =	simm.s32 $0x700  }
.LBB2_1:
0x19: {  	s8 =	simm.s32 $0x0;
	s9 =	simm.s32 $0x200  }
.LBB2_2:
0x1a: {  	p0 =	sne.s32 s9, $0xFE00;
	[tilespmem:s8+$0x870] =	vst v0  }
0x1b: {  	[tilespmem:s8+$0x800] =	vst v0  }
0x1c: {  	[tilespmem:s8+$0x810] =	vst v0  }
.Ltmp0:
0x1d: {  	[tilespmem:s8+$0x820] =	vst v0;
	(pc) =	sbr.rel @p0 .LBB2_2-.Ltmp0, $4  }
0x1e: {  	[tilespmem:s8+$0x830] =	vst v0  }
0x1f: {  	[tilespmem:s8+$0x840] =	vst v0  }
0x20: {  	[tilespmem:s8+$0x850] =	vst v0  }
0x21: {  	[tilespmem:s8+$0x860] =	vst v0;
	s8 =	sshra.s32 s9, $0x2;
	s9 =	sadd.s32 $0x200, s9  }
0x22: {  	[tilespmem:s8+$0x870] =	vst v0  }
0x23: {  	[tilespmem:s8+$0x800] =	vst v0  }
0x24: {  	[tilespmem:s8+$0x810] =	vst v0  }
0x25: {  	[tilespmem:s8+$0x820] =	vst v0  }
0x26: {  	[tilespmem:s8+$0x830] =	vst v0  }
0x27: {  	[tilespmem:s8+$0x840] =	vst v0  }
0x28: {  	[tilespmem:s8+$0x850] =	vst v0  }
0x29: {  	[tilespmem:s8+$0x860] =	vst v0  }
0x2a: {  	[spmem:s6] =	stream.linear.scatter [tilespmem:s17], [sflag:$0x3], $0x4000, $0x38;
	[tilespmem:$0x1C400] =	vst v63  }
0x2b: {  	_ =	swait.ge [sflag:s18], $0x4000  }
0x2c: {  	[sflag:s18] =	ssyncset.done $0x0  }
0x2d: {  	s9 =	rddreg [dreg:$0x7];
	[sflag:s18] =	ssyncadd.s32 $0xFFFFC000  }
0x2e: {  	[spmem:s9] =	stream.linear.scatter [tilespmem:s17], [sflag:$0x3], $0x4000, $0x38;
	[tilespmem:$0x1C400] =	vst v63  }
0x2f: {  	_ =	swait.ge [sflag:s18], $0x4000  }
0x30: {  	[sflag:s18] =	ssyncset.done $0x0  }
0x31: {  	s10 =	rddreg [dreg:$0x8];
	[sflag:s18] =	ssyncadd.s32 $0xFFFFC000  }
0x32: {  	[spmem:s10] =	stream.linear.scatter [tilespmem:s17], [sflag:$0x3], $0x4000, $0x38;
	[tilespmem:$0x1C400] =	vst v63  }
0x33: {  	_ =	swait.ge [sflag:s18], $0x4000  }
0x34: {  	[sflag:s18] =	ssyncset.done $0x0  }
0x35: {  	s11 =	rddreg [dreg:$0x9];
	[sflag:s18] =	ssyncadd.s32 $0xFFFFC000  }
0x36: {  	[spmem:s11] =	stream.linear.scatter [tilespmem:s17], [sflag:$0x3], $0x4000, $0x38;
	[tilespmem:$0x1C400] =	vst v63  }
0x37: {  	_ =	swait.ge [sflag:s18], $0x4000  }
0x38: {  	[sflag:s18] =	ssyncset.done $0x0  }
0x39: {  	s12 =	rddreg [dreg:$0xa];
	[sflag:s18] =	ssyncadd.s32 $0xFFFFC000  }
0x3a: {  	[spmem:s12] =	stream.linear.scatter [tilespmem:s17], [sflag:$0x3], $0x3C00, $0x38;
	[tilespmem:$0x1C400] =	vst v63  }
0x3b: {  	_ =	swait.ge [sflag:s18], $0x3C00  }
0x3c: {  	[sflag:s18] =	ssyncset.done $0x0  }
0x3d: {  	[sflag:s18] =	ssyncadd.s32 $0xFFFFC400  }
0x3e: {  	[bflag:$0x0] =	sbarrier.arrive $0xFFFF  }
0x3f: {  	s13 =	simm.s32 $0x0;
	s9 =	rddreg [dreg:$0xb]  }
0x40: {  	[tilespmem:s13], [sflag:$0x3] =	stream.linear.gather [hbm4b:s9+s13], $0x400, $0x38;
	[tilespmem:$0x1C400] =	vst v63  }
0x41: {  	_ =	swait.ge [sflag:s18], $0x400  }
0x42: {  	[sflag:s18] =	ssyncset.done $0x0  }
0x43: {  	s10 =	rddreg [dreg:$0xc];
	[sflag:s18] =	ssyncadd.s32 $0xFFFFFC00  }
0x44: {  	[tilespmem:s19], [sflag:$0x3] =	stream.linear.gather [hbm4b:s10+s13], $0x400, $0x38;
	[tilespmem:$0x1C400] =	vst v63  }
0x45: {  	_ =	swait.ge [sflag:s18], $0x400  }
0x46: {  	[sflag:s18] =	ssyncset.done $0x0  }
0x47: {  	[sflag:s18] =	ssyncadd.s32 $0xFFFFFC00  }
0x48: {  	[tilespmem:s17], [sflag:$0x1] =	stream.indirect.gather [hbm4b:s1+s20], $0x80, s13, s20, $0xb8;
	[tilespmem:$0x1C400] =	vst v63  }
0x49: {  	_ = 	snop  }
0x4a: {  	[tilespmem:s21], [sflag:$0x2] =	stream.indirect.gather [hbm4b:s1+s20], $0x80, s20, s20, $0xb8;
	[tilespmem:$0x1C400] =	vst v63  }
0x4b: {  	_ =	swait.ge [sflag:s22], $0x4000  }
0x4c: {  	[sflag:s22] =	ssyncset.done $0x0  }
0x4d: {  	[sflag:s22] =	ssyncadd.s32 $0xFFFFC000  }
0x4e: {  	[spmem:s3] =	stream.indirect.scatter.add.f32 [tilespmem:s17], [sflag:$0x3], $0x80, s19, s20, $0xb8;
	[tilespmem:$0x1C400] =	vst v63  }
0x4f: {  	_ =	swait.ge [sflag:s18], $0x4000  }
0x50: {  	[sflag:s18] =	ssyncset.done $0x0  }
0x51: {  	s11 =	rddreg [dreg:$0x4];
	[sflag:s18] =	ssyncadd.s32 $0xFFFFC000  }
0x52: {  	[tilespmem:s17], [sflag:$0x1] =	stream.indirect.gather [hbm4b:s1+s20], $0x80, s11, s20, $0xb8;
	[tilespmem:$0x1C400] =	vst v63  }
0x53: {  	_ =	swait.ge [sflag:s23], $0x4000  }
0x54: {  	[sflag:s23] =	ssyncset.done $0x0  }
0x55: {  	s12 =	rddreg [dreg:$0x5];
	[sflag:s23] =	ssyncadd.s32 $0xFFFFC000  }
0x56: {  	[spmem:s3] =	stream.indirect.scatter.add.f32 [tilespmem:s21], [sflag:$0x3], $0x80, s12, s20, $0xb8;
	[tilespmem:$0x1C400] =	vst v63  }
0x57: {  	_ =	swait.ge [sflag:s18], $0x4000  }
0x58: {  	[sflag:s18] =	ssyncset.done $0x0  }
0x59: {  	s13 =	rddreg [dreg:$0x6];
	[sflag:s18] =	ssyncadd.s32 $0xFFFFC000  }
0x5a: {  	[tilespmem:s21], [sflag:$0x2] =	stream.indirect.gather [hbm4b:s1+s20], $0x80, s13, s20, $0xb8;
	[tilespmem:$0x1C400] =	vst v63  }
0x5b: {  	_ =	swait.ge [sflag:s22], $0x4000  }
0x5c: {  	[sflag:s22] =	ssyncset.done $0x0  }
0x5d: {  	[sflag:s22] =	ssyncadd.s32 $0xFFFFC000  }
0x5e: {  	[spmem:s3] =	stream.indirect.scatter.add.f32 [tilespmem:s17], [sflag:$0x3], $0x80, s24, s20, $0xb8;
	[tilespmem:$0x1C400] =	vst v63  }
0x5f: {  	_ =	swait.ge [sflag:s18], $0x4000  }
0x60: {  	[sflag:s18] =	ssyncset.done $0x0  }
0x61: {  	[sflag:s18] =	ssyncadd.s32 $0xFFFFC000  }
0x62: {  	[tilespmem:s17], [sflag:$0x1] =	stream.indirect.gather [hbm4b:s1+s20], $0x80, s25, s20, $0xb8;
	[tilespmem:$0x1C400] =	vst v63  }
0x63: {  	_ =	swait.ge [sflag:s23], $0x4000  }
0x64: {  	[sflag:s23] =	ssyncset.done $0x0  }
0x65: {  	[sflag:s23] =	ssyncadd.s32 $0xFFFFC000  }
0x66: {  	[spmem:s3] =	stream.indirect.scatter.add.f32 [tilespmem:s21], [sflag:$0x3], $0x80, s26, s20, $0xb8;
	[tilespmem:$0x1C400] =	vst v63  }
0x67: {  	_ =	swait.ge [sflag:s18], $0x4000  }
0x68: {  	[sflag:s18] =	ssyncset.done $0x0  }
0x69: {  	[sflag:s18] =	ssyncadd.s32 $0xFFFFC000  }
0x6a: {  	[tilespmem:s21], [sflag:$0x2] =	stream.indirect.gather [hbm4b:s1+s20], $0x80, s28, s20, $0xb8;
	[tilespmem:$0x1C400] =	vst v63  }
0x6b: {  	_ =	swait.ge [sflag:s22], $0x4000  }
0x6c: {  	[sflag:s22] =	ssyncset.done $0x0  }
0x6d: {  	[sflag:s22] =	ssyncadd.s32 $0xFFFFC000  }
0x6e: {  	[spmem:s3] =	stream.indirect.scatter.add.f32 [tilespmem:s17], [sflag:$0x3], $0x80, s29, s20, $0xb8;
	[tilespmem:$0x1C400] =	vst v63  }
0x6f: {  	_ =	swait.ge [sflag:s18], $0x4000  }
0x70: {  	[sflag:s18] =	ssyncset.done $0x0  }
0x71: {  	[sflag:s18] =	ssyncadd.s32 $0xFFFFC000  }
0x72: {  	[tilespmem:s17], [sflag:$0x1] =	stream.indirect.gather [hbm4b:s1+s20], $0x80, s30, s20, $0xb8;
	[tilespmem:$0x1C400] =	vst v63  }
0x73: {  	_ =	swait.ge [sflag:s23], $0x4000  }
0x74: {  	[sflag:s23] =	ssyncset.done $0x0  }
0x75: {  	[sflag:s23] =	ssyncadd.s32 $0xFFFFC000  }
0x76: {  	[spmem:s3] =	stream.indirect.scatter.add.f32 [tilespmem:s21], [sflag:$0x3], $0x80, s31, s20, $0xb8;
	[tilespmem:$0x1C400] =	vst v63  }
0x77: {  	_ =	swait.ge [sflag:s18], $0x4000  }
0x78: {  	[sflag:s18] =	ssyncset.done $0x0  }
0x79: {  	[sflag:s18] =	ssyncadd.s32 $0xFFFFC000  }
0x7a: {  	[tilespmem:s21], [sflag:$0x2] =	stream.indirect.gather [hbm4b:s1+s20], $0x80, s2, s20, $0xb8;
	[tilespmem:$0x1C400] =	vst v63  }
0x7b: {  	_ =	swait.ge [sflag:s22], $0x4000  }
0x7c: {  	[sflag:s22] =	ssyncset.done $0x0  }
0x7d: {  	[sflag:s22] =	ssyncadd.s32 $0xFFFFC000  }
0x7e: {  	[spmem:s3] =	stream.indirect.scatter.add.f32 [tilespmem:s17], [sflag:$0x3], $0x80, s0, s20, $0xb8;
	[tilespmem:$0x1C400] =	vst v63  }
0x7f: {  	_ =	swait.ge [sflag:s18], $0x4000  }
0x80: {  	[sflag:s18] =	ssyncset.done $0x0  }
0x81: {  	[sflag:s18] =	ssyncadd.s32 $0xFFFFC000  }
0x82: {  	_ =	swait.ge [sflag:s23], $0x4000  }
0x83: {  	[sflag:s23] =	ssyncset.done $0x0  }
0x84: {  	[sflag:s23] =	ssyncadd.s32 $0xFFFFC000  }
0x85: {  	[spmem:s3] =	stream.indirect.scatter.add.f32 [tilespmem:s21], [sflag:$0x3], $0x80, s7, s20, $0xb8;
	[tilespmem:$0x1C400] =	vst v63  }
0x86: {  	_ =	swait.ge [sflag:s18], $0x4000  }
0x87: {  	p1 =	sle.u32 s5, $0x1;
	[sflag:s18] =	ssyncset.done $0x0  }
0x88: {  	s8 =	simm.s32 @!p1 $0x0;
	s9 =	simm.s32 @!p1 $0x3;
	[sflag:s18] =	ssyncadd.s32 $0xFFFFC000  }
0x89: {  	[tilespmem:s8], [sflag:$0x3] =	stream.linear.gather @!p1 [hbm4b:s16+s8], $0x400, $0x38;
	[tilespmem:$0x1C400] =	vst v63  }
0x8a: {  	_ =	swait.ge @!p1 [sflag:s9], $0x400  }
0x8b: {  	[sflag:s9] =	ssyncset.done @!p1 $0x0  }
0x8c: {  	p0 =	sne.s32 s5, $0x1;
	s10 =	simm.s32 @!p1 $0x400;
	[sflag:s9] =	ssyncadd.s32 @!p1 $0xFFFFFC00  }
0x8d: {  	[tilespmem:s10], [sflag:$0x3] =	stream.linear.gather @!p1 [hbm4b:s15+s8], $0x400, $0x38;
	[tilespmem:$0x1C400] =	vst v63  }
.Ltmp1:
0x8e: {  	_ =	swait.ge @!p1 [sflag:s9], $0x400;
	(pc) =	sbr.rel @!p0 .LBB2_5-.Ltmp1, $4  }
0x8f: {  	s11 =	simm.s32 @!p1 $0x80;
	[sflag:s9] =	ssyncset.done @!p1 $0x0  }
0x90: {  	s12 =	simm.s32 @!p1 $0x4800;
	[sflag:s9] =	ssyncadd.s32 @!p1 $0xFFFFFC00;
	s9 =	simm.s32 @!p1 $0x800  }
0x91: {  	[tilespmem:s9], [sflag:$0x1] =	stream.indirect.gather @!p1 [hbm4b:s1+s11], $0x80, s8, s11, $0xb8;
	[tilespmem:$0x1C400] =	vst v63  }
0x92: {  	s10 =	sadd.s32 $0x80, s16;
	s8 =	simm.s32 $0x1;
	s9 =	sadd.s32 $0x80, s15  }
.LBB2_4:
0x93: {  	[tilespmem:s12], [sflag:$0x2] =	stream.indirect.gather @!p1 [hbm4b:s1+s11], $0x80, s11, s11, $0xb8;
	[tilespmem:$0x1C400] =	vst v63  }
0x94: {  	_ =	swait.ge [sflag:s22], $0x4000  }
0x95: {  	[sflag:s22] =	ssyncset.done $0x0  }
0x96: {  	[sflag:s22] =	ssyncadd.s32 $0xFFFFC000  }
0x97: {  	[spmem:s3] =	stream.indirect.scatter.add.f32 [tilespmem:s17], [sflag:$0x3], $0x80, s19, s20, $0xb8;
	[tilespmem:$0x1C400] =	vst v63  }
0x98: {  	_ =	swait.ge [sflag:s18], $0x4000  }
0x99: {  	[sflag:s18] =	ssyncset.done $0x0  }
0x9a: {  	s13 =	rddreg [dreg:$0x4];
	[sflag:s18] =	ssyncadd.s32 $0xFFFFC000  }
0x9b: {  	[tilespmem:s17], [sflag:$0x1] =	stream.indirect.gather [hbm4b:s1+s20], $0x80, s13, s20, $0xb8;
	[tilespmem:$0x1C400] =	vst v63  }
0x9c: {  	_ =	swait.ge [sflag:s23], $0x4000  }
0x9d: {  	[sflag:s23] =	ssyncset.done $0x0  }
0x9e: {  	s12 =	rddreg [dreg:$0x5];
	[sflag:s23] =	ssyncadd.s32 $0xFFFFC000  }
0x9f: {  	[spmem:s3] =	stream.indirect.scatter.add.f32 [tilespmem:s21], [sflag:$0x3], $0x80, s12, s20, $0xb8;
	[tilespmem:$0x1C400] =	vst v63  }
0xa0: {  	_ =	swait.ge [sflag:s18], $0x4000  }
0xa1: {  	[sflag:s18] =	ssyncset.done $0x0  }
0xa2: {  	s13 =	rddreg [dreg:$0x6];
	[sflag:s18] =	ssyncadd.s32 $0xFFFFC000  }
0xa3: {  	[tilespmem:s21], [sflag:$0x2] =	stream.indirect.gather [hbm4b:s1+s20], $0x80, s13, s20, $0xb8;
	[tilespmem:$0x1C400] =	vst v63  }
0xa4: {  	_ =	swait.ge [sflag:s22], $0x4000  }
0xa5: {  	[sflag:s22] =	ssyncset.done $0x0  }
0xa6: {  	[sflag:s22] =	ssyncadd.s32 $0xFFFFC000  }
0xa7: {  	[spmem:s3] =	stream.indirect.scatter.add.f32 [tilespmem:s17], [sflag:$0x3], $0x80, s24, s20, $0xb8;
	[tilespmem:$0x1C400] =	vst v63  }
0xa8: {  	_ =	swait.ge [sflag:s18], $0x4000  }
0xa9: {  	[sflag:s18] =	ssyncset.done $0x0  }
0xaa: {  	[sflag:s18] =	ssyncadd.s32 $0xFFFFC000  }
0xab: {  	[tilespmem:s17], [sflag:$0x1] =	stream.indirect.gather [hbm4b:s1+s20], $0x80, s25, s20, $0xb8;
	[tilespmem:$0x1C400] =	vst v63  }
0xac: {  	_ =	swait.ge [sflag:s23], $0x4000  }
0xad: {  	[sflag:s23] =	ssyncset.done $0x0  }
0xae: {  	[sflag:s23] =	ssyncadd.s32 $0xFFFFC000  }
0xaf: {  	[spmem:s3] =	stream.indirect.scatter.add.f32 [tilespmem:s21], [sflag:$0x3], $0x80, s26, s20, $0xb8;
	[tilespmem:$0x1C400] =	vst v63  }
0xb0: {  	_ =	swait.ge [sflag:s18], $0x4000  }
0xb1: {  	[sflag:s18] =	ssyncset.done $0x0  }
0xb2: {  	[sflag:s18] =	ssyncadd.s32 $0xFFFFC000  }
0xb3: {  	[tilespmem:s21], [sflag:$0x2] =	stream.indirect.gather [hbm4b:s1+s20], $0x80, s28, s20, $0xb8;
	[tilespmem:$0x1C400] =	vst v63  }
0xb4: {  	_ =	swait.ge [sflag:s22], $0x4000  }
0xb5: {  	[sflag:s22] =	ssyncset.done $0x0  }
0xb6: {  	[sflag:s22] =	ssyncadd.s32 $0xFFFFC000  }
0xb7: {  	[spmem:s3] =	stream.indirect.scatter.add.f32 [tilespmem:s17], [sflag:$0x3], $0x80, s29, s20, $0xb8;
	[tilespmem:$0x1C400] =	vst v63  }
0xb8: {  	_ =	swait.ge [sflag:s18], $0x4000  }
0xb9: {  	[sflag:s18] =	ssyncset.done $0x0  }
0xba: {  	[sflag:s18] =	ssyncadd.s32 $0xFFFFC000  }
0xbb: {  	[tilespmem:s17], [sflag:$0x1] =	stream.indirect.gather [hbm4b:s1+s20], $0x80, s30, s20, $0xb8;
	[tilespmem:$0x1C400] =	vst v63  }
0xbc: {  	_ =	swait.ge [sflag:s23], $0x4000  }
0xbd: {  	[sflag:s23] =	ssyncset.done $0x0  }
0xbe: {  	[sflag:s23] =	ssyncadd.s32 $0xFFFFC000  }
0xbf: {  	[spmem:s3] =	stream.indirect.scatter.add.f32 [tilespmem:s21], [sflag:$0x3], $0x80, s31, s20, $0xb8;
	[tilespmem:$0x1C400] =	vst v63  }
0xc0: {  	_ =	swait.ge [sflag:s18], $0x4000  }
0xc1: {  	[sflag:s18] =	ssyncset.done $0x0  }
0xc2: {  	[sflag:s18] =	ssyncadd.s32 $0xFFFFC000  }
0xc3: {  	[tilespmem:s21], [sflag:$0x2] =	stream.indirect.gather [hbm4b:s1+s20], $0x80, s2, s20, $0xb8;
	[tilespmem:$0x1C400] =	vst v63  }
0xc4: {  	_ =	swait.ge [sflag:s22], $0x4000  }
0xc5: {  	[sflag:s22] =	ssyncset.done $0x0  }
0xc6: {  	[sflag:s22] =	ssyncadd.s32 $0xFFFFC000  }
0xc7: {  	[spmem:s3] =	stream.indirect.scatter.add.f32 [tilespmem:s17], [sflag:$0x3], $0x80, s0, s20, $0xb8;
	[tilespmem:$0x1C400] =	vst v63  }
0xc8: {  	_ =	swait.ge [sflag:s18], $0x4000  }
0xc9: {  	[sflag:s18] =	ssyncset.done $0x0  }
0xca: {  	[sflag:s18] =	ssyncadd.s32 $0xFFFFC000  }
0xcb: {  	_ =	swait.ge [sflag:s23], $0x4000  }
0xcc: {  	[sflag:s23] =	ssyncset.done $0x0  }
0xcd: {  	[sflag:s23] =	ssyncadd.s32 $0xFFFFC000  }
0xce: {  	[spmem:s3] =	stream.indirect.scatter.add.f32 [tilespmem:s21], [sflag:$0x3], $0x80, s7, s20, $0xb8;
	[tilespmem:$0x1C400] =	vst v63  }
0xcf: {  	s8 =	sadd.s32 $0x1, s8;
	_ =	swait.ge [sflag:s18], $0x4000  }
0xd0: {  	p1 =	sge.u32 s8, s5;
	[sflag:s18] =	ssyncset.done $0x0  }
0xd1: {  	s11 =	simm.s32 @!p1 $0x3;
	s12 =	simm.s32 @!p1 $0x0;
	[sflag:s18] =	ssyncadd.s32 $0xFFFFC000  }
0xd2: {  	[tilespmem:s12], [sflag:$0x3] =	stream.linear.gather @!p1 [hbm4b:s10+s12], $0x400, $0x38;
	[tilespmem:$0x1C400] =	vst v63  }
0xd3: {  	_ =	swait.ge @!p1 [sflag:s11], $0x400  }
0xd4: {  	[sflag:s11] =	ssyncset.done @!p1 $0x0  }
0xd5: {  	p0 =	sne.s32 s5, s8;
	s13 =	simm.s32 @!p1 $0x400;
	[sflag:s11] =	ssyncadd.s32 @!p1 $0xFFFFFC00  }
0xd6: {  	[tilespmem:s13], [sflag:$0x3] =	stream.linear.gather @!p1 [hbm4b:s9+s12], $0x400, $0x38;
	[tilespmem:$0x1C400] =	vst v63  }
.Ltmp2:
0xd7: {  	_ =	swait.ge @!p1 [sflag:s11], $0x400;
	(pc) =	sbr.rel @p0 .LBB2_4-.Ltmp2, $4  }
0xd8: {  	[sflag:s11] =	ssyncset.done @!p1 $0x0  }
0xd9: {  	s13 =	simm.s32 @!p1 $0x800;
	[sflag:s11] =	ssyncadd.s32 @!p1 $0xFFFFFC00;
	s11 =	simm.s32 @!p1 $0x80  }
0xda: {  	[tilespmem:s13], [sflag:$0x1] =	stream.indirect.gather @!p1 [hbm4b:s1+s11], $0x80, s12, s11, $0xb8;
	[tilespmem:$0x1C400] =	vst v63  }
0xdb: {  	s10 =	sadd.s32 $0x80, s10;
	s9 =	sadd.s32 $0x80, s9;
	s12 =	simm.s32 @!p1 $0x4800  }
.LBB2_5:
0xdc: {  	[tilespmem:s12], [sflag:$0x2] =	stream.indirect.gather @!p1 [hbm4b:s1+s11], $0x80, s11, s11, $0xb8;
	[tilespmem:$0x1C400] =	vst v63  }
0xdd: {  	s8 =	stileid.u32;
	s9 =	sshrl.u32 s6, $0x3;
	s4 =	sadd.s32 $0x1, s4  }
0xde: {  	s8 =	sshll.u32 s8, $0x6;
	[bflag:$0x0] =	sbarrier.arrive $0xFFFF;
	p0 =	sne.s32 s4, s14  }
.Ltmp3:
0xdf: {  	s8 =	sor.u32 $0x1C03, s8;
	s10 =	rddreg [dreg:$0xd];
	(pc) =	sbr.rel @p0 .LBB2_1-.Ltmp3, $4  }
0xe0: {  	[hbm:s10], [sflag:s8] =	dma.local [spmem:s9], $0x2780  }
0xe1: {  	_ =	swait.ge [sflag:s18], $0x2780  }
0xe2: {  	[sflag:s18] =	ssyncset.done $0x0  }
0xe3: {  	[sflag:s18] =	ssyncadd.s32 $0xFFFFD880  }
0xe4: {  	_ =	sfence.sel $0x180000  }
0xe5: {  	[bflag:$0x0] =	sbarrier.arrive $0xFFFF  }
0xe6: {  	_ =	strace $0x9000004D  }
0xe7: {  	s0 =	stileid.u32;
	[bflag:$0x2] =	sbarrier.arrive $0xFFFF  }
0xe8: {  	p0 =	sne.s32 s0, $0x0;
	s0 =	rddreg [dreg:$0x3]  }
0xe9: {  	s0 =	sadd.s32 @!p0 $0x100000, s0  }
0xea: {  	[sflag:s0] =	ssyncadd.tile.s32 @!p0 $0x1;
	_ =	shalt  }
.Lfunc_end2:
_tile_overlayer_lowered:
.L_overlay_start_2:
0xeb: {  	(tag) =	ssettag $0x2  }
0xec: {  	s0 =	rddreg [dreg:$0x0];
	s2 =	stileid.u32  }
0xed: {  	s1 =	rddreg [dreg:$0x1];
	p0 =	sne.s32 s2, $0x0  }
0xee: {  	s3 =	rddreg [dreg:$0x2];
	[bflag:$0x3] =	sbarrier.arrive $0xFFFF;
	s2 =	simm.s32 @!p0 $0x1C03  }
0xef: {  	[timem:s3], [sflag:s2] =	dma.local @!p0 [hbm:s0], s1  }
0xf0: {  	s0 =	simm.s32 @!p0 $0x3  }
0xf1: {  	_ =	swait.ge @!p0 [sflag:s0], s1  }
0xf2: {  	s1 =	ssub.s32 @!p0 $0x0, s1;
	[sflag:s0] =	ssyncset.done @!p0 $0x0  }
0xf3: {  	[sflag:s0] =	ssyncadd.s32 @!p0 s1  }
0xf4: {  	[bflag:$0x3] =	sbarrier.arrive $0xFFFF  }
0xf5: {  	_ =	shalt  }

// kernel: kernel.8.cloned.1.call-start
scs
__scs_entry_jumppad:
0x0: {  	(pc) =	sbr.rel $0x88, $3  }
0x1: {  	(tag) =	ssettag $0x0;
	lr =	simm.s32 $0x1  }
0x2: {  	[smem:$0x3F9B] =	sst lr;
	_ =	strace $0xD0000000  }
0x3: {  	_ = 	snop  }
0x4: {  	_ = 	snop  }
0x5: {  	_ = 	snop  }
0x6: {  	_ = 	snop  }
0x7: {  	_ = 	snop  }
__scs_overlays_trampoline_lowered:
0x8: {  	[smem:$0x3FAA] =	sst s0  }
0x9: {  	[smem:$0x3FAB] =	sst s1  }
0xa: {  	[smem:$0x3FAC] =	sst s2  }
0xb: {  	[smem:$0x3FAD] =	sst s3  }
0xc: {  	[smem:$0x3FAE] =	sst s4  }
0xd: {  	[smem:$0x3FAF] =	sst s5  }
0xe: {  	[smem:$0x3FB0] =	sst s6  }
0xf: {  	[smem:$0x3FB1] =	sst s7  }
0x10: {  	[smem:$0x3FB2] =	sst s8  }
0x11: {  	[smem:$0x3FB3] =	sst s9;
	s0 =	simm.s32 @!p0 $0x0  }
0x12: {  	s1 =	sld [smem:$0x3F99];
	s0 =	simm.s32 @p0 $0x1  }
0x13: {  	[smem:$0x3FB4] =	sst s0;
	s0 =	simm.s32 @!p1 $0x0  }
0x14: {  	s2 =	sld [smem:$0x3F98];
	s0 =	simm.s32 @p1 $0x1  }
0x15: {  	[smem:$0x3FB5] =	sst s0;
	s0 =	simm.s32 @!p2 $0x0  }
0x16: {  	s3 =	sld [smem:$0x3FDB];
	s0 =	simm.s32 @p2 $0x1  }
0x17: {  	s4 =	simm.s32 $0x1BF5;
	[smem:$0x3FB7] =	sst s0  }
0x18: {  	s0 =	sld [smem:$0x3F9A];
	_ =	swait.ge [sflag:s4], $0x0  }
0x19: {  	s7 =	sld [smem:$0x3F9B]  }
0x1a: {  	s8 =	sadd.s32 $0xFFFFE003, lr  }
0x1b: {  	s9 =	sadd.s32 $0xFFFFFEF7, lr;
	s5 =	simm.s32 $0xFFFFFFFF;
	p2 =	slt.u32 s8, $0xFFFFF086  }
0x1c: {  	p1 =	slt.u32 s9, $0xF7A;
	s5 =	simm.s32 @!p2 $0x0  }
0x1d: {  	s5 =	simm.s32 @p1 $0x1;
	p0 =	seq.s32 s7, s2  }
0x1e: {  	s7 =	smul.u32 @!p0 $0xF7A, s2;
	p2 =	seq.s32 @!p0 s5, $0x0  }
0x1f: {  	s9 =	smul.u32 $0xF7A, s1;
	s8 =	simm.s32 @!p0 $0x1BF5;
	p2 =	por !p2, p0  }
0x20: {  	[sflag:s8] =	ssyncset.s32 @!p0 $0xFFFFF086;
	s6 =	sadd.s32 @!p0 s3, s7;
	s7 =	simm.s32 @!p0 $0x108  }
0x21: {  	s3 =	sadd.s32 s3, s9;
	s6 =	sadd.s32 @!p0 $0x88, s6;
	s7 =	simm.s32 @p2 $0x1082  }
0x22: {  	[simem:s7], [sflag:s8] =	dma.local @!p0 [hbm:s6], $0xF7A  }
0x23: {  	s9 =	sor.u32 $0xD0000000, s2;
	s6 =	simm.s32 $0x108;
	_ =	swait.ge @!p0 [sflag:s8], $0x0  }
0x24: {  	s3 =	sadd.s32 $0x88, s3;
	s6 =	simm.s32 @!p1 $0x1082;
	[sflag:s4] =	ssyncset.s32 $0xFFFFF086  }
0x25: {  	[simem:s6], [sflag:s4] =	dma.local [hbm:s3], $0xF7A  }
0x26: {  	[smem:$0x3F9B] =	sst s1;
	(tag) =	ssettag s2;
	_ =	strace s9  }
0x27: {  	s1 =	sld [smem:$0x3FAB]  }
0x28: {  	s2 =	sld [smem:$0x3FAC]  }
0x29: {  	s4 =	sld [smem:$0x3FAE]  }
0x2a: {  	p0 =	seq.s32 s5, $0x0;
	s5 =	sld [smem:$0x3FAF]  }
0x2b: {  	s6 =	sld [smem:$0x3FB0]  }
0x2c: {  	s7 =	sld [smem:$0x3FB1]  }
0x2d: {  	s3 =	simm.s32 $0x108;
	s8 =	sld [smem:$0x3FB2]  }
0x2e: {  	s3 =	simm.s32 @!p0 $0x1082;
	s9 =	sld [smem:$0x3FB3]  }
0x2f: {  	lr =	sadd.s32 s0, s3;
	s0 =	sld [smem:$0x3FAA]  }
0x30: {  	s3 =	sld [smem:$0x3FAD]  }
0x31: {  	[smem:$0x3FB6] =	sst s10  }
0x32: {  	s10 =	sld [smem:$0x3FB4];
	_ =	sdelay $0x3  }
0x33: {  	p0 =	seq.s32 s10, $0x1;
	s10 =	sld [smem:$0x3FB6];
	_ =	sdelay $0x3  }
0x34: {  	[smem:$0x3FB6] =	sst s10  }
0x35: {  	s10 =	sld [smem:$0x3FB5];
	_ =	sdelay $0x3  }
0x36: {  	p1 =	seq.s32 s10, $0x1;
	s10 =	sld [smem:$0x3FB6];
	_ =	sdelay $0x3  }
0x37: {  	[smem:$0x3FB6] =	sst s10  }
0x38: {  	s10 =	sld [smem:$0x3FB7]  }
0x39: {  	_ = 	snop;
	(pc) =	sbr.ind lr, $3  }
0x3a: {  	_ = 	snop  }
0x3b: {  	_ = 	snop  }
0x3c: {  	p2 =	seq.s32 s10, $0x1;
	s10 =	sld [smem:$0x3FB6]  }
0x3d: {  	_ =	shalt  }
0x3e: {  	_ =	shalt  }
0x3f: {  	_ =	shalt  }
0x40: {  	_ =	shalt  }
0x41: {  	_ =	shalt  }
0x42: {  	_ =	shalt  }
0x43: {  	_ =	shalt  }
0x44: {  	_ =	shalt  }
0x45: {  	_ =	shalt  }
0x46: {  	_ =	shalt  }
0x47: {  	_ =	shalt  }
0x48: {  	_ =	shalt  }
0x49: {  	_ =	shalt  }
0x4a: {  	_ =	shalt  }
0x4b: {  	_ =	shalt  }
0x4c: {  	_ =	shalt  }
0x4d: {  	_ =	shalt  }
0x4e: {  	_ =	shalt  }
0x4f: {  	_ =	shalt  }
0x50: {  	_ =	shalt  }
0x51: {  	_ =	shalt  }
0x52: {  	_ =	shalt  }
0x53: {  	_ =	shalt  }
0x54: {  	_ =	shalt  }
0x55: {  	_ =	shalt  }
0x56: {  	_ =	shalt  }
0x57: {  	_ =	shalt  }
0x58: {  	_ =	shalt  }
0x59: {  	_ =	shalt  }
0x5a: {  	_ =	shalt  }
0x5b: {  	_ =	shalt  }
0x5c: {  	_ =	shalt  }
0x5d: {  	_ =	shalt  }
0x5e: {  	_ =	shalt  }
0x5f: {  	_ =	shalt  }
0x60: {  	_ =	shalt  }
0x61: {  	_ =	shalt  }
0x62: {  	_ =	shalt  }
0x63: {  	_ =	shalt  }
0x64: {  	_ =	shalt  }
0x65: {  	_ =	shalt  }
0x66: {  	_ =	shalt  }
0x67: {  	_ =	shalt  }
0x68: {  	_ =	shalt  }
0x69: {  	_ =	shalt  }
0x6a: {  	_ =	shalt  }
0x6b: {  	_ =	shalt  }
0x6c: {  	_ =	shalt  }
0x6d: {  	_ =	shalt  }
0x6e: {  	_ =	shalt  }
0x6f: {  	_ =	shalt  }
0x70: {  	_ =	shalt  }
0x71: {  	_ =	shalt  }
0x72: {  	_ =	shalt  }
0x73: {  	_ =	shalt  }
0x74: {  	_ =	shalt  }
0x75: {  	_ =	shalt  }
0x76: {  	_ =	shalt  }
0x77: {  	_ =	shalt  }
0x78: {  	_ =	shalt  }
0x79: {  	_ =	shalt  }
0x7a: {  	_ =	shalt  }
0x7b: {  	_ =	shalt  }
0x7c: {  	_ =	shalt  }
0x7d: {  	_ =	shalt  }
0x7e: {  	_ =	shalt  }
0x7f: {  	_ =	shalt  }
0x80: {  	_ =	shalt  }
0x81: {  	_ =	shalt  }
0x82: {  	_ =	shalt  }
0x83: {  	_ =	shalt  }
0x84: {  	_ =	shalt  }
0x85: {  	_ =	shalt  }
0x86: {  	_ =	shalt  }
0x87: {  	_ =	shalt  }
.Lfunc_end0:
.L_simem_size_0:
called_computation_lowered:
.L_overlay_start_0:
0x88: {  	s2 =	sld [smem:$0x3FD9]  }
0x89: {  	s3 =	sld [smem:$0x3FFE];
	_ =	sdelay $0x1  }
0x8a: {  	s1 =	srdreg.scid  }
0x8b: {  	s0 =	sand.u32 $0x1, s1  }
0x8c: {  	s17 =	sshll.u32 s0, $0xA;
	s2 =	sadd.s32 s3, s2  }
0x8d: {  	s2 =	sadd.s32 s2, s17  }
0x8e: {  	[smem:$0x3FC2] =	sst s2  }
0x8f: {  	_ = 	snop  }
0x90: {  	(tm) =	ssettm $0x1  }
0x91: {  	s18 =	sld [smem:$0x3FFB];
	_ =	sdelay $0x3  }
0x92: {  	_ =	strace s18  }
0x93: {  	s2 =	sld [smem:$0x3FFC];
	_ =	sdelay $0x3  }
0x94: {  	_ =	strace s2  }
0x95: {  	s2 =	sld [smem:$0x3FFD];
	_ =	sdelay $0x3  }
0x96: {  	_ =	strace s2  }
0x97: {  	_ =	strace $0x8FFFFFFF  }
0x98: {  	s19 =	sld [smem:$0x3FDB];
	_ =	sdelay $0x1  }
0x99: {  	s20 =	simm.s32 $_scs_section_size  }
0x9a: {  	s4 =	simm.s32 $_size__tile_overlayer_lowered;
	s5 =	simm.s32 $_tile_overlayer_lowered  }
0x9b: {  	s6 =	simm.s32 $0x1BFF;
	s21 =	sshll.u32 s5, $0x1;
	s3 =	sadd.s32 s20, s19  }
0x9c: {  	s22 =	simm.s32 $0x0;
	s4 =	sshll.u32 s4, $0x1;
	s5 =	sadd.s32 s21, s3  }
0x9d: {  	[timem:s22], [sflag:s6] =	dma.local [hbm:s5], s4  }
0x9e: {  	_ =	swait.ge [sflag:s6], s4  }
0x9f: {  	s4 =	ssub.s32 $0x0, s4;
	[sflag:s6] =	ssyncset.done $0x0  }
0xa0: {  	[sflag:s6] =	ssyncadd.s32 s4;
	_ =	sdelay $0x1  }
0xa1: {  	s23 =	simm.s32 $0x1B8B  }
0xa2: {  	_ =	swait.ge [sflag:s23], $0x1  }
0xa3: {  	[sflag:s23] =	ssyncset.done $0x0  }
0xa4: {  	[sflag:s23] =	ssyncadd.s32 $0xFFFFFFFF  }
0xa5: {  	s4 =	sld [smem:$0x0]  }
0xa6: {  	s5 =	sand.u32 $0xFFFFFFFE, s1  }
0xa7: {  	p0 =	sne.s32 s1, s5  }
0xa8: {  	s5 =	sshll.u32 @p0 s5, $0xE  }
0xa9: {  	s5 =	sadd.s32 @p0 $0x11B8D, s5;
	s6 =	sshll.u32 @p0 s4, $0x11  }
0xaa: {  	s5 =	sor.u32 @p0 s6, s5  }
0xab: {  	[sflag:s5] =	ssyncadd.remote.s32 @p0 $0x1;
	_ =	sdelay $0x1  }
0xac: {  	s5 =	simm.s32 @p0 $0x1B8D  }
0xad: {  	_ =	swait.eq @p0 [sflag:s5], $0x1  }
0xae: {  	[sflag:s5] =	ssyncadd.s32 @p0 $0xFFFFFFFF  }
0xaf: {  	s6 =	sshll.u32 @!p0 s1, $0xE  }
0xb0: {  	s6 =	sor.u32 @!p0 $0x4000, s6;
	s5 =	simm.s32 @!p0 $0x1B8D  }
0xb1: {  	s4 =	sshll.u32 @!p0 s4, $0x11;
	s6 =	sadd.s32 @!p0 $0x11B8D, s6;
	_ =	swait.eq @!p0 [sflag:s5], $0x1  }
0xb2: {  	s4 =	sor.u32 @!p0 s4, s6;
	[sflag:s5] =	ssyncadd.s32 @!p0 $0xFFFFFFFF  }
0xb3: {  	s25 =	simm.s32 $0x1B8E;
	s24 =	sld [smem:$0x3FFE];
	[sflag:s4] =	ssyncadd.remote.s32 @!p0 $0x1  }
0xb4: {  	s26 =	simm.s32 $execute0_lowered;
	[smem:$0x3FD2] =	sst s25  }
0xb5: {  	s5 =	sshll.u32 s26, $0x1;
	_ =	strace $0x80000049;
	[dreg:$0x1] =	wrdreg $0xFFFFFFFF  }
0xb6: {  	s28 =	simm.s32 $_size_execute0_lowered;
	s3 =	sadd.s32 s3, s5;
	[dreg:$0x0] =	wrdreg $0x0  }
0xb7: {  	s5 =	sshll.u32 s28, $0x1;
	[dreg:$0x2] =	wrdreg s3  }
0xb8: {  	[dreg:$0x3] =	wrdreg s5  }
0xb9: {  	[dreg:$0x4] =	wrdreg $0xC0  }
0xba: {  	_ =	task [dreg:s22], $0x5FFFF  }
0xbb: {  	[dreg:$0x1] =	wrdreg $0xFFFFFFFF  }
0xbc: {  	[dreg:$0x0] =	wrdreg $0x60  }
0xbd: {  	[dreg:$0x2] =	wrdreg s24  }
0xbe: {  	[dreg:$0x3] =	wrdreg $0x68000  }
0xbf: {  	[dreg:$0x4] =	wrdreg $0x9  }
0xc0: {  	_ =	task.clear_ibuf [dreg:s22], $0x5FFFF;
	_ =	strace $0x90000049  }
0xc1: {  	s29 =	simm.s32 $0x9;
	_ =	strace $0x8000004B  }
0xc2: {  	_ =	swait.ge [sflag:s29], $0x1  }
0xc3: {  	[sflag:s29] =	ssyncadd.s32 $0xFFFFFFFF  }
0xc4: {  	_ =	strace $0x9000004B  }
0xc5: {  	_ =	sfence  }
0xc6: {  	s30 =	sld [smem:$0x0];
	_ =	sdelay $0x2  }
0xc7: {  	s31 =	sshll.u32 s1, $0xD;
	s1 =	sshrl.u32 s1, $0x2  }
0xc8: {  	s4 =	sand.u32 $0x4000, s31;
	s1 =	sadd.s32 s1, s30  }
0xc9: {  	s0 =	sor.u32 s4, s0;
	s1 =	sshll.u32 s1, $0x11  }
0xca: {  	s0 =	sor.u32 s1, s0  }
0xcb: {  	s0 =	sadd.s32 $0x8F2B, s0  }
0xcc: {  	[sflag:s0] =	ssyncadd.remote.s32 $0x1  }
0xcd: {  	_ =	sfence.sel $0xFFFF  }
0xce: {  	[dreg:$0x0] =	wrdreg $0xFFFFFFFF;
	(pc) =	sbr.abs _section_cstart, $3  }
0xcf: {  	[dreg:$0x1] =	wrdreg $0xFFFFFFFF  }
0xd0: {  	_ =	task.clear_ibuf [dreg:s22], $0x2FFFF;
	_ =	strace $0x9FFFFFFF  }
0xd1: {  	(tm) =	ssettm $0x7FFFFFFF  }
tec
execute0_lowered:
.L_overlay_start_1:
0x0: {  	(tag) =	ssettag $0x1  }
0x1: {  	s0 =	srdreg.scid;
	s5 =	rddreg [dreg:$0x0]  }
0x2: {  	s2 =	rddreg [dreg:$0x1];
	s3 =	simm.s32 $0x0;
	s12 =	simm.s32 $0x1  }
0x3: {  	s13 =	simm.s32 $0x2800;
	s14 =	simm.s32 $0x80;
	s4 =	sand.u32 $0x1, s0  }
0x4: {  	s17 =	simm.s32 $0x0;
	s0 =	stileid.u32;
	s7 =	smul.u32 $0x13C000, s4  }
0x5: {  	[smem:$0x7FF] =	sst s3;
	s1 =	sshll.u32 s4, $0x4;
	s8 =	smul.u32 $0x13C00, s0  }
0x6: {  	s9 =	smul.u32 $0x4F000, s0;
	s29 =	ssub.s32 $0x2, s4;
	s15 =	sshll.u32 s0, $0x6  }
0x7: {  	s1 =	sor.u32 s0, s1;
	s31 =	sshrl.u32 s29, $0x1;
	s15 =	sor.u32 $0x1C01, s15  }
0x8: {  	s6 =	smul.u32 $0x500, s1;
	s1 =	rddreg [dreg:$0x2];
	_ =	strace $0x8000004A  }
0x9: {  	s7 =	sadd.s32 s8, s7;
	s30 =	sshrl.u32 s9, $0x2;
	s11 =	ssub.s32 s29, s31  }
0xa: {  	s7 =	sshrl.u32 s7, $0x3;
	s4 =	sadd.s32 s30, s2;
	s11 =	smax.u32 s11, $0x1  }
0xb: {  	s6 =	sadd.s32 s6, s5;
	s10 =	sadd.s32 s7, s5;
	s7 =	sadd.s32 $0x8000, s4  }
0xc: {  	s8 =	sadd.s32 $0xC000, s4;
	s9 =	sadd.s32 $0x10000, s4;
	s16 =	sshrl.u32 s4, $0x3  }
0xd: {  	v0 =	vimm.f32 $0.0e+00;
	v1 =	vimm.f32 $1.000000000e+00;
	s5 =	sadd.s32 $0x2000, s6;
	s6 =	sadd.s32 $0x4000, s4;
	s10 =	sadd.s32 $0x65000, s10  }
.LBB2_1:
0xe: {  	[tilespmem:s3], [sflag:$0x1] =	stream.linear.gather [hbm4b:s5+s3], $0x2800, $0x38;
	[tilespmem:$0x1A400] =	vst v63  }
0xf: {  	_ =	swait.ge [sflag:s12], $0x2800  }
0x10: {  	[sflag:s12] =	ssyncset.done $0x0  }
0x11: {  	s18 =	simm.s32 $0x0;
	s19 =	simm.s32 $0x200;
	[sflag:s12] =	ssyncadd.s32 $0xFFFFD800  }
.LBB2_2:
0x12: {  	p0 =	sne.s32 s19, $0xFE00;
	[tilespmem:s18+$0x2870] =	vst v0  }
0x13: {  	[tilespmem:s18+$0x2800] =	vst v0  }
0x14: {  	[tilespmem:s18+$0x2810] =	vst v0  }
.Ltmp0:
0x15: {  	[tilespmem:s18+$0x2820] =	vst v0;
	(pc) =	sbr.rel @p0 .LBB2_2-.Ltmp0, $4  }
0x16: {  	[tilespmem:s18+$0x2830] =	vst v0  }
0x17: {  	[tilespmem:s18+$0x2840] =	vst v0  }
0x18: {  	[tilespmem:s18+$0x2850] =	vst v0  }
0x19: {  	[tilespmem:s18+$0x2860] =	vst v0;
	s18 =	sshra.s32 s19, $0x2;
	s19 =	sadd.s32 $0x200, s19  }
0x1a: {  	[tilespmem:s18+$0x2870] =	vst v0  }
0x1b: {  	[tilespmem:s18+$0x2800] =	vst v0  }
0x1c: {  	[tilespmem:s18+$0x2810] =	vst v0  }
0x1d: {  	[tilespmem:s18+$0x2820] =	vst v0  }
0x1e: {  	[tilespmem:s18+$0x2830] =	vst v0  }
0x1f: {  	[tilespmem:s18+$0x2840] =	vst v0  }
0x20: {  	[tilespmem:s18+$0x2850] =	vst v0  }
0x21: {  	[tilespmem:s18+$0x2860] =	vst v0  }
0x22: {  	[spmem:s4] =	stream.linear.scatter [tilespmem:s13], [sflag:$0x1], $0x4000, $0x38;
	[tilespmem:$0x1A400] =	vst v63  }
0x23: {  	_ =	swait.ge [sflag:s12], $0x4000  }
0x24: {  	[sflag:s12] =	ssyncset.done $0x0  }
0x25: {  	[sflag:s12] =	ssyncadd.s32 $0xFFFFC000  }
0x26: {  	[spmem:s6] =	stream.linear.scatter [tilespmem:s13], [sflag:$0x1], $0x4000, $0x38;
	[tilespmem:$0x1A400] =	vst v63  }
0x27: {  	_ =	swait.ge [sflag:s12], $0x4000  }
0x28: {  	[sflag:s12] =	ssyncset.done $0x0  }
0x29: {  	[sflag:s12] =	ssyncadd.s32 $0xFFFFC000  }
0x2a: {  	[spmem:s7] =	stream.linear.scatter [tilespmem:s13], [sflag:$0x1], $0x4000, $0x38;
	[tilespmem:$0x1A400] =	vst v63  }
0x2b: {  	_ =	swait.ge [sflag:s12], $0x4000  }
0x2c: {  	[sflag:s12] =	ssyncset.done $0x0  }
0x2d: {  	[sflag:s12] =	ssyncadd.s32 $0xFFFFC000  }
0x2e: {  	[spmem:s8] =	stream.linear.scatter [tilespmem:s13], [sflag:$0x1], $0x4000, $0x38;
	[tilespmem:$0x1A400] =	vst v63  }
0x2f: {  	_ =	swait.ge [sflag:s12], $0x4000  }
0x30: {  	[sflag:s12] =	ssyncset.done $0x0  }
0x31: {  	[sflag:s12] =	ssyncadd.s32 $0xFFFFC000  }
0x32: {  	[spmem:s9] =	stream.linear.scatter [tilespmem:s13], [sflag:$0x1], $0x3C00, $0x38;
	[tilespmem:$0x1A400] =	vst v63  }
0x33: {  	_ =	swait.ge [sflag:s12], $0x3C00  }
0x34: {  	[sflag:s12] =	ssyncset.done $0x0  }
0x35: {  	s18 =	simm.s32 $0x0;
	s19 =	simm.s32 $0x200;
	[sflag:s12] =	ssyncadd.s32 $0xFFFFC400  }
.LBB2_4:
0x36: {  	p0 =	sne.s32 s19, $0xFE00;
	[tilespmem:s18+$0x2870] =	vst v1  }
0x37: {  	[tilespmem:s18+$0x2800] =	vst v1  }
0x38: {  	[tilespmem:s18+$0x2810] =	vst v1  }
.Ltmp1:
0x39: {  	[tilespmem:s18+$0x2820] =	vst v1;
	(pc) =	sbr.rel @p0 .LBB2_4-.Ltmp1, $4  }
0x3a: {  	[tilespmem:s18+$0x2830] =	vst v1  }
0x3b: {  	[tilespmem:s18+$0x2840] =	vst v1  }
0x3c: {  	[tilespmem:s18+$0x2850] =	vst v1  }
0x3d: {  	[tilespmem:s18+$0x2860] =	vst v1;
	s18 =	sshra.s32 s19, $0x2;
	s19 =	sadd.s32 $0x200, s19  }
0x3e: {  	[tilespmem:s18+$0x2870] =	vst v1  }
0x3f: {  	[tilespmem:s18+$0x2800] =	vst v1  }
0x40: {  	[tilespmem:s18+$0x2810] =	vst v1  }
0x41: {  	[tilespmem:s18+$0x2820] =	vst v1  }
0x42: {  	[tilespmem:s18+$0x2830] =	vst v1  }
0x43: {  	[tilespmem:s18+$0x2840] =	vst v1  }
0x44: {  	[tilespmem:s18+$0x2850] =	vst v1  }
0x45: {  	[tilespmem:s18+$0x2860] =	vst v1  }
0x46: {  	s31 =	simm.s32 $0x0;
	[bflag:$0x0] =	sbarrier.arrive $0xFFFF  }
0x47: {  	[spmem:s2] =	stream.indirect.scatter.add.f32 [tilespmem:s13], [sflag:$0x1], $0x80, s31, s14, $0xb8;
	[tilespmem:$0x1A400] =	vst v63  }
0x48: {  	_ =	swait.ge [sflag:s12], $0x4000  }
0x49: {  	s18 =	simm.s32 $0x200;
	[sflag:s12] =	ssyncset.done $0x0  }
.LBB2_6:
0x4a: {  	s19 =	sshra.s32 s18, $0x2;
	[sflag:s12] =	ssyncadd.s32 $0xFFFFC000;
	p0 =	sne.s32 s18, $0x9E00  }
0x4b: {  	[spmem:s2] =	stream.indirect.scatter.add.f32 [tilespmem:s13], [sflag:$0x1], $0x80, s19, s14, $0xb8;
	[tilespmem:$0x1A400] =	vst v63  }
.Ltmp2:
0x4c: {  	_ = 	snop;
	(pc) =	sbr.rel @p0 .LBB2_6-.Ltmp2, $4  }
0x4d: {  	_ = 	snop  }
0x4e: {  	s18 =	sadd.s32 $0x200, s18  }
0x4f: {  	_ =	swait.ge [sflag:s12], $0x4000  }
0x50: {  	[sflag:s12] =	ssyncset.done $0x0  }
0x51: {  	s17 =	sadd.s32 $0x1, s17  }
0x52: {  	[sflag:s12] =	ssyncadd.s32 $0xFFFFC000;
	p0 =	sne.s32 s17, s11  }
.Ltmp3:
0x53: {  	[bflag:$0x0] =	sbarrier.arrive $0xFFFF;
	(pc) =	sbr.rel @p0 .LBB2_1-.Ltmp3, $4  }
0x54: {  	[hbm:s10], [sflag:s15] =	dma.local [spmem:s16], $0x2780  }
0x55: {  	_ =	swait.ge [sflag:s12], $0x2780  }
0x56: {  	[sflag:s12] =	ssyncset.done $0x0  }
0x57: {  	[sflag:s12] =	ssyncadd.s32 $0xFFFFD880  }
0x58: {  	_ =	sfence.sel $0x180000  }
0x59: {  	[bflag:$0x0] =	sbarrier.arrive $0xFFFF  }
0x5a: {  	p0 =	sne.s32 s0, $0x0;
	_ =	strace $0x9000004A  }
0x5b: {  	s0 =	sadd.s32 @!p0 $0x100000, s1;
	[bflag:$0x2] =	sbarrier.arrive $0xFFFF  }
0x5c: {  	[sflag:s0] =	ssyncadd.tile.s32 @!p0 $0x1;
	_ =	shalt  }
.Lfunc_end2:
_tile_overlayer_lowered:
.L_overlay_start_2:
0x5d: {  	(tag) =	ssettag $0x2  }
0x5e: {  	s0 =	rddreg [dreg:$0x0];
	s2 =	stileid.u32  }
0x5f: {  	s1 =	rddreg [dreg:$0x1];
	p0 =	sne.s32 s2, $0x0  }
0x60: {  	s3 =	rddreg [dreg:$0x2];
	[bflag:$0x3] =	sbarrier.arrive $0xFFFF;
	s2 =	simm.s32 @!p0 $0x1C01  }
0x61: {  	[timem:s3], [sflag:s2] =	dma.local @!p0 [hbm:s0], s1  }
0x62: {  	s0 =	simm.s32 @!p0 $0x1  }
0x63: {  	_ =	swait.ge @!p0 [sflag:s0], s1  }
0x64: {  	s1 =	ssub.s32 @!p0 $0x0, s1;
	[sflag:s0] =	ssyncset.done @!p0 $0x0  }
0x65: {  	[sflag:s0] =	ssyncadd.s32 @!p0 s1  }
0x66: {  	[bflag:$0x3] =	sbarrier.arrive $0xFFFF  }
0x67: {  	_ =	shalt  }

</sc_bundles>
